<compile_context>
chip_gen: v7x
topology: tpu7x:2x2x1
jax: 0.10.2.dev20260603
libtpu: 0.0.44.dev20260713+nightly
codegen_flags: <defaults>
</compile_context>

<pallas_src>
import functools

import jax
import jax.numpy as jnp
from jax import lax
from jax.experimental import pallas as pl
from jax.experimental.pallas import tpu as pltpu
from jax.experimental.pallas import tpu_sc as plsc

E = 8
N_GROUP = 4
EPG = E // N_GROUP
ROUTED_SCALE = 2.5
Z_COEF = 0.001
BAL_COEF = 0.001

BT = 256
BD = 512
NBR = 24
NBE = 64
NW = 32


def _argmax_first(s, iota, big):
    m = jnp.max(s, axis=-1, keepdims=True)
    i = jnp.min(jnp.where(s == m, iota, big), axis=-1, keepdims=True)
    return m, i



def _router_body(nt_total, p_slots, x_ref, wr_ref, bias_ref,
                 tw_ref, p1_ref, p2_ref, xbf_ref, be_ref, aux_ref,
                 idx_scr, w_scr, bc_scr, wsum_ref, cnt_ref, z_ref):
    ph = pl.program_id(0)
    nt = pl.program_id(1)
    tsl = pl.ds(nt * BT, BT)

    @pl.when(ph == 0)
    def _phase0():
        xb = x_ref[...]
        logits = lax.dot_general(xb, wr_ref[...], (((1,), (1,)), ((), ())),
                                 preferred_element_type=jnp.float32)
        scores = jax.nn.sigmoid(logits)
        sfc = scores + bias_ref[...]

        iota_e = lax.broadcasted_iota(jnp.int32, (BT, E), 1)
        iota_g = lax.broadcasted_iota(jnp.int32, (BT, N_GROUP), 1)

        gmap = (lax.broadcasted_iota(jnp.int32, (E, N_GROUP), 0) // EPG ==
                lax.broadcasted_iota(jnp.int32, (E, N_GROUP), 1)
                ).astype(jnp.float32)
        gs = jnp.dot(sfc, gmap, preferred_element_type=jnp.float32,
                     precision=lax.Precision.HIGHEST)

        _, g1 = _argmax_first(gs, iota_g, N_GROUP)
        gs2 = jnp.where(iota_g == g1, -jnp.inf, gs)
        _, g2 = _argmax_first(gs2, iota_g, N_GROUP)

        eg = iota_e // EPG
        sm = jnp.where((eg == g1) | (eg == g2), sfc, -1.0)
        _, e1 = _argmax_first(sm, iota_e, E)
        sm2 = jnp.where(iota_e == e1, -jnp.inf, sm)
        _, e2 = _argmax_first(sm2, iota_e, E)

        h1 = (iota_e == e1).astype(jnp.float32)
        h2 = (iota_e == e2).astype(jnp.float32)
        w1 = jnp.sum(h1 * scores, axis=-1, keepdims=True)
        w2 = jnp.sum(h2 * scores, axis=-1, keepdims=True)
        denom = w1 + w2 + 1e-20
        w1 = w1 / denom * ROUTED_SCALE
        w2 = w2 / denom * ROUTED_SCALE

        h = h1 + h2
        ltri = (lax.broadcasted_iota(jnp.int32, (BT, BT), 0) >
                lax.broadcasted_iota(jnp.int32, (BT, BT), 1)
                ).astype(jnp.float32)
        csum = jnp.dot(ltri, h, preferred_element_type=jnp.float32)
        lr1 = jnp.sum(h1 * csum, axis=-1, keepdims=True)
        lr2 = jnp.sum(h2 * csum, axis=-1, keepdims=True)

        idx_scr[tsl, :] = jnp.concatenate(
            [e1, e2, lr1.astype(jnp.int32), lr2.astype(jnp.int32),
             jnp.zeros((BT, 4), jnp.int32)], axis=1)
        w_scr[tsl, :] = jnp.concatenate([w1, w2], axis=1)
        bc = jnp.sum(h, axis=0, keepdims=True)
        bc_scr[pl.ds(nt, 1), :] = bc

        @pl.when(nt == 0)
        def _():
            wsum_ref[...] = jnp.zeros_like(wsum_ref)
            cnt_ref[...] = jnp.zeros_like(cnt_ref)
            z_ref[0] = 0.0

        wsum_ref[...] += jnp.sum(h1 * w1 + h2 * w2, axis=0, keepdims=True)
        cnt_ref[...] += bc
        mx = jnp.max(logits, axis=-1, keepdims=True)
        lse = jnp.log(jnp.sum(jnp.exp(logits - mx), axis=-1,
                              keepdims=True)) + mx
        z_ref[0] += jnp.sum(lse * lse)

        @pl.when(nt == nt_total - 1)
        def _():
            t_tot = jnp.float32(nt_total * BT)
            mean_load = wsum_ref[...] / t_tot
            freq = cnt_ref[...] / t_tot
            balance = E * jnp.sum(mean_load * freq)
            aux_ref[...] = jnp.broadcast_to(
                BAL_COEF * balance + Z_COEF * (z_ref[0] / t_tot), (1, 1))

    @pl.when(ph == 1)
    def _phase1():
        bcs = bc_scr[...]
        tot = jnp.sum(bcs, axis=0, keepdims=True)
        padded = jnp.floor((tot + (BD - 1)) / BD) * BD
        umap = (lax.broadcasted_iota(jnp.int32, (E, E), 0) <
                lax.broadcasted_iota(jnp.int32, (E, E), 1)
                ).astype(jnp.float32)
        offs = jnp.dot(padded, umap, preferred_element_type=jnp.float32,
                       precision=lax.Precision.HIGHEST)
        iota_nt = lax.broadcasted_iota(jnp.int32, (bcs.shape[0], E), 0)
        runb = jnp.sum(jnp.where(iota_nt < nt, bcs, 0.0), axis=0,
                       keepdims=True)
        base = offs + runb

        idx = idx_scr[tsl, :]
        iota_e = lax.broadcasted_iota(jnp.int32, (BT, E), 1)
        h1 = (iota_e == idx[:, 0:1]).astype(jnp.float32)
        h2 = (iota_e == idx[:, 1:2]).astype(jnp.float32)
        baseb = jnp.broadcast_to(base, (BT, E))
        p1 = jnp.sum(h1 * baseb, axis=-1, keepdims=True) + \
            idx[:, 2:3].astype(jnp.float32)
        p2 = jnp.sum(h2 * baseb, axis=-1, keepdims=True) + \
            idx[:, 3:4].astype(jnp.float32)
        p1_ref[...] = p1.astype(jnp.int32)
        p2_ref[...] = p2.astype(jnp.int32)
        tw_ref[...] = w_scr[tsl, :]
        xbf_ref[...] = x_ref[...].astype(jnp.bfloat16)

        @pl.when(nt == 0)
        def _():
            cum = offs + padded
            cumb = jnp.broadcast_to(cum, (NBE, E))
            jstart = (lax.broadcasted_iota(jnp.int32, (NBE, E), 0) *
                      BD).astype(jnp.float32)
            be = jnp.sum((jstart >= cumb).astype(jnp.int32), axis=-1,
                         keepdims=True)
            be_ref[...] = jnp.minimum(be, E - 1)



def _ffn(xb, gw, uw, dw):
    gw = gw.astype(jnp.bfloat16)
    uw = uw.astype(jnp.bfloat16)
    dw = dw.astype(jnp.bfloat16)
    g = lax.dot_general(xb, gw, (((1,), (1,)), ((), ())),
                        preferred_element_type=jnp.float32)
    u = lax.dot_general(xb, uw, (((1,), (1,)), ((), ())),
                        preferred_element_type=jnp.float32)
    h = (g * jax.nn.sigmoid(g) * u).astype(jnp.bfloat16)
    return lax.dot_general(h, dw, (((1,), (1,)), ((), ())),
                           preferred_element_type=jnp.float32)


def _ffn_routed_body(be_ref, x_ref, gw_ref, uw_ref, dw_ref, out_ref):
    out_ref[...] = _ffn(x_ref[...].astype(jnp.bfloat16), gw_ref[0],
                        uw_ref[0], dw_ref[0])


def _ffn_shared_body(x_ref, gw_ref, uw_ref, dw_ref, out_ref):
    out_ref[...] = _ffn(x_ref[...], gw_ref[...], uw_ref[...], dw_ref[...])


def _combine_body(yg1_ref, yg2_ref, ysh_ref, tw_ref, out_ref):
    w1 = tw_ref[:, 0:1]
    w2 = tw_ref[:, 1:2]
    out_ref[...] = (w1 * yg1_ref[0].astype(jnp.float32) +
                    w2 * yg2_ref[0].astype(jnp.float32) + ysh_ref[...])



def _sc_wid():
    return lax.axis_index("s") * 2 + lax.axis_index("c")


def _dispatch_body(x3_hbm, p1_hbm, p2_hbm, disp_hbm,
                   i1a, i1b, i2a, i2b, xrows, s0, s1, s2):
    wid = _sc_wid()
    base = wid * 128
    pltpu.sync_copy(p1_hbm.at[pl.ds(base, 64)], i1a)
    pltpu.sync_copy(p1_hbm.at[pl.ds(base + 64, 64)], i1b)
    pltpu.sync_copy(p2_hbm.at[pl.ds(base, 64)], i2a)
    pltpu.sync_copy(p2_hbm.at[pl.ds(base + 64, 64)], i2b)
    for h, ia, ib in ((0, i1a, i2a), (64, i1b, i2b)):
        pltpu.async_copy(x3_hbm.at[pl.ds(base + h, 64)], xrows, s0).wait()
        c1 = pltpu.async_copy(xrows, disp_hbm.at[ia], s1)
        c2 = pltpu.async_copy(xrows, disp_hbm.at[ib], s2)
        c1.wait()
        c2.wait()


def _combine_gather_body(tsz, y_hbm, p1_hbm, p2_hbm, yg_hbm,
                         idx1, idx2, r0, r1, s0, s1, w0, w1):
    wid = _sc_wid()
    base = wid * 128
    pltpu.sync_copy(p1_hbm.at[pl.ds(base, 128)], idx1)
    pltpu.sync_copy(p2_hbm.at[pl.ds(base, 128)], idx2)
    rbufs = (r0, r1)
    gsems = (s0, s1)
    wsems = (w0, w1)
    chunks = []
    for k, idx in ((0, idx1), (1, idx2)):
        for c in range(4):
            chunks.append((idx.at[pl.ds(c * 32, 32)],
                           k * tsz + base + c * 32))
    gh = {}
    wh = {}
    for c, (isl, dst) in enumerate(chunks):
        if c >= 2:
            wh[c - 2].wait()
        gh[c] = pltpu.async_copy(y_hbm.at[isl], rbufs[c % 2], gsems[c % 2])
        gh[c].wait()
        wh[c] = pltpu.async_copy(rbufs[c % 2], yg_hbm.at[pl.ds(dst, 32)],
                                 wsems[c % 2])
    wh[len(chunks) - 2].wait()
    wh[len(chunks) - 1].wait()



def kernel(hidden_states, router_weight, e_score_correction_bias, gate_w,
           up_w, down_w, shared_gate_w, shared_up_w, shared_down_w):
    bsz, seq, d = hidden_states.shape
    t = bsz * seq
    i_dim = gate_w.shape[1]
    nt = t // BT
    t2 = 2 * t
    p_slots = NBR * BD
    x = hidden_states.reshape(t, d)
    bias2 = e_score_correction_bias.reshape(1, E)

    tw, p1a, p2a, x_bf, be, aux = pl.pallas_call(
        functools.partial(_router_body, nt, p_slots),
        grid=(2, nt),
        in_specs=[
            pl.BlockSpec((BT, d), lambda ph, n: (n, 0)),
            pl.BlockSpec((E, d), lambda ph, n: (0, 0)),
            pl.BlockSpec((1, E), lambda ph, n: (0, 0)),
        ],
        out_specs=[
            pl.BlockSpec((BT, 2), lambda ph, n: (n, 0)),
            pl.BlockSpec((BT, 1), lambda ph, n: (n, 0)),
            pl.BlockSpec((BT, 1), lambda ph, n: (n, 0)),
            pl.BlockSpec((BT, d), lambda ph, n: (n, 0)),
            pl.BlockSpec((NBE, 1), lambda ph, n: (0, 0)),
            pl.BlockSpec((1, 1), lambda ph, n: (0, 0)),
        ],
        out_shape=[
            jax.ShapeDtypeStruct((t, 2), jnp.float32),
            jax.ShapeDtypeStruct((t, 1), jnp.int32),
            jax.ShapeDtypeStruct((t, 1), jnp.int32),
            jax.ShapeDtypeStruct((t, d), jnp.bfloat16),
            jax.ShapeDtypeStruct((NBE, 1), jnp.int32),
            jax.ShapeDtypeStruct((1, 1), jnp.float32),
        ],
        scratch_shapes=[
            pltpu.VMEM((t, 8), jnp.int32),
            pltpu.VMEM((t, 2), jnp.float32),
            pltpu.VMEM((nt, E), jnp.float32),
            pltpu.VMEM((1, E), jnp.float32),
            pltpu.VMEM((1, E), jnp.float32),
            pltpu.SMEM((1,), jnp.float32),
        ],
    )(x, router_weight, bias2)

    mesh = plsc.VectorSubcoreMesh(core_axis_name="c", subcore_axis_name="s")
    tpw = t // NW
    p1f = p1a.reshape(t)
    p2f = p2a.reshape(t)
    disp = pl.kernel(
        _dispatch_body,
        mesh=mesh,
        compiler_params=pltpu.CompilerParams(needs_layout_passes=False),
        out_type=jax.ShapeDtypeStruct((p_slots, d), jnp.float32),
        scratch_types=[
            pltpu.VMEM((64,), jnp.int32),
            pltpu.VMEM((64,), jnp.int32),
            pltpu.VMEM((64,), jnp.int32),
            pltpu.VMEM((64,), jnp.int32),
            pltpu.VMEM((64, d), jnp.float32),
            pltpu.SemaphoreType.DMA,
            pltpu.SemaphoreType.DMA,
            pltpu.SemaphoreType.DMA,
        ],
    )(x, p1f, p2f)

    ysh = pl.pallas_call(
        _ffn_shared_body,
        grid=(nt,),
        in_specs=[
            pl.BlockSpec((BT, d), lambda n: (n, 0)),
            pl.BlockSpec((i_dim, d), lambda n: (0, 0)),
            pl.BlockSpec((i_dim, d), lambda n: (0, 0)),
            pl.BlockSpec((d, i_dim), lambda n: (0, 0)),
        ],
        out_specs=pl.BlockSpec((BT, d), lambda n: (n, 0)),
        out_shape=jax.ShapeDtypeStruct((t, d), jnp.float32),
    )(x_bf, shared_gate_w, shared_up_w, shared_down_w)

    y = pl.pallas_call(
        _ffn_routed_body,
        grid_spec=pltpu.PrefetchScalarGridSpec(
            num_scalar_prefetch=1,
            grid=(NBR,),
            in_specs=[
                pl.BlockSpec((BD, d), lambda b, be_r: (b, 0)),
                pl.BlockSpec((1, i_dim, d), lambda b, be_r: (be_r[b], 0, 0)),
                pl.BlockSpec((1, i_dim, d), lambda b, be_r: (be_r[b], 0, 0)),
                pl.BlockSpec((1, d, i_dim), lambda b, be_r: (be_r[b], 0, 0)),
            ],
            out_specs=pl.BlockSpec((BD, d), lambda b, be_r: (b, 0)),
        ),
        out_shape=jax.ShapeDtypeStruct((p_slots, d), jnp.float32),
    )(be.reshape(NBE), disp, gate_w, up_w, down_w)

    yg = pl.kernel(
        functools.partial(_combine_gather_body, t),
        mesh=mesh,
        compiler_params=pltpu.CompilerParams(needs_layout_passes=False),
        out_type=jax.ShapeDtypeStruct((t2, d), jnp.float32),
        scratch_types=[
            pltpu.VMEM((tpw,), jnp.int32),
            pltpu.VMEM((tpw,), jnp.int32),
            pltpu.VMEM((32, d), jnp.float32),
            pltpu.VMEM((32, d), jnp.float32),
            pltpu.SemaphoreType.DMA,
            pltpu.SemaphoreType.DMA,
            pltpu.SemaphoreType.DMA,
            pltpu.SemaphoreType.DMA,
        ],
    )(y, p1f, p2f)
    yg2 = yg.reshape(2, t, d)

    out = pl.pallas_call(
        _combine_body,
        grid=(nt,),
        in_specs=[
            pl.BlockSpec((1, BT, d), lambda n: (0, n, 0)),
            pl.BlockSpec((1, BT, d), lambda n: (1, n, 0)),
            pl.BlockSpec((BT, d), lambda n: (n, 0)),
            pl.BlockSpec((BT, 2), lambda n: (n, 0)),
        ],
        out_specs=pl.BlockSpec((BT, d), lambda n: (n, 0)),
        out_shape=jax.ShapeDtypeStruct((t, d), jnp.float32),
    )(yg2, yg2, ysh, tw)

    return out.reshape(bsz, seq, d), aux[0, 0]

# --- scband reference (transcript-rebuilt; emitter-appended) ---
"""Pipeline reference for scband-deepseek-v3-mo-e-86526411145672 (READ-ONLY COPY).

The authoritative reference and input builder live on the scoring server;
editing this copy changes nothing except your own understanding.
"""

import jax, jax.numpy as jnp
import numpy as np

B, S, D = 2, 2048, 1024
E = 8
TOP_K = 2
N_GROUP = 4
TOPK_GROUP = 2
EPG = E // N_GROUP
I = 512
N_SHARED = 1
I_SHARED = I * N_SHARED
ROUTED_SCALE = 2.5
NORM_TOPK = True
Z_COEF = 0.001
BAL_COEF = 0.001


def setup_inputs(seed: int = 0) -> dict:
    key = jax.random.key(seed)
    ks = jax.random.split(key, 12)
    std = 0.02
    inp = {}
    inp['hidden_states'] = jax.random.normal(ks[0], (B, S, D), dtype=jnp.float32)
    inp['router_weight'] = jax.random.normal(ks[1], (E, D), dtype=jnp.float32) * std
    inp['e_score_correction_bias'] = jnp.zeros((E,), dtype=jnp.float32)
    inp['gate_w'] = jax.random.normal(ks[2], (E, I, D), dtype=jnp.float32) * std
    inp['up_w'] = jax.random.normal(ks[3], (E, I, D), dtype=jnp.float32) * std
    inp['down_w'] = jax.random.normal(ks[4], (E, D, I), dtype=jnp.float32) * std
    inp['shared_gate_w'] = jax.random.normal(ks[5], (I_SHARED, D), dtype=jnp.float32) * std
    inp['shared_up_w'] = jax.random.normal(ks[6], (I_SHARED, D), dtype=jnp.float32) * std
    inp['shared_down_w'] = jax.random.normal(ks[7], (D, I_SHARED), dtype=jnp.float32) * std
    return inp


def _moe_forward(hidden_states, router_weight, e_score_correction_bias, gate_w, up_w, down_w, shared_gate_w, shared_up_w, shared_down_w):
    bsz, seq, d = hidden_states.shape
    x = hidden_states.reshape(-1, d)
    T = x.shape[0]
    # Router
    router_logits = x.astype(jnp.float32) @ router_weight.astype(jnp.float32).T  # [T, E]
    scores = jax.nn.sigmoid(router_logits)
    scores_for_choice = scores + e_score_correction_bias[None, :]
    # Grouped top-k selection (indices are non-differentiable, matching @torch.no_grad)
    grouped = scores_for_choice.reshape(T, N_GROUP, EPG)
    group_scores = jax.lax.top_k(grouped, 2)[0].sum(axis=-1)  # [T, n_group]
    top_group_idx = jax.lax.top_k(group_scores, TOPK_GROUP)[1]  # [T, topk_group]
    group_mask = jax.nn.one_hot(top_group_idx, N_GROUP, dtype=jnp.float32).sum(axis=1) > 0  # [T, n_group]
    expert_mask = jnp.broadcast_to(group_mask[:, :, None], (T, N_GROUP, EPG)).reshape(T, E)
    scores_masked = jnp.where(expert_mask, scores_for_choice, -1.0)
    topk_idx = jax.lax.top_k(scores_masked, TOP_K)[1]  # [T, top_k]
    topk_w = jnp.take_along_axis(scores, topk_idx, axis=1)  # gather from raw scores
    if NORM_TOPK:
        denom = topk_w.sum(axis=-1, keepdims=True) + 1e-20
        topk_w = topk_w / denom
    topk_w = topk_w * ROUTED_SCALE
    # Combine weights via scatter-add (dense dispatch, mathematically identical)
    combine = jnp.zeros((T, E), dtype=jnp.float32).at[jnp.arange(T)[:, None], topk_idx].add(topk_w)
    out = jnp.zeros((T, d), dtype=jnp.float32)
    for e in range(E):
        g = jax.nn.silu(x @ gate_w[e].T)
        u = x @ up_w[e].T
        out = out + combine[:, e:e + 1] * ((g * u) @ down_w[e].T)
    # Shared expert
    sg = jax.nn.silu(x @ shared_gate_w.T)
    su = x @ shared_up_w.T
    out = out + (sg * su) @ shared_down_w.T
    final = out.reshape(bsz, seq, d)
    # Aux losses
    oh = jax.nn.one_hot(topk_idx, E, dtype=jnp.float32)  # [T, k, E]
    load = oh * topk_w[:, :, None]
    mean_load = load.sum(axis=1).mean(axis=0)  # [E]
    dispatch_freq = oh.sum(axis=1).mean(axis=0)  # [E]
    balance_loss = E * jnp.sum(mean_load * dispatch_freq)
    z_loss = jnp.mean(jax.scipy.special.logsumexp(router_logits, axis=-1) ** 2)
    aux_loss = BAL_COEF * balance_loss + Z_COEF * z_loss
    return final, aux_loss


def reference(hidden_states, router_weight, e_score_correction_bias, gate_w, up_w, down_w, shared_gate_w, shared_up_w, shared_down_w):
    return _moe_forward(hidden_states, router_weight, e_score_correction_bias, gate_w, up_w, down_w, shared_gate_w, shared_up_w, shared_down_w)

if __name__ == "__main__":
    import jax
    _d = setup_inputs()
    print(jax.jit(kernel)(*tuple(_d.values())))

</pallas_src>

<mosaic_0001>
#map = affine_map<(d0, d1) -> (0, 0)>
#map1 = affine_map<(d0, d1) -> (0)>
module attributes {stable_mosaic.version = 14 : i64} {
  func.func @_combine_gather_body(%arg0: i32, %arg1: i32, %arg2: memref<12288x1024xf32, #tpu.memory_space<hbm>>, %arg3: memref<4096xi32, #tpu.memory_space<hbm>>, %arg4: memref<4096xi32, #tpu.memory_space<hbm>>, %arg5: memref<8192x1024xf32, #tpu.memory_space<hbm>>, %arg6: memref<128xi32, #tpu.memory_space<vmem>>, %arg7: memref<128xi32, #tpu.memory_space<vmem>>, %arg8: memref<32x1024xf32, #tpu.memory_space<vmem>>, %arg9: memref<32x1024xf32, #tpu.memory_space<vmem>>, %arg10: memref<!tpu.dma_semaphore, #tpu.memory_space<semaphore_mem>>, %arg11: memref<!tpu.dma_semaphore, #tpu.memory_space<semaphore_mem>>, %arg12: memref<!tpu.dma_semaphore, #tpu.memory_space<semaphore_mem>>, %arg13: memref<!tpu.dma_semaphore, #tpu.memory_space<semaphore_mem>>) attributes {dimension_semantics = [#tpu.dimension_semantics<core_parallel>, #tpu.dimension_semantics<subcore_parallel>], iteration_bounds = array<i64: 2, 16>, scalar_prefetch = 0 : i64, scratch_operands = 8 : i64, tpu.core_type = #tpu.core_type<sc_vector_subcore>, window_params = [{transform_indices = #map}, {transform_indices = #map1}, {transform_indices = #map1}, {transform_indices = #map}]} {
    %mul3A = arith.constant 2 : i32
    %mul3A_0 = arith.muli %arg1, %mul3A : i32
    %add3A = arith.addi %mul3A_0, %arg0 : i32
    %mul3A_1 = arith.constant 128 : i32
    %mul3A_2 = arith.muli %add3A, %mul3A_1 : i32
    "tpu.region"() ({
      %run_scoped3A = tpu.sem_alloc : memref<!tpu.dma_semaphore, #tpu.memory_space<semaphore_mem>>
      %dma_start3A_177 = tpu.memref_slice %arg3[%mul3A_2] : memref<4096xi32, #tpu.memory_space<hbm>> -> memref<128xi32, #tpu.memory_space<hbm>>
      %dma_start3A_178 = tpu.memref_slice %arg3[%mul3A_2] : memref<4096xi32, #tpu.memory_space<hbm>> -> memref<128xi32, #tpu.memory_space<hbm>>
      tpu.enqueue_dma source(%dma_start3A_178 : memref<128xi32, #tpu.memory_space<hbm>>) target(%arg6 : memref<128xi32, #tpu.memory_space<vmem>>) target_semaphore(%run_scoped3A : memref<!tpu.dma_semaphore, #tpu.memory_space<semaphore_mem>>)
      %dma_wait3A_179 = tpu.memref_slice %arg3[%mul3A_2] : memref<4096xi32, #tpu.memory_space<hbm>> -> memref<128xi32, #tpu.memory_space<hbm>>
      %dma_wait3A_180 = tpu.memref_slice %arg3[%mul3A_2] : memref<4096xi32, #tpu.memory_space<hbm>> -> memref<128xi32, #tpu.memory_space<hbm>>
      tpu.wait_dma2 semaphore(%run_scoped3A : memref<!tpu.dma_semaphore, #tpu.memory_space<semaphore_mem>>) src(%dma_wait3A_180 : memref<128xi32, #tpu.memory_space<hbm>>) dst(%arg6 : memref<128xi32, #tpu.memory_space<vmem>>)
      tpu.yield
    }) : () -> ()
    "tpu.region"() ({
      %run_scoped3A = tpu.sem_alloc : memref<!tpu.dma_semaphore, #tpu.memory_space<semaphore_mem>>
      %dma_start3A_177 = tpu.memref_slice %arg4[%mul3A_2] : memref<4096xi32, #tpu.memory_space<hbm>> -> memref<128xi32, #tpu.memory_space<hbm>>
      %dma_start3A_178 = tpu.memref_slice %arg4[%mul3A_2] : memref<4096xi32, #tpu.memory_space<hbm>> -> memref<128xi32, #tpu.memory_space<hbm>>
      tpu.enqueue_dma source(%dma_start3A_178 : memref<128xi32, #tpu.memory_space<hbm>>) target(%arg7 : memref<128xi32, #tpu.memory_space<vmem>>) target_semaphore(%run_scoped3A : memref<!tpu.dma_semaphore, #tpu.memory_space<semaphore_mem>>)
      %dma_wait3A_179 = tpu.memref_slice %arg4[%mul3A_2] : memref<4096xi32, #tpu.memory_space<hbm>> -> memref<128xi32, #tpu.memory_space<hbm>>
      %dma_wait3A_180 = tpu.memref_slice %arg4[%mul3A_2] : memref<4096xi32, #tpu.memory_space<hbm>> -> memref<128xi32, #tpu.memory_space<hbm>>
      tpu.wait_dma2 semaphore(%run_scoped3A : memref<!tpu.dma_semaphore, #tpu.memory_space<semaphore_mem>>) src(%dma_wait3A_180 : memref<128xi32, #tpu.memory_space<hbm>>) dst(%arg7 : memref<128xi32, #tpu.memory_space<vmem>>)
      tpu.yield
    }) : () -> ()
    %add3A_3 = arith.constant 0 : i32
    %add3A_4 = arith.addi %add3A_3, %mul3A_2 : i32
    %add3A_5 = arith.constant 0 : i32
    %add3A_6 = arith.addi %add3A_4, %add3A_5 : i32
    %add3A_7 = arith.constant 0 : i32
    %add3A_8 = arith.addi %add3A_7, %mul3A_2 : i32
    %add3A_9 = arith.constant 32 : i32
    %add3A_10 = arith.addi %add3A_8, %add3A_9 : i32
    %add3A_11 = arith.constant 0 : i32
    %add3A_12 = arith.addi %add3A_11, %mul3A_2 : i32
    %add3A_13 = arith.constant 64 : i32
    %add3A_14 = arith.addi %add3A_12, %add3A_13 : i32
    %add3A_15 = arith.constant 0 : i32
    %add3A_16 = arith.addi %add3A_15, %mul3A_2 : i32
    %add3A_17 = arith.constant 96 : i32
    %add3A_18 = arith.addi %add3A_16, %add3A_17 : i32
    %add3A_19 = arith.constant 4096 : i32
    %add3A_20 = arith.addi %add3A_19, %mul3A_2 : i32
    %add3A_21 = arith.constant 0 : i32
    %add3A_22 = arith.addi %add3A_20, %add3A_21 : i32
    %add3A_23 = arith.constant 4096 : i32
    %add3A_24 = arith.addi %add3A_23, %mul3A_2 : i32
    %add3A_25 = arith.constant 32 : i32
    %add3A_26 = arith.addi %add3A_24, %add3A_25 : i32
    %add3A_27 = arith.constant 4096 : i32
    %add3A_28 = arith.addi %add3A_27, %mul3A_2 : i32
    %add3A_29 = arith.constant 64 : i32
    %add3A_30 = arith.addi %add3A_28, %add3A_29 : i32
    %add3A_31 = arith.constant 4096 : i32
    %add3A_32 = arith.addi %add3A_31, %mul3A_2 : i32
    %add3A_33 = arith.constant 96 : i32
    %add3A_34 = arith.addi %add3A_32, %add3A_33 : i32
    %dma_start3A = arith.constant 0 : i32
    %dma_start3A_35 = tpu.memref_slice %arg6[%dma_start3A] : memref<128xi32, #tpu.memory_space<vmem>> -> memref<32xi32, #tpu.memory_space<vmem>>
    %dma_start3A_36 = arith.constant 0 : i32
    %dma_start3A_37 = arith.constant 0 : i32
    %dma_start3A_38 = tpu.memref_slice %arg2[%dma_start3A_36, %dma_start3A_37] : memref<12288x1024xf32, #tpu.memory_space<hbm>> -> memref<12288x1024xf32, #tpu.memory_space<hbm>>
    tpu.enqueue_indirect_dma source(%dma_start3A_38 : memref<12288x1024xf32, #tpu.memory_space<hbm>>) target(%arg8 : memref<32x1024xf32, #tpu.memory_space<vmem>>) offsets(%dma_start3A_35 : memref<32xi32, #tpu.memory_space<vmem>>) semaphore(%arg10 : memref<!tpu.dma_semaphore, #tpu.memory_space<semaphore_mem>>)
    %dma_wait3A = arith.constant 0 : i32
    %dma_wait3A_39 = tpu.memref_slice %arg6[%dma_wait3A] : memref<128xi32, #tpu.memory_space<vmem>> -> memref<32xi32, #tpu.memory_space<vmem>>
    %dma_wait3A_40 = arith.constant 0 : i32
    %dma_wait3A_41 = arith.constant 0 : i32
    %dma_wait3A_42 = tpu.memref_slice %arg2[%dma_wait3A_40, %dma_wait3A_41] : memref<12288x1024xf32, #tpu.memory_space<hbm>> -> memref<12288x1024xf32, #tpu.memory_space<hbm>>
    tpu.wait_indirect_dma semaphore(%arg10 : memref<!tpu.dma_semaphore, #tpu.memory_space<semaphore_mem>>) src(%dma_wait3A_42 : memref<12288x1024xf32, #tpu.memory_space<hbm>>) dst(%arg8 : memref<32x1024xf32, #tpu.memory_space<vmem>>)
    %dma_start3A_43 = arith.constant 0 : i32
    %dma_start3A_44 = tpu.memref_slice %arg5[%add3A_6, %dma_start3A_43] : memref<8192x1024xf32, #tpu.memory_space<hbm>> -> memref<32x1024xf32, #tpu.memory_space<hbm>>
    %dma_start3A_45 = arith.constant 0 : i32
    %dma_start3A_46 = tpu.memref_slice %arg5[%add3A_6, %dma_start3A_45] : memref<8192x1024xf32, #tpu.memory_space<hbm>> -> memref<32x1024xf32, #tpu.memory_space<hbm>>
    tpu.enqueue_dma source(%arg8 : memref<32x1024xf32, #tpu.memory_space<vmem>>) target(%dma_start3A_46 : memref<32x1024xf32, #tpu.memory_space<hbm>>) target_semaphore(%arg12 : memref<!tpu.dma_semaphore, #tpu.memory_space<semaphore_mem>>)
    %dma_start3A_47 = arith.constant 32 : i32
    %dma_start3A_48 = tpu.memref_slice %arg6[%dma_start3A_47] : memref<128xi32, #tpu.memory_space<vmem>> -> memref<32xi32, #tpu.memory_space<vmem>>
    %dma_start3A_49 = arith.constant 0 : i32
    %dma_start3A_50 = arith.constant 0 : i32
    %dma_start3A_51 = tpu.memref_slice %arg2[%dma_start3A_49, %dma_start3A_50] : memref<12288x1024xf32, #tpu.memory_space<hbm>> -> memref<12288x1024xf32, #tpu.memory_space<hbm>>
    tpu.enqueue_indirect_dma source(%dma_start3A_51 : memref<12288x1024xf32, #tpu.memory_space<hbm>>) target(%arg9 : memref<32x1024xf32, #tpu.memory_space<vmem>>) offsets(%dma_start3A_48 : memref<32xi32, #tpu.memory_space<vmem>>) semaphore(%arg11 : memref<!tpu.dma_semaphore, #tpu.memory_space<semaphore_mem>>)
    %dma_wait3A_52 = arith.constant 32 : i32
    %dma_wait3A_53 = tpu.memref_slice %arg6[%dma_wait3A_52] : memref<128xi32, #tpu.memory_space<vmem>> -> memref<32xi32, #tpu.memory_space<vmem>>
    %dma_wait3A_54 = arith.constant 0 : i32
    %dma_wait3A_55 = arith.constant 0 : i32
    %dma_wait3A_56 = tpu.memref_slice %arg2[%dma_wait3A_54, %dma_wait3A_55] : memref<12288x1024xf32, #tpu.memory_space<hbm>> -> memref<12288x1024xf32, #tpu.memory_space<hbm>>
    tpu.wait_indirect_dma semaphore(%arg11 : memref<!tpu.dma_semaphore, #tpu.memory_space<semaphore_mem>>) src(%dma_wait3A_56 : memref<12288x1024xf32, #tpu.memory_space<hbm>>) dst(%arg9 : memref<32x1024xf32, #tpu.memory_space<vmem>>)
    %dma_start3A_57 = arith.constant 0 : i32
    %dma_start3A_58 = tpu.memref_slice %arg5[%add3A_10, %dma_start3A_57] : memref<8192x1024xf32, #tpu.memory_space<hbm>> -> memref<32x1024xf32, #tpu.memory_space<hbm>>
    %dma_start3A_59 = arith.constant 0 : i32
    %dma_start3A_60 = tpu.memref_slice %arg5[%add3A_10, %dma_start3A_59] : memref<8192x1024xf32, #tpu.memory_space<hbm>> -> memref<32x1024xf32, #tpu.memory_space<hbm>>
    tpu.enqueue_dma source(%arg9 : memref<32x1024xf32, #tpu.memory_space<vmem>>) target(%dma_start3A_60 : memref<32x1024xf32, #tpu.memory_space<hbm>>) target_semaphore(%arg13 : memref<!tpu.dma_semaphore, #tpu.memory_space<semaphore_mem>>)
    %dma_wait3A_61 = arith.constant 0 : i32
    %dma_wait3A_62 = tpu.memref_slice %arg5[%add3A_6, %dma_wait3A_61] : memref<8192x1024xf32, #tpu.memory_space<hbm>> -> memref<32x1024xf32, #tpu.memory_space<hbm>>
    %dma_wait3A_63 = arith.constant 0 : i32
    %dma_wait3A_64 = tpu.memref_slice %arg5[%add3A_6, %dma_wait3A_63] : memref<8192x1024xf32, #tpu.memory_space<hbm>> -> memref<32x1024xf32, #tpu.memory_space<hbm>>
    tpu.wait_dma2 semaphore(%arg12 : memref<!tpu.dma_semaphore, #tpu.memory_space<semaphore_mem>>) src(%arg8 : memref<32x1024xf32, #tpu.memory_space<vmem>>) dst(%dma_wait3A_64 : memref<32x1024xf32, #tpu.memory_space<hbm>>)
    %dma_start3A_65 = arith.constant 64 : i32
    %dma_start3A_66 = tpu.memref_slice %arg6[%dma_start3A_65] : memref<128xi32, #tpu.memory_space<vmem>> -> memref<32xi32, #tpu.memory_space<vmem>>
    %dma_start3A_67 = arith.constant 0 : i32
    %dma_start3A_68 = arith.constant 0 : i32
    %dma_start3A_69 = tpu.memref_slice %arg2[%dma_start3A_67, %dma_start3A_68] : memref<12288x1024xf32, #tpu.memory_space<hbm>> -> memref<12288x1024xf32, #tpu.memory_space<hbm>>
    tpu.enqueue_indirect_dma source(%dma_start3A_69 : memref<12288x1024xf32, #tpu.memory_space<hbm>>) target(%arg8 : memref<32x1024xf32, #tpu.memory_space<vmem>>) offsets(%dma_start3A_66 : memref<32xi32, #tpu.memory_space<vmem>>) semaphore(%arg10 : memref<!tpu.dma_semaphore, #tpu.memory_space<semaphore_mem>>)
    %dma_wait3A_70 = arith.constant 64 : i32
    %dma_wait3A_71 = tpu.memref_slice %arg6[%dma_wait3A_70] : memref<128xi32, #tpu.memory_space<vmem>> -> memref<32xi32, #tpu.memory_space<vmem>>
    %dma_wait3A_72 = arith.constant 0 : i32
    %dma_wait3A_73 = arith.constant 0 : i32
    %dma_wait3A_74 = tpu.memref_slice %arg2[%dma_wait3A_72, %dma_wait3A_73] : memref<12288x1024xf32, #tpu.memory_space<hbm>> -> memref<12288x1024xf32, #tpu.memory_space<hbm>>
    tpu.wait_indirect_dma semaphore(%arg10 : memref<!tpu.dma_semaphore, #tpu.memory_space<semaphore_mem>>) src(%dma_wait3A_74 : memref<12288x1024xf32, #tpu.memory_space<hbm>>) dst(%arg8 : memref<32x1024xf32, #tpu.memory_space<vmem>>)
    %dma_start3A_75 = arith.constant 0 : i32
    %dma_start3A_76 = tpu.memref_slice %arg5[%add3A_14, %dma_start3A_75] : memref<8192x1024xf32, #tpu.memory_space<hbm>> -> memref<32x1024xf32, #tpu.memory_space<hbm>>
    %dma_start3A_77 = arith.constant 0 : i32
    %dma_start3A_78 = tpu.memref_slice %arg5[%add3A_14, %dma_start3A_77] : memref<8192x1024xf32, #tpu.memory_space<hbm>> -> memref<32x1024xf32, #tpu.memory_space<hbm>>
    tpu.enqueue_dma source(%arg8 : memref<32x1024xf32, #tpu.memory_space<vmem>>) target(%dma_start3A_78 : memref<32x1024xf32, #tpu.memory_space<hbm>>) target_semaphore(%arg12 : memref<!tpu.dma_semaphore, #tpu.memory_space<semaphore_mem>>)
    %dma_wait3A_79 = arith.constant 0 : i32
    %dma_wait3A_80 = tpu.memref_slice %arg5[%add3A_10, %dma_wait3A_79] : memref<8192x1024xf32, #tpu.memory_space<hbm>> -> memref<32x1024xf32, #tpu.memory_space<hbm>>
    %dma_wait3A_81 = arith.constant 0 : i32
    %dma_wait3A_82 = tpu.memref_slice %arg5[%add3A_10, %dma_wait3A_81] : memref<8192x1024xf32, #tpu.memory_space<hbm>> -> memref<32x1024xf32, #tpu.memory_space<hbm>>
    tpu.wait_dma2 semaphore(%arg13 : memref<!tpu.dma_semaphore, #tpu.memory_space<semaphore_mem>>) src(%arg9 : memref<32x1024xf32, #tpu.memory_space<vmem>>) dst(%dma_wait3A_82 : memref<32x1024xf32, #tpu.memory_space<hbm>>)
    %dma_start3A_83 = arith.constant 96 : i32
    %dma_start3A_84 = tpu.memref_slice %arg6[%dma_start3A_83] : memref<128xi32, #tpu.memory_space<vmem>> -> memref<32xi32, #tpu.memory_space<vmem>>
    %dma_start3A_85 = arith.constant 0 : i32
    %dma_start3A_86 = arith.constant 0 : i32
    %dma_start3A_87 = tpu.memref_slice %arg2[%dma_start3A_85, %dma_start3A_86] : memref<12288x1024xf32, #tpu.memory_space<hbm>> -> memref<12288x1024xf32, #tpu.memory_space<hbm>>
    tpu.enqueue_indirect_dma source(%dma_start3A_87 : memref<12288x1024xf32, #tpu.memory_space<hbm>>) target(%arg9 : memref<32x1024xf32, #tpu.memory_space<vmem>>) offsets(%dma_start3A_84 : memref<32xi32, #tpu.memory_space<vmem>>) semaphore(%arg11 : memref<!tpu.dma_semaphore, #tpu.memory_space<semaphore_mem>>)
    %dma_wait3A_88 = arith.constant 96 : i32
    %dma_wait3A_89 = tpu.memref_slice %arg6[%dma_wait3A_88] : memref<128xi32, #tpu.memory_space<vmem>> -> memref<32xi32, #tpu.memory_space<vmem>>
    %dma_wait3A_90 = arith.constant 0 : i32
    %dma_wait3A_91 = arith.constant 0 : i32
    %dma_wait3A_92 = tpu.memref_slice %arg2[%dma_wait3A_90, %dma_wait3A_91] : memref<12288x1024xf32, #tpu.memory_space<hbm>> -> memref<12288x1024xf32, #tpu.memory_space<hbm>>
    tpu.wait_indirect_dma semaphore(%arg11 : memref<!tpu.dma_semaphore, #tpu.memory_space<semaphore_mem>>) src(%dma_wait3A_92 : memref<12288x1024xf32, #tpu.memory_space<hbm>>) dst(%arg9 : memref<32x1024xf32, #tpu.memory_space<vmem>>)
    %dma_start3A_93 = arith.constant 0 : i32
    %dma_start3A_94 = tpu.memref_slice %arg5[%add3A_18, %dma_start3A_93] : memref<8192x1024xf32, #tpu.memory_space<hbm>> -> memref<32x1024xf32, #tpu.memory_space<hbm>>
    %dma_start3A_95 = arith.constant 0 : i32
    %dma_start3A_96 = tpu.memref_slice %arg5[%add3A_18, %dma_start3A_95] : memref<8192x1024xf32, #tpu.memory_space<hbm>> -> memref<32x1024xf32, #tpu.memory_space<hbm>>
    tpu.enqueue_dma source(%arg9 : memref<32x1024xf32, #tpu.memory_space<vmem>>) target(%dma_start3A_96 : memref<32x1024xf32, #tpu.memory_space<hbm>>) target_semaphore(%arg13 : memref<!tpu.dma_semaphore, #tpu.memory_space<semaphore_mem>>)
    %dma_wait3A_97 = arith.constant 0 : i32
    %dma_wait3A_98 = tpu.memref_slice %arg5[%add3A_14, %dma_wait3A_97] : memref<8192x1024xf32, #tpu.memory_space<hbm>> -> memref<32x1024xf32, #tpu.memory_space<hbm>>
    %dma_wait3A_99 = arith.constant 0 : i32
    %dma_wait3A_100 = tpu.memref_slice %arg5[%add3A_14, %dma_wait3A_99] : memref<8192x1024xf32, #tpu.memory_space<hbm>> -> memref<32x1024xf32, #tpu.memory_space<hbm>>
    tpu.wait_dma2 semaphore(%arg12 : memref<!tpu.dma_semaphore, #tpu.memory_space<semaphore_mem>>) src(%arg8 : memref<32x1024xf32, #tpu.memory_space<vmem>>) dst(%dma_wait3A_100 : memref<32x1024xf32, #tpu.memory_space<hbm>>)
    %dma_start3A_101 = arith.constant 0 : i32
    %dma_start3A_102 = tpu.memref_slice %arg7[%dma_start3A_101] : memref<128xi32, #tpu.memory_space<vmem>> -> memref<32xi32, #tpu.memory_space<vmem>>
    %dma_start3A_103 = arith.constant 0 : i32
    %dma_start3A_104 = arith.constant 0 : i32
    %dma_start3A_105 = tpu.memref_slice %arg2[%dma_start3A_103, %dma_start3A_104] : memref<12288x1024xf32, #tpu.memory_space<hbm>> -> memref<12288x1024xf32, #tpu.memory_space<hbm>>
    tpu.enqueue_indirect_dma source(%dma_start3A_105 : memref<12288x1024xf32, #tpu.memory_space<hbm>>) target(%arg8 : memref<32x1024xf32, #tpu.memory_space<vmem>>) offsets(%dma_start3A_102 : memref<32xi32, #tpu.memory_space<vmem>>) semaphore(%arg10 : memref<!tpu.dma_semaphore, #tpu.memory_space<semaphore_mem>>)
    %dma_wait3A_106 = arith.constant 0 : i32
    %dma_wait3A_107 = tpu.memref_slice %arg7[%dma_wait3A_106] : memref<128xi32, #tpu.memory_space<vmem>> -> memref<32xi32, #tpu.memory_space<vmem>>
    %dma_wait3A_108 = arith.constant 0 : i32
    %dma_wait3A_109 = arith.constant 0 : i32
    %dma_wait3A_110 = tpu.memref_slice %arg2[%dma_wait3A_108, %dma_wait3A_109] : memref<12288x1024xf32, #tpu.memory_space<hbm>> -> memref<12288x1024xf32, #tpu.memory_space<hbm>>
    tpu.wait_indirect_dma semaphore(%arg10 : memref<!tpu.dma_semaphore, #tpu.memory_space<semaphore_mem>>) src(%dma_wait3A_110 : memref<12288x1024xf32, #tpu.memory_space<hbm>>) dst(%arg8 : memref<32x1024xf32, #tpu.memory_space<vmem>>)
    %dma_start3A_111 = arith.constant 0 : i32
    %dma_start3A_112 = tpu.memref_slice %arg5[%add3A_22, %dma_start3A_111] : memref<8192x1024xf32, #tpu.memory_space<hbm>> -> memref<32x1024xf32, #tpu.memory_space<hbm>>
    %dma_start3A_113 = arith.constant 0 : i32
    %dma_start3A_114 = tpu.memref_slice %arg5[%add3A_22, %dma_start3A_113] : memref<8192x1024xf32, #tpu.memory_space<hbm>> -> memref<32x1024xf32, #tpu.memory_space<hbm>>
    tpu.enqueue_dma source(%arg8 : memref<32x1024xf32, #tpu.memory_space<vmem>>) target(%dma_start3A_114 : memref<32x1024xf32, #tpu.memory_space<hbm>>) target_semaphore(%arg12 : memref<!tpu.dma_semaphore, #tpu.memory_space<semaphore_mem>>)
    %dma_wait3A_115 = arith.constant 0 : i32
    %dma_wait3A_116 = tpu.memref_slice %arg5[%add3A_18, %dma_wait3A_115] : memref<8192x1024xf32, #tpu.memory_space<hbm>> -> memref<32x1024xf32, #tpu.memory_space<hbm>>
    %dma_wait3A_117 = arith.constant 0 : i32
    %dma_wait3A_118 = tpu.memref_slice %arg5[%add3A_18, %dma_wait3A_117] : memref<8192x1024xf32, #tpu.memory_space<hbm>> -> memref<32x1024xf32, #tpu.memory_space<hbm>>
    tpu.wait_dma2 semaphore(%arg13 : memref<!tpu.dma_semaphore, #tpu.memory_space<semaphore_mem>>) src(%arg9 : memref<32x1024xf32, #tpu.memory_space<vmem>>) dst(%dma_wait3A_118 : memref<32x1024xf32, #tpu.memory_space<hbm>>)
    %dma_start3A_119 = arith.constant 32 : i32
    %dma_start3A_120 = tpu.memref_slice %arg7[%dma_start3A_119] : memref<128xi32, #tpu.memory_space<vmem>> -> memref<32xi32, #tpu.memory_space<vmem>>
    %dma_start3A_121 = arith.constant 0 : i32
    %dma_start3A_122 = arith.constant 0 : i32
    %dma_start3A_123 = tpu.memref_slice %arg2[%dma_start3A_121, %dma_start3A_122] : memref<12288x1024xf32, #tpu.memory_space<hbm>> -> memref<12288x1024xf32, #tpu.memory_space<hbm>>
    tpu.enqueue_indirect_dma source(%dma_start3A_123 : memref<12288x1024xf32, #tpu.memory_space<hbm>>) target(%arg9 : memref<32x1024xf32, #tpu.memory_space<vmem>>) offsets(%dma_start3A_120 : memref<32xi32, #tpu.memory_space<vmem>>) semaphore(%arg11 : memref<!tpu.dma_semaphore, #tpu.memory_space<semaphore_mem>>)
    %dma_wait3A_124 = arith.constant 32 : i32
    %dma_wait3A_125 = tpu.memref_slice %arg7[%dma_wait3A_124] : memref<128xi32, #tpu.memory_space<vmem>> -> memref<32xi32, #tpu.memory_space<vmem>>
    %dma_wait3A_126 = arith.constant 0 : i32
    %dma_wait3A_127 = arith.constant 0 : i32
    %dma_wait3A_128 = tpu.memref_slice %arg2[%dma_wait3A_126, %dma_wait3A_127] : memref<12288x1024xf32, #tpu.memory_space<hbm>> -> memref<12288x1024xf32, #tpu.memory_space<hbm>>
    tpu.wait_indirect_dma semaphore(%arg11 : memref<!tpu.dma_semaphore, #tpu.memory_space<semaphore_mem>>) src(%dma_wait3A_128 : memref<12288x1024xf32, #tpu.memory_space<hbm>>) dst(%arg9 : memref<32x1024xf32, #tpu.memory_space<vmem>>)
    %dma_start3A_129 = arith.constant 0 : i32
    %dma_start3A_130 = tpu.memref_slice %arg5[%add3A_26, %dma_start3A_129] : memref<8192x1024xf32, #tpu.memory_space<hbm>> -> memref<32x1024xf32, #tpu.memory_space<hbm>>
    %dma_start3A_131 = arith.constant 0 : i32
    %dma_start3A_132 = tpu.memref_slice %arg5[%add3A_26, %dma_start3A_131] : memref<8192x1024xf32, #tpu.memory_space<hbm>> -> memref<32x1024xf32, #tpu.memory_space<hbm>>
    tpu.enqueue_dma source(%arg9 : memref<32x1024xf32, #tpu.memory_space<vmem>>) target(%dma_start3A_132 : memref<32x1024xf32, #tpu.memory_space<hbm>>) target_semaphore(%arg13 : memref<!tpu.dma_semaphore, #tpu.memory_space<semaphore_mem>>)
    %dma_wait3A_133 = arith.constant 0 : i32
    %dma_wait3A_134 = tpu.memref_slice %arg5[%add3A_22, %dma_wait3A_133] : memref<8192x1024xf32, #tpu.memory_space<hbm>> -> memref<32x1024xf32, #tpu.memory_space<hbm>>
    %dma_wait3A_135 = arith.constant 0 : i32
    %dma_wait3A_136 = tpu.memref_slice %arg5[%add3A_22, %dma_wait3A_135] : memref<8192x1024xf32, #tpu.memory_space<hbm>> -> memref<32x1024xf32, #tpu.memory_space<hbm>>
    tpu.wait_dma2 semaphore(%arg12 : memref<!tpu.dma_semaphore, #tpu.memory_space<semaphore_mem>>) src(%arg8 : memref<32x1024xf32, #tpu.memory_space<vmem>>) dst(%dma_wait3A_136 : memref<32x1024xf32, #tpu.memory_space<hbm>>)
    %dma_start3A_137 = arith.constant 64 : i32
    %dma_start3A_138 = tpu.memref_slice %arg7[%dma_start3A_137] : memref<128xi32, #tpu.memory_space<vmem>> -> memref<32xi32, #tpu.memory_space<vmem>>
    %dma_start3A_139 = arith.constant 0 : i32
    %dma_start3A_140 = arith.constant 0 : i32
    %dma_start3A_141 = tpu.memref_slice %arg2[%dma_start3A_139, %dma_start3A_140] : memref<12288x1024xf32, #tpu.memory_space<hbm>> -> memref<12288x1024xf32, #tpu.memory_space<hbm>>
    tpu.enqueue_indirect_dma source(%dma_start3A_141 : memref<12288x1024xf32, #tpu.memory_space<hbm>>) target(%arg8 : memref<32x1024xf32, #tpu.memory_space<vmem>>) offsets(%dma_start3A_138 : memref<32xi32, #tpu.memory_space<vmem>>) semaphore(%arg10 : memref<!tpu.dma_semaphore, #tpu.memory_space<semaphore_mem>>)
    %dma_wait3A_142 = arith.constant 64 : i32
    %dma_wait3A_143 = tpu.memref_slice %arg7[%dma_wait3A_142] : memref<128xi32, #tpu.memory_space<vmem>> -> memref<32xi32, #tpu.memory_space<vmem>>
    %dma_wait3A_144 = arith.constant 0 : i32
    %dma_wait3A_145 = arith.constant 0 : i32
    %dma_wait3A_146 = tpu.memref_slice %arg2[%dma_wait3A_144, %dma_wait3A_145] : memref<12288x1024xf32, #tpu.memory_space<hbm>> -> memref<12288x1024xf32, #tpu.memory_space<hbm>>
    tpu.wait_indirect_dma semaphore(%arg10 : memref<!tpu.dma_semaphore, #tpu.memory_space<semaphore_mem>>) src(%dma_wait3A_146 : memref<12288x1024xf32, #tpu.memory_space<hbm>>) dst(%arg8 : memref<32x1024xf32, #tpu.memory_space<vmem>>)
    %dma_start3A_147 = arith.constant 0 : i32
    %dma_start3A_148 = tpu.memref_slice %arg5[%add3A_30, %dma_start3A_147] : memref<8192x1024xf32, #tpu.memory_space<hbm>> -> memref<32x1024xf32, #tpu.memory_space<hbm>>
    %dma_start3A_149 = arith.constant 0 : i32
    %dma_start3A_150 = tpu.memref_slice %arg5[%add3A_30, %dma_start3A_149] : memref<8192x1024xf32, #tpu.memory_space<hbm>> -> memref<32x1024xf32, #tpu.memory_space<hbm>>
    tpu.enqueue_dma source(%arg8 : memref<32x1024xf32, #tpu.memory_space<vmem>>) target(%dma_start3A_150 : memref<32x1024xf32, #tpu.memory_space<hbm>>) target_semaphore(%arg12 : memref<!tpu.dma_semaphore, #tpu.memory_space<semaphore_mem>>)
    %dma_wait3A_151 = arith.constant 0 : i32
    %dma_wait3A_152 = tpu.memref_slice %arg5[%add3A_26, %dma_wait3A_151] : memref<8192x1024xf32, #tpu.memory_space<hbm>> -> memref<32x1024xf32, #tpu.memory_space<hbm>>
    %dma_wait3A_153 = arith.constant 0 : i32
    %dma_wait3A_154 = tpu.memref_slice %arg5[%add3A_26, %dma_wait3A_153] : memref<8192x1024xf32, #tpu.memory_space<hbm>> -> memref<32x1024xf32, #tpu.memory_space<hbm>>
    tpu.wait_dma2 semaphore(%arg13 : memref<!tpu.dma_semaphore, #tpu.memory_space<semaphore_mem>>) src(%arg9 : memref<32x1024xf32, #tpu.memory_space<vmem>>) dst(%dma_wait3A_154 : memref<32x1024xf32, #tpu.memory_space<hbm>>)
    %dma_start3A_155 = arith.constant 96 : i32
    %dma_start3A_156 = tpu.memref_slice %arg7[%dma_start3A_155] : memref<128xi32, #tpu.memory_space<vmem>> -> memref<32xi32, #tpu.memory_space<vmem>>
    %dma_start3A_157 = arith.constant 0 : i32
    %dma_start3A_158 = arith.constant 0 : i32
    %dma_start3A_159 = tpu.memref_slice %arg2[%dma_start3A_157, %dma_start3A_158] : memref<12288x1024xf32, #tpu.memory_space<hbm>> -> memref<12288x1024xf32, #tpu.memory_space<hbm>>
    tpu.enqueue_indirect_dma source(%dma_start3A_159 : memref<12288x1024xf32, #tpu.memory_space<hbm>>) target(%arg9 : memref<32x1024xf32, #tpu.memory_space<vmem>>) offsets(%dma_start3A_156 : memref<32xi32, #tpu.memory_space<vmem>>) semaphore(%arg11 : memref<!tpu.dma_semaphore, #tpu.memory_space<semaphore_mem>>)
    %dma_wait3A_160 = arith.constant 96 : i32
    %dma_wait3A_161 = tpu.memref_slice %arg7[%dma_wait3A_160] : memref<128xi32, #tpu.memory_space<vmem>> -> memref<32xi32, #tpu.memory_space<vmem>>
    %dma_wait3A_162 = arith.constant 0 : i32
    %dma_wait3A_163 = arith.constant 0 : i32
    %dma_wait3A_164 = tpu.memref_slice %arg2[%dma_wait3A_162, %dma_wait3A_163] : memref<12288x1024xf32, #tpu.memory_space<hbm>> -> memref<12288x1024xf32, #tpu.memory_space<hbm>>
    tpu.wait_indirect_dma semaphore(%arg11 : memref<!tpu.dma_semaphore, #tpu.memory_space<semaphore_mem>>) src(%dma_wait3A_164 : memref<12288x1024xf32, #tpu.memory_space<hbm>>) dst(%arg9 : memref<32x1024xf32, #tpu.memory_space<vmem>>)
    %dma_start3A_165 = arith.constant 0 : i32
    %dma_start3A_166 = tpu.memref_slice %arg5[%add3A_34, %dma_start3A_165] : memref<8192x1024xf32, #tpu.memory_space<hbm>> -> memref<32x1024xf32, #tpu.memory_space<hbm>>
    %dma_start3A_167 = arith.constant 0 : i32
    %dma_start3A_168 = tpu.memref_slice %arg5[%add3A_34, %dma_start3A_167] : memref<8192x1024xf32, #tpu.memory_space<hbm>> -> memref<32x1024xf32, #tpu.memory_space<hbm>>
    tpu.enqueue_dma source(%arg9 : memref<32x1024xf32, #tpu.memory_space<vmem>>) target(%dma_start3A_168 : memref<32x1024xf32, #tpu.memory_space<hbm>>) target_semaphore(%arg13 : memref<!tpu.dma_semaphore, #tpu.memory_space<semaphore_mem>>)
    %dma_wait3A_169 = arith.constant 0 : i32
    %dma_wait3A_170 = tpu.memref_slice %arg5[%add3A_30, %dma_wait3A_169] : memref<8192x1024xf32, #tpu.memory_space<hbm>> -> memref<32x1024xf32, #tpu.memory_space<hbm>>
    %dma_wait3A_171 = arith.constant 0 : i32
    %dma_wait3A_172 = tpu.memref_slice %arg5[%add3A_30, %dma_wait3A_171] : memref<8192x1024xf32, #tpu.memory_space<hbm>> -> memref<32x1024xf32, #tpu.memory_space<hbm>>
    tpu.wait_dma2 semaphore(%arg12 : memref<!tpu.dma_semaphore, #tpu.memory_space<semaphore_mem>>) src(%arg8 : memref<32x1024xf32, #tpu.memory_space<vmem>>) dst(%dma_wait3A_172 : memref<32x1024xf32, #tpu.memory_space<hbm>>)
    %dma_wait3A_173 = arith.constant 0 : i32
    %dma_wait3A_174 = tpu.memref_slice %arg5[%add3A_34, %dma_wait3A_173] : memref<8192x1024xf32, #tpu.memory_space<hbm>> -> memref<32x1024xf32, #tpu.memory_space<hbm>>
    %dma_wait3A_175 = arith.constant 0 : i32
    %dma_wait3A_176 = tpu.memref_slice %arg5[%add3A_34, %dma_wait3A_175] : memref<8192x1024xf32, #tpu.memory_space<hbm>> -> memref<32x1024xf32, #tpu.memory_space<hbm>>
    tpu.wait_dma2 semaphore(%arg13 : memref<!tpu.dma_semaphore, #tpu.memory_space<semaphore_mem>>) src(%arg9 : memref<32x1024xf32, #tpu.memory_space<vmem>>) dst(%dma_wait3A_176 : memref<32x1024xf32, #tpu.memory_space<hbm>>)
    return
  }
}

#map = affine_map<(d0, d1) -> (0, 0)>
#map1 = affine_map<(d0, d1) -> (0)>
module attributes {stable_mosaic.version = 14 : i64} {
  func.func @_dispatch_body(%arg0: i32, %arg1: i32, %arg2: memref<4096x1024xf32, #tpu.memory_space<hbm>>, %arg3: memref<4096xi32, #tpu.memory_space<hbm>>, %arg4: memref<4096xi32, #tpu.memory_space<hbm>>, %arg5: memref<12288x1024xf32, #tpu.memory_space<hbm>>, %arg6: memref<64xi32, #tpu.memory_space<vmem>>, %arg7: memref<64xi32, #tpu.memory_space<vmem>>, %arg8: memref<64xi32, #tpu.memory_space<vmem>>, %arg9: memref<64xi32, #tpu.memory_space<vmem>>, %arg10: memref<64x1024xf32, #tpu.memory_space<vmem>>, %arg11: memref<!tpu.dma_semaphore, #tpu.memory_space<semaphore_mem>>, %arg12: memref<!tpu.dma_semaphore, #tpu.memory_space<semaphore_mem>>, %arg13: memref<!tpu.dma_semaphore, #tpu.memory_space<semaphore_mem>>) attributes {dimension_semantics = [#tpu.dimension_semantics<core_parallel>, #tpu.dimension_semantics<subcore_parallel>], iteration_bounds = array<i64: 2, 16>, scalar_prefetch = 0 : i64, scratch_operands = 8 : i64, tpu.core_type = #tpu.core_type<sc_vector_subcore>, window_params = [{transform_indices = #map}, {transform_indices = #map1}, {transform_indices = #map1}, {transform_indices = #map}]} {
    %mul3A = arith.constant 2 : i32
    %mul3A_0 = arith.muli %arg1, %mul3A : i32
    %add3A = arith.addi %mul3A_0, %arg0 : i32
    %mul3A_1 = arith.constant 128 : i32
    %mul3A_2 = arith.muli %add3A, %mul3A_1 : i32
    "tpu.region"() ({
      %run_scoped3A = tpu.sem_alloc : memref<!tpu.dma_semaphore, #tpu.memory_space<semaphore_mem>>
      %dma_start3A_49 = tpu.memref_slice %arg3[%mul3A_2] : memref<4096xi32, #tpu.memory_space<hbm>> -> memref<64xi32, #tpu.memory_space<hbm>>
      %dma_start3A_50 = tpu.memref_slice %arg3[%mul3A_2] : memref<4096xi32, #tpu.memory_space<hbm>> -> memref<64xi32, #tpu.memory_space<hbm>>
      tpu.enqueue_dma source(%dma_start3A_50 : memref<64xi32, #tpu.memory_space<hbm>>) target(%arg6 : memref<64xi32, #tpu.memory_space<vmem>>) target_semaphore(%run_scoped3A : memref<!tpu.dma_semaphore, #tpu.memory_space<semaphore_mem>>)
      %dma_wait3A_51 = tpu.memref_slice %arg3[%mul3A_2] : memref<4096xi32, #tpu.memory_space<hbm>> -> memref<64xi32, #tpu.memory_space<hbm>>
      %dma_wait3A_52 = tpu.memref_slice %arg3[%mul3A_2] : memref<4096xi32, #tpu.memory_space<hbm>> -> memref<64xi32, #tpu.memory_space<hbm>>
      tpu.wait_dma2 semaphore(%run_scoped3A : memref<!tpu.dma_semaphore, #tpu.memory_space<semaphore_mem>>) src(%dma_wait3A_52 : memref<64xi32, #tpu.memory_space<hbm>>) dst(%arg6 : memref<64xi32, #tpu.memory_space<vmem>>)
      tpu.yield
    }) : () -> ()
    %add3A_3 = arith.constant 64 : i32
    %add3A_4 = arith.addi %mul3A_2, %add3A_3 : i32
    "tpu.region"() ({
      %run_scoped3A = tpu.sem_alloc : memref<!tpu.dma_semaphore, #tpu.memory_space<semaphore_mem>>
      %dma_start3A_49 = tpu.memref_slice %arg3[%add3A_4] : memref<4096xi32, #tpu.memory_space<hbm>> -> memref<64xi32, #tpu.memory_space<hbm>>
      %dma_start3A_50 = tpu.memref_slice %arg3[%add3A_4] : memref<4096xi32, #tpu.memory_space<hbm>> -> memref<64xi32, #tpu.memory_space<hbm>>
      tpu.enqueue_dma source(%dma_start3A_50 : memref<64xi32, #tpu.memory_space<hbm>>) target(%arg7 : memref<64xi32, #tpu.memory_space<vmem>>) target_semaphore(%run_scoped3A : memref<!tpu.dma_semaphore, #tpu.memory_space<semaphore_mem>>)
      %dma_wait3A_51 = tpu.memref_slice %arg3[%add3A_4] : memref<4096xi32, #tpu.memory_space<hbm>> -> memref<64xi32, #tpu.memory_space<hbm>>
      %dma_wait3A_52 = tpu.memref_slice %arg3[%add3A_4] : memref<4096xi32, #tpu.memory_space<hbm>> -> memref<64xi32, #tpu.memory_space<hbm>>
      tpu.wait_dma2 semaphore(%run_scoped3A : memref<!tpu.dma_semaphore, #tpu.memory_space<semaphore_mem>>) src(%dma_wait3A_52 : memref<64xi32, #tpu.memory_space<hbm>>) dst(%arg7 : memref<64xi32, #tpu.memory_space<vmem>>)
      tpu.yield
    }) : () -> ()
    "tpu.region"() ({
      %run_scoped3A = tpu.sem_alloc : memref<!tpu.dma_semaphore, #tpu.memory_space<semaphore_mem>>
      %dma_start3A_49 = tpu.memref_slice %arg4[%mul3A_2] : memref<4096xi32, #tpu.memory_space<hbm>> -> memref<64xi32, #tpu.memory_space<hbm>>
      %dma_start3A_50 = tpu.memref_slice %arg4[%mul3A_2] : memref<4096xi32, #tpu.memory_space<hbm>> -> memref<64xi32, #tpu.memory_space<hbm>>
      tpu.enqueue_dma source(%dma_start3A_50 : memref<64xi32, #tpu.memory_space<hbm>>) target(%arg8 : memref<64xi32, #tpu.memory_space<vmem>>) target_semaphore(%run_scoped3A : memref<!tpu.dma_semaphore, #tpu.memory_space<semaphore_mem>>)
      %dma_wait3A_51 = tpu.memref_slice %arg4[%mul3A_2] : memref<4096xi32, #tpu.memory_space<hbm>> -> memref<64xi32, #tpu.memory_space<hbm>>
      %dma_wait3A_52 = tpu.memref_slice %arg4[%mul3A_2] : memref<4096xi32, #tpu.memory_space<hbm>> -> memref<64xi32, #tpu.memory_space<hbm>>
      tpu.wait_dma2 semaphore(%run_scoped3A : memref<!tpu.dma_semaphore, #tpu.memory_space<semaphore_mem>>) src(%dma_wait3A_52 : memref<64xi32, #tpu.memory_space<hbm>>) dst(%arg8 : memref<64xi32, #tpu.memory_space<vmem>>)
      tpu.yield
    }) : () -> ()
    %add3A_5 = arith.constant 64 : i32
    %add3A_6 = arith.addi %mul3A_2, %add3A_5 : i32
    "tpu.region"() ({
      %run_scoped3A = tpu.sem_alloc : memref<!tpu.dma_semaphore, #tpu.memory_space<semaphore_mem>>
      %dma_start3A_49 = tpu.memref_slice %arg4[%add3A_6] : memref<4096xi32, #tpu.memory_space<hbm>> -> memref<64xi32, #tpu.memory_space<hbm>>
      %dma_start3A_50 = tpu.memref_slice %arg4[%add3A_6] : memref<4096xi32, #tpu.memory_space<hbm>> -> memref<64xi32, #tpu.memory_space<hbm>>
      tpu.enqueue_dma source(%dma_start3A_50 : memref<64xi32, #tpu.memory_space<hbm>>) target(%arg9 : memref<64xi32, #tpu.memory_space<vmem>>) target_semaphore(%run_scoped3A : memref<!tpu.dma_semaphore, #tpu.memory_space<semaphore_mem>>)
      %dma_wait3A_51 = tpu.memref_slice %arg4[%add3A_6] : memref<4096xi32, #tpu.memory_space<hbm>> -> memref<64xi32, #tpu.memory_space<hbm>>
      %dma_wait3A_52 = tpu.memref_slice %arg4[%add3A_6] : memref<4096xi32, #tpu.memory_space<hbm>> -> memref<64xi32, #tpu.memory_space<hbm>>
      tpu.wait_dma2 semaphore(%run_scoped3A : memref<!tpu.dma_semaphore, #tpu.memory_space<semaphore_mem>>) src(%dma_wait3A_52 : memref<64xi32, #tpu.memory_space<hbm>>) dst(%arg9 : memref<64xi32, #tpu.memory_space<vmem>>)
      tpu.yield
    }) : () -> ()
    %add3A_7 = arith.constant 0 : i32
    %add3A_8 = arith.addi %mul3A_2, %add3A_7 : i32
    %dma_start3A = arith.constant 0 : i32
    %dma_start3A_9 = tpu.memref_slice %arg2[%add3A_8, %dma_start3A] : memref<4096x1024xf32, #tpu.memory_space<hbm>> -> memref<64x1024xf32, #tpu.memory_space<hbm>>
    %dma_start3A_10 = arith.constant 0 : i32
    %dma_start3A_11 = tpu.memref_slice %arg2[%add3A_8, %dma_start3A_10] : memref<4096x1024xf32, #tpu.memory_space<hbm>> -> memref<64x1024xf32, #tpu.memory_space<hbm>>
    tpu.enqueue_dma source(%dma_start3A_11 : memref<64x1024xf32, #tpu.memory_space<hbm>>) target(%arg10 : memref<64x1024xf32, #tpu.memory_space<vmem>>) target_semaphore(%arg11 : memref<!tpu.dma_semaphore, #tpu.memory_space<semaphore_mem>>)
    %dma_wait3A = arith.constant 0 : i32
    %dma_wait3A_12 = tpu.memref_slice %arg2[%add3A_8, %dma_wait3A] : memref<4096x1024xf32, #tpu.memory_space<hbm>> -> memref<64x1024xf32, #tpu.memory_space<hbm>>
    %dma_wait3A_13 = arith.constant 0 : i32
    %dma_wait3A_14 = tpu.memref_slice %arg2[%add3A_8, %dma_wait3A_13] : memref<4096x1024xf32, #tpu.memory_space<hbm>> -> memref<64x1024xf32, #tpu.memory_space<hbm>>
    tpu.wait_dma2 semaphore(%arg11 : memref<!tpu.dma_semaphore, #tpu.memory_space<semaphore_mem>>) src(%dma_wait3A_14 : memref<64x1024xf32, #tpu.memory_space<hbm>>) dst(%arg10 : memref<64x1024xf32, #tpu.memory_space<vmem>>)
    %dma_start3A_15 = arith.constant 0 : i32
    %dma_start3A_16 = arith.constant 0 : i32
    %dma_start3A_17 = tpu.memref_slice %arg5[%dma_start3A_15, %dma_start3A_16] : memref<12288x1024xf32, #tpu.memory_space<hbm>> -> memref<12288x1024xf32, #tpu.memory_space<hbm>>
    tpu.enqueue_indirect_dma source(%arg10 : memref<64x1024xf32, #tpu.memory_space<vmem>>) target(%dma_start3A_17 : memref<12288x1024xf32, #tpu.memory_space<hbm>>) offsets(%arg6 : memref<64xi32, #tpu.memory_space<vmem>>) semaphore(%arg12 : memref<!tpu.dma_semaphore, #tpu.memory_space<semaphore_mem>>)
    %dma_start3A_18 = arith.constant 0 : i32
    %dma_start3A_19 = arith.constant 0 : i32
    %dma_start3A_20 = tpu.memref_slice %arg5[%dma_start3A_18, %dma_start3A_19] : memref<12288x1024xf32, #tpu.memory_space<hbm>> -> memref<12288x1024xf32, #tpu.memory_space<hbm>>
    tpu.enqueue_indirect_dma source(%arg10 : memref<64x1024xf32, #tpu.memory_space<vmem>>) target(%dma_start3A_20 : memref<12288x1024xf32, #tpu.memory_space<hbm>>) offsets(%arg8 : memref<64xi32, #tpu.memory_space<vmem>>) semaphore(%arg13 : memref<!tpu.dma_semaphore, #tpu.memory_space<semaphore_mem>>)
    %dma_wait3A_21 = arith.constant 0 : i32
    %dma_wait3A_22 = arith.constant 0 : i32
    %dma_wait3A_23 = tpu.memref_slice %arg5[%dma_wait3A_21, %dma_wait3A_22] : memref<12288x1024xf32, #tpu.memory_space<hbm>> -> memref<12288x1024xf32, #tpu.memory_space<hbm>>
    tpu.wait_indirect_dma semaphore(%arg12 : memref<!tpu.dma_semaphore, #tpu.memory_space<semaphore_mem>>) src(%arg10 : memref<64x1024xf32, #tpu.memory_space<vmem>>) dst(%dma_wait3A_23 : memref<12288x1024xf32, #tpu.memory_space<hbm>>)
    %dma_wait3A_24 = arith.constant 0 : i32
    %dma_wait3A_25 = arith.constant 0 : i32
    %dma_wait3A_26 = tpu.memref_slice %arg5[%dma_wait3A_24, %dma_wait3A_25] : memref<12288x1024xf32, #tpu.memory_space<hbm>> -> memref<12288x1024xf32, #tpu.memory_space<hbm>>
    tpu.wait_indirect_dma semaphore(%arg13 : memref<!tpu.dma_semaphore, #tpu.memory_space<semaphore_mem>>) src(%arg10 : memref<64x1024xf32, #tpu.memory_space<vmem>>) dst(%dma_wait3A_26 : memref<12288x1024xf32, #tpu.memory_space<hbm>>)
    %add3A_27 = arith.constant 64 : i32
    %add3A_28 = arith.addi %mul3A_2, %add3A_27 : i32
    %dma_start3A_29 = arith.constant 0 : i32
    %dma_start3A_30 = tpu.memref_slice %arg2[%add3A_28, %dma_start3A_29] : memref<4096x1024xf32, #tpu.memory_space<hbm>> -> memref<64x1024xf32, #tpu.memory_space<hbm>>
    %dma_start3A_31 = arith.constant 0 : i32
    %dma_start3A_32 = tpu.memref_slice %arg2[%add3A_28, %dma_start3A_31] : memref<4096x1024xf32, #tpu.memory_space<hbm>> -> memref<64x1024xf32, #tpu.memory_space<hbm>>
    tpu.enqueue_dma source(%dma_start3A_32 : memref<64x1024xf32, #tpu.memory_space<hbm>>) target(%arg10 : memref<64x1024xf32, #tpu.memory_space<vmem>>) target_semaphore(%arg11 : memref<!tpu.dma_semaphore, #tpu.memory_space<semaphore_mem>>)
    %dma_wait3A_33 = arith.constant 0 : i32
    %dma_wait3A_34 = tpu.memref_slice %arg2[%add3A_28, %dma_wait3A_33] : memref<4096x1024xf32, #tpu.memory_space<hbm>> -> memref<64x1024xf32, #tpu.memory_space<hbm>>
    %dma_wait3A_35 = arith.constant 0 : i32
    %dma_wait3A_36 = tpu.memref_slice %arg2[%add3A_28, %dma_wait3A_35] : memref<4096x1024xf32, #tpu.memory_space<hbm>> -> memref<64x1024xf32, #tpu.memory_space<hbm>>
    tpu.wait_dma2 semaphore(%arg11 : memref<!tpu.dma_semaphore, #tpu.memory_space<semaphore_mem>>) src(%dma_wait3A_36 : memref<64x1024xf32, #tpu.memory_space<hbm>>) dst(%arg10 : memref<64x1024xf32, #tpu.memory_space<vmem>>)
    %dma_start3A_37 = arith.constant 0 : i32
    %dma_start3A_38 = arith.constant 0 : i32
    %dma_start3A_39 = tpu.memref_slice %arg5[%dma_start3A_37, %dma_start3A_38] : memref<12288x1024xf32, #tpu.memory_space<hbm>> -> memref<12288x1024xf32, #tpu.memory_space<hbm>>
    tpu.enqueue_indirect_dma source(%arg10 : memref<64x1024xf32, #tpu.memory_space<vmem>>) target(%dma_start3A_39 : memref<12288x1024xf32, #tpu.memory_space<hbm>>) offsets(%arg7 : memref<64xi32, #tpu.memory_space<vmem>>) semaphore(%arg12 : memref<!tpu.dma_semaphore, #tpu.memory_space<semaphore_mem>>)
    %dma_start3A_40 = arith.constant 0 : i32
    %dma_start3A_41 = arith.constant 0 : i32
    %dma_start3A_42 = tpu.memref_slice %arg5[%dma_start3A_40, %dma_start3A_41] : memref<12288x1024xf32, #tpu.memory_space<hbm>> -> memref<12288x1024xf32, #tpu.memory_space<hbm>>
    tpu.enqueue_indirect_dma source(%arg10 : memref<64x1024xf32, #tpu.memory_space<vmem>>) target(%dma_start3A_42 : memref<12288x1024xf32, #tpu.memory_space<hbm>>) offsets(%arg9 : memref<64xi32, #tpu.memory_space<vmem>>) semaphore(%arg13 : memref<!tpu.dma_semaphore, #tpu.memory_space<semaphore_mem>>)
    %dma_wait3A_43 = arith.constant 0 : i32
    %dma_wait3A_44 = arith.constant 0 : i32
    %dma_wait3A_45 = tpu.memref_slice %arg5[%dma_wait3A_43, %dma_wait3A_44] : memref<12288x1024xf32, #tpu.memory_space<hbm>> -> memref<12288x1024xf32, #tpu.memory_space<hbm>>
    tpu.wait_indirect_dma semaphore(%arg12 : memref<!tpu.dma_semaphore, #tpu.memory_space<semaphore_mem>>) src(%arg10 : memref<64x1024xf32, #tpu.memory_space<vmem>>) dst(%dma_wait3A_45 : memref<12288x1024xf32, #tpu.memory_space<hbm>>)
    %dma_wait3A_46 = arith.constant 0 : i32
    %dma_wait3A_47 = arith.constant 0 : i32
    %dma_wait3A_48 = tpu.memref_slice %arg5[%dma_wait3A_46, %dma_wait3A_47] : memref<12288x1024xf32, #tpu.memory_space<hbm>> -> memref<12288x1024xf32, #tpu.memory_space<hbm>>
    tpu.wait_indirect_dma semaphore(%arg13 : memref<!tpu.dma_semaphore, #tpu.memory_space<semaphore_mem>>) src(%arg10 : memref<64x1024xf32, #tpu.memory_space<vmem>>) dst(%dma_wait3A_48 : memref<12288x1024xf32, #tpu.memory_space<hbm>>)
    return
  }
}

module attributes {stable_mosaic.version = 14 : i64} {
  func.func @_ffn_routed_body(%arg0: i32, %arg1: memref<64xi32, #tpu.memory_space<smem>>, %arg2: memref<512x1024xf32, #tpu.memory_space<vmem>>, %arg3: memref<1x512x1024xf32, #tpu.memory_space<vmem>>, %arg4: memref<1x512x1024xf32, #tpu.memory_space<vmem>>, %arg5: memref<1x1024x512xf32, #tpu.memory_space<vmem>>, %arg6: memref<512x1024xf32, #tpu.memory_space<vmem>>) attributes {dimension_semantics = [#tpu.dimension_semantics<arbitrary>], iteration_bounds = array<i64: 24>, scalar_prefetch = 1 : i64, scratch_operands = 0 : i64, tpu.core_type = #tpu.core_type<tc>, window_params = [{transform_indices = @transform_0, window_bounds = array<i64: 512, 1024>}, {transform_indices = @transform_1, window_bounds = array<i64: 1, 512, 1024>}, {transform_indices = @transform_2, window_bounds = array<i64: 1, 512, 1024>}, {transform_indices = @transform_3, window_bounds = array<i64: 1, 1024, 512>}, {transform_indices = @transform_4, window_bounds = array<i64: 512, 1024>}]} {
    %get3A = arith.constant 0 : index
    %get3A_0 = arith.constant 0 : index
    %get3A_1 = vector.load %arg2[%get3A, %get3A_0] : memref<512x1024xf32, #tpu.memory_space<vmem>>, vector<512x1024xf32>
    %convert_element_type3A = arith.truncf %get3A_1 : vector<512x1024xf32> to vector<512x1024xbf16>
    %get3A_2 = arith.constant 0 : index
    %get3A_3 = arith.constant 0 : index
    %get3A_4 = arith.constant 0 : index
    %get3A_5 = vector.load %arg3[%get3A_2, %get3A_3, %get3A_4] : memref<1x512x1024xf32, #tpu.memory_space<vmem>>, vector<1x512x1024xf32>
    %get3A_6 = vector.shape_cast %get3A_5 : vector<1x512x1024xf32> to vector<512x1024xf32>
    %get3A_7 = arith.constant 0 : index
    %get3A_8 = arith.constant 0 : index
    %get3A_9 = arith.constant 0 : index
    %get3A_10 = vector.load %arg4[%get3A_7, %get3A_8, %get3A_9] : memref<1x512x1024xf32, #tpu.memory_space<vmem>>, vector<1x512x1024xf32>
    %get3A_11 = vector.shape_cast %get3A_10 : vector<1x512x1024xf32> to vector<512x1024xf32>
    %get3A_12 = arith.constant 0 : index
    %get3A_13 = arith.constant 0 : index
    %get3A_14 = arith.constant 0 : index
    %get3A_15 = vector.load %arg5[%get3A_12, %get3A_13, %get3A_14] : memref<1x1024x512xf32, #tpu.memory_space<vmem>>, vector<1x1024x512xf32>
    %get3A_16 = vector.shape_cast %get3A_15 : vector<1x1024x512xf32> to vector<1024x512xf32>
    %convert_element_type3A_17 = arith.truncf %get3A_6 : vector<512x1024xf32> to vector<512x1024xbf16>
    %convert_element_type3A_18 = arith.truncf %get3A_11 : vector<512x1024xf32> to vector<512x1024xbf16>
    %convert_element_type3A_19 = arith.truncf %get3A_16 : vector<1024x512xf32> to vector<1024x512xbf16>
    %dot_general3A = arith.constant dense<0.000000e+00> : vector<512x512xf32>
    %dot_general3A_20 = tpu.matmul %convert_element_type3A, %convert_element_type3A_17, %dot_general3A {dimension_numbers = #tpu.dot_dimension_numbers<[1], [1], [0], [0], [0, 0, 1, 0], [], []>, transpose_lhs_hint = false} : vector<512x1024xbf16>, vector<512x1024xbf16>, vector<512x512xf32> -> vector<512x512xf32>
    %dot_general3A_21 = arith.constant dense<0.000000e+00> : vector<512x512xf32>
    %dot_general3A_22 = tpu.matmul %convert_element_type3A, %convert_element_type3A_18, %dot_general3A_21 {dimension_numbers = #tpu.dot_dimension_numbers<[1], [1], [0], [0], [0, 0, 1, 0], [], []>, transpose_lhs_hint = false} : vector<512x1024xbf16>, vector<512x1024xbf16>, vector<512x512xf32> -> vector<512x512xf32>
    %logistic3A = arith.negf %dot_general3A_20 : vector<512x512xf32>
    %logistic3A_23 = math.exp %logistic3A : vector<512x512xf32>
    %logistic3A_24 = arith.constant 1.000000e+00 : f32
    %logistic3A_25 = vector.broadcast %logistic3A_24 : f32 to vector<512x512xf32>
    %logistic3A_26 = arith.addf %logistic3A_25, %logistic3A_23 : vector<512x512xf32>
    %logistic3A_27 = arith.divf %logistic3A_25, %logistic3A_26 : vector<512x512xf32>
    %mul3A = arith.mulf %dot_general3A_20, %logistic3A_27 : vector<512x512xf32>
    %mul3A_28 = arith.mulf %mul3A, %dot_general3A_22 : vector<512x512xf32>
    %convert_element_type3A_29 = arith.truncf %mul3A_28 : vector<512x512xf32> to vector<512x512xbf16>
    %dot_general3A_30 = arith.constant dense<0.000000e+00> : vector<512x1024xf32>
    %dot_general3A_31 = tpu.matmul %convert_element_type3A_29, %convert_element_type3A_19, %dot_general3A_30 {dimension_numbers = #tpu.dot_dimension_numbers<[1], [1], [0], [0], [0, 0, 1, 0], [], []>, transpose_lhs_hint = false} : vector<512x512xbf16>, vector<1024x512xbf16>, vector<512x1024xf32> -> vector<512x1024xf32>
    %swap3A = arith.constant 0 : index
    %swap3A_32 = arith.constant 0 : index
    %swap3A_33 = vector.load %arg6[%swap3A, %swap3A_32] : memref<512x1024xf32, #tpu.memory_space<vmem>>, vector<512x1024xf32>
    tpu.vector_store %arg6[%swap3A, %swap3A_32], %dot_general3A_31 {strides = array<i32>} : memref<512x1024xf32, #tpu.memory_space<vmem>>, vector<512x1024xf32>,
    return
  }
  func.func @transform_0(%arg0: i32, %arg1: memref<64xi32, #tpu.memory_space<smem>>) -> (i32, i32) {
    %c0_i32 = arith.constant 0 : i32
    %c0_i32_0 = arith.constant 0 : i32
    return %arg0, %c0_i32 : i32, i32
  }
  func.func @transform_1(%arg0: i32, %arg1: memref<64xi32, #tpu.memory_space<smem>>) -> (i32, i32, i32) {
    %get3A = arith.index_cast %arg0 : i32 to index
    %get3A_0 = memref.load %arg1[%get3A] : memref<64xi32, #tpu.memory_space<smem>>
    %c0_i32 = arith.constant 0 : i32
    %c0_i32_1 = arith.constant 0 : i32
    %c0_i32_2 = arith.constant 0 : i32
    return %get3A_0, %c0_i32, %c0_i32_1 : i32, i32, i32
  }
  func.func @transform_2(%arg0: i32, %arg1: memref<64xi32, #tpu.memory_space<smem>>) -> (i32, i32, i32) {
    %get3A = arith.index_cast %arg0 : i32 to index
    %get3A_0 = memref.load %arg1[%get3A] : memref<64xi32, #tpu.memory_space<smem>>
    %c0_i32 = arith.constant 0 : i32
    %c0_i32_1 = arith.constant 0 : i32
    %c0_i32_2 = arith.constant 0 : i32
    return %get3A_0, %c0_i32, %c0_i32_1 : i32, i32, i32
  }
  func.func @transform_3(%arg0: i32, %arg1: memref<64xi32, #tpu.memory_space<smem>>) -> (i32, i32, i32) {
    %get3A = arith.index_cast %arg0 : i32 to index
    %get3A_0 = memref.load %arg1[%get3A] : memref<64xi32, #tpu.memory_space<smem>>
    %c0_i32 = arith.constant 0 : i32
    %c0_i32_1 = arith.constant 0 : i32
    %c0_i32_2 = arith.constant 0 : i32
    return %get3A_0, %c0_i32, %c0_i32_1 : i32, i32, i32
  }
  func.func @transform_4(%arg0: i32, %arg1: memref<64xi32, #tpu.memory_space<smem>>) -> (i32, i32) {
    %c0_i32 = arith.constant 0 : i32
    %c0_i32_0 = arith.constant 0 : i32
    return %arg0, %c0_i32 : i32, i32
  }
}

module attributes {stable_mosaic.version = 14 : i64} {
  func.func @_router_body(%arg0: i32, %arg1: i32, %arg2: memref<256x1024xf32, #tpu.memory_space<vmem>>, %arg3: memref<8x1024xf32, #tpu.memory_space<vmem>>, %arg4: memref<1x8xf32, #tpu.memory_space<vmem>>, %arg5: memref<256x2xf32, #tpu.memory_space<vmem>>, %arg6: memref<256x1xi32, #tpu.memory_space<vmem>>, %arg7: memref<256x1xi32, #tpu.memory_space<vmem>>, %arg8: memref<256x1024xbf16, #tpu.memory_space<vmem>>, %arg9: memref<64x1xi32, #tpu.memory_space<vmem>>, %arg10: memref<1x1xf32, #tpu.memory_space<vmem>>, %arg11: memref<4096x8xi32, #tpu.memory_space<vmem>>, %arg12: memref<4096x2xf32, #tpu.memory_space<vmem>>, %arg13: memref<16x8xf32, #tpu.memory_space<vmem>>, %arg14: memref<1x8xf32, #tpu.memory_space<vmem>>, %arg15: memref<1x8xf32, #tpu.memory_space<vmem>>, %arg16: memref<1xf32, #tpu.memory_space<smem>>) attributes {dimension_semantics = [#tpu.dimension_semantics<arbitrary>, #tpu.dimension_semantics<arbitrary>], iteration_bounds = array<i64: 2, 16>, scalar_prefetch = 0 : i64, scratch_operands = 6 : i64, tpu.core_type = #tpu.core_type<tc>, window_params = [{transform_indices = @transform_0, window_bounds = array<i64: 256, 1024>}, {pipeline_mode = #tpu.pipeline_mode<synchronous>, transform_indices = @transform_1, window_bounds = array<i64: 8, 1024>}, {pipeline_mode = #tpu.pipeline_mode<synchronous>, transform_indices = @transform_2, window_bounds = array<i64: 1, 8>}, {transform_indices = @transform_3, window_bounds = array<i64: 256, 2>}, {transform_indices = @transform_4, window_bounds = array<i64: 256, 1>}, {transform_indices = @transform_5, window_bounds = array<i64: 256, 1>}, {transform_indices = @transform_6, window_bounds = array<i64: 256, 1024>}, {pipeline_mode = #tpu.pipeline_mode<synchronous>, transform_indices = @transform_7, window_bounds = array<i64: 64, 1>}, {pipeline_mode = #tpu.pipeline_mode<synchronous>, transform_indices = @transform_8, window_bounds = array<i64: 1, 1>}]} {
    %mul3A = arith.constant 256 : i32
    %mul3A_0 = arith.muli %arg1, %mul3A : i32
    %eq3A = arith.constant 0 : i32
    %eq3A_1 = arith.cmpi eq, %arg0, %eq3A : i32
    %convert_element_type3A = arith.extui %eq3A_1 : i1 to i32
    %cond3A = arith.constant 0 : i32
    %cond3A_2 = arith.cmpi ne, %convert_element_type3A, %cond3A : i32
    scf.if %cond3A_2 {
      %get3A = arith.constant 0 : index
      %get3A_8 = arith.constant 0 : index
      %get3A_9 = vector.load %arg2[%get3A, %get3A_8] : memref<256x1024xf32, #tpu.memory_space<vmem>>, vector<256x1024xf32>
      %get3A_10 = arith.constant 0 : index
      %get3A_11 = arith.constant 0 : index
      %get3A_12 = vector.load %arg3[%get3A_10, %get3A_11] : memref<8x1024xf32, #tpu.memory_space<vmem>>, vector<8x1024xf32>
      %dot_general3A = arith.constant dense<0.000000e+00> : vector<256x8xf32>
      %dot_general3A_13 = tpu.matmul %get3A_9, %get3A_12, %dot_general3A {dimension_numbers = #tpu.dot_dimension_numbers<[1], [1], [0], [0], [0, 0, 1, 0], [], []>, transpose_lhs_hint = false} : vector<256x1024xf32>, vector<8x1024xf32>, vector<256x8xf32> -> vector<256x8xf32>
      %logistic3A = arith.negf %dot_general3A_13 : vector<256x8xf32>
      %logistic3A_14 = math.exp %logistic3A : vector<256x8xf32>
      %logistic3A_15 = arith.constant 1.000000e+00 : f32
      %logistic3A_16 = vector.broadcast %logistic3A_15 : f32 to vector<256x8xf32>
      %logistic3A_17 = arith.addf %logistic3A_16, %logistic3A_14 : vector<256x8xf32>
      %logistic3A_18 = arith.divf %logistic3A_16, %logistic3A_17 : vector<256x8xf32>
      %get3A_19 = arith.constant 0 : index
      %get3A_20 = arith.constant 0 : index
      %get3A_21 = vector.load %arg4[%get3A_19, %get3A_20] : memref<1x8xf32, #tpu.memory_space<vmem>>, vector<1x8xf32>
      %add3A = vector.broadcast %get3A_21 : vector<1x8xf32> to vector<256x8xf32>
      %add3A_22 = arith.addf %logistic3A_18, %add3A : vector<256x8xf32>
      %iota3A = tpu.iota {dimensions = array<i32: 1>} : vector<256x8xi32>
      %iota3A_23 = tpu.iota {dimensions = array<i32: 1>} : vector<256x4xi32>
      %iota3A_24 = tpu.iota {dimensions = array<i32: 0>} : vector<8x4xi32>
      %jit3A = arith.constant 2 : i32
      %div3A = vector.broadcast %jit3A : i32 to vector<8x4xi32>
      %div3A_25 = arith.divsi %iota3A_24, %div3A : vector<8x4xi32>
      %sign3A = arith.constant 0 : i32
      %sign3A_26 = vector.broadcast %sign3A : i32 to vector<8x4xi32>
      %sign3A_27 = arith.cmpi sgt, %iota3A_24, %sign3A_26 : vector<8x4xi32>
      %sign3A_28 = arith.extui %sign3A_27 : vector<8x4xi1> to vector<8x4xi32>
      %sign3A_29 = arith.constant 0 : i32
      %sign3A_30 = vector.broadcast %sign3A_29 : i32 to vector<8x4xi32>
      %sign3A_31 = arith.cmpi slt, %iota3A_24, %sign3A_30 : vector<8x4xi32>
      %sign3A_32 = arith.extui %sign3A_31 : vector<8x4xi1> to vector<8x4xi32>
      %sign3A_33 = arith.subi %sign3A_28, %sign3A_32 : vector<8x4xi32>
      %sign3A_34 = arith.constant 0 : i32
      %sign3A_35 = arith.cmpi sgt, %jit3A, %sign3A_34 : i32
      %sign3A_36 = arith.extui %sign3A_35 : i1 to i32
      %sign3A_37 = arith.constant 0 : i32
      %sign3A_38 = arith.cmpi slt, %jit3A, %sign3A_37 : i32
      %sign3A_39 = arith.extui %sign3A_38 : i1 to i32
      %sign3A_40 = arith.subi %sign3A_36, %sign3A_39 : i32
      %ne3A = vector.broadcast %sign3A_40 : i32 to vector<8x4xi32>
      %ne3A_41 = arith.cmpi ne, %sign3A_33, %ne3A : vector<8x4xi32>
      %rem3A = vector.broadcast %jit3A : i32 to vector<8x4xi32>
      %rem3A_42 = arith.remsi %iota3A_24, %rem3A : vector<8x4xi32>
      %ne3A_43 = arith.constant 0 : i32
      %ne3A_44 = vector.broadcast %ne3A_43 : i32 to vector<8x4xi32>
      %ne3A_45 = arith.cmpi ne, %rem3A_42, %ne3A_44 : vector<8x4xi32>
      %and3A = arith.andi %ne3A_41, %ne3A_45 : vector<8x4xi1>
      %sub3A = arith.constant 1 : i32
      %sub3A_46 = vector.broadcast %sub3A : i32 to vector<8x4xi32>
      %sub3A_47 = arith.subi %div3A_25, %sub3A_46 : vector<8x4xi32>
      %select_n3A = arith.select %and3A, %sub3A_47, %div3A_25 : vector<8x4xi1>, vector<8x4xi32>
      %iota3A_48 = tpu.iota {dimensions = array<i32: 1>} : vector<8x4xi32>
      %eq3A_49 = arith.cmpi eq, %select_n3A, %iota3A_48 : vector<8x4xi32>
      %convert_element_type3A_50 = arith.extui %eq3A_49 : vector<8x4xi1> to vector<8x4xi32>
      %convert_element_type3A_51 = arith.sitofp %convert_element_type3A_50 : vector<8x4xi32> to vector<8x4xf32>
      %dot_general3A_52 = arith.constant dense<0.000000e+00> : vector<256x4xf32>
      %dot_general3A_53 = tpu.matmul %add3A_22, %convert_element_type3A_51, %dot_general3A_52 {dimension_numbers = #tpu.dot_dimension_numbers<[1], [0], [0], [1], [0, 0, 1, 1], [], []>, precision = #tpu.contract_precision<fp32>, transpose_lhs_hint = false} : vector<256x8xf32>, vector<8x4xf32>, vector<256x4xf32> -> vector<256x4xf32>
      %reduce_max3A = arith.constant dense<0xFF800000> : vector<256xf32>
      %reduce_max3A_54 = vector.multi_reduction <maximumf>, %dot_general3A_53, %reduce_max3A [1] : vector<256x4xf32> to vector<256xf32>
      %broadcast_in_dim3A = vector.shape_cast %reduce_max3A_54 : vector<256xf32> to vector<256x1xf32>
      %eq3A_55 = vector.broadcast %broadcast_in_dim3A : vector<256x1xf32> to vector<256x4xf32>
      %eq3A_56 = arith.cmpf oeq, %dot_general3A_53, %eq3A_55 : vector<256x4xf32>
      %jit3A_57 = arith.constant 4 : i32
      %broadcast_in_dim3A_58 = vector.broadcast %jit3A_57 : i32 to vector<256x4xi32>
      %select_n3A_59 = arith.select %eq3A_56, %iota3A_23, %broadcast_in_dim3A_58 : vector<256x4xi1>, vector<256x4xi32>
      %reduce_min3A = arith.constant dense<2147483647> : vector<256xi32>
      %reduce_min3A_60 = vector.multi_reduction <minsi>, %select_n3A_59, %reduce_min3A [1] : vector<256x4xi32> to vector<256xi32>
      %broadcast_in_dim3A_61 = vector.shape_cast %reduce_min3A_60 : vector<256xi32> to vector<256x1xi32>
      %eq3A_62 = vector.broadcast %broadcast_in_dim3A_61 : vector<256x1xi32> to vector<256x4xi32>
      %eq3A_63 = arith.cmpi eq, %iota3A_23, %eq3A_62 : vector<256x4xi32>
      %jit3A_64 = arith.constant 0xFF800000 : f32
      %broadcast_in_dim3A_65 = vector.broadcast %jit3A_64 : f32 to vector<256x4xf32>
      %select_n3A_66 = arith.select %eq3A_63, %broadcast_in_dim3A_65, %dot_general3A_53 : vector<256x4xi1>, vector<256x4xf32>
      %reduce_max3A_67 = arith.constant dense<0xFF800000> : vector<256xf32>
      %reduce_max3A_68 = vector.multi_reduction <maximumf>, %select_n3A_66, %reduce_max3A_67 [1] : vector<256x4xf32> to vector<256xf32>
      %broadcast_in_dim3A_69 = vector.shape_cast %reduce_max3A_68 : vector<256xf32> to vector<256x1xf32>
      %eq3A_70 = vector.broadcast %broadcast_in_dim3A_69 : vector<256x1xf32> to vector<256x4xf32>
      %eq3A_71 = arith.cmpf oeq, %select_n3A_66, %eq3A_70 : vector<256x4xf32>
      %jit3A_72 = arith.constant 4 : i32
      %broadcast_in_dim3A_73 = vector.broadcast %jit3A_72 : i32 to vector<256x4xi32>
      %select_n3A_74 = arith.select %eq3A_71, %iota3A_23, %broadcast_in_dim3A_73 : vector<256x4xi1>, vector<256x4xi32>
      %reduce_min3A_75 = arith.constant dense<2147483647> : vector<256xi32>
      %reduce_min3A_76 = vector.multi_reduction <minsi>, %select_n3A_74, %reduce_min3A_75 [1] : vector<256x4xi32> to vector<256xi32>
      %broadcast_in_dim3A_77 = vector.shape_cast %reduce_min3A_76 : vector<256xi32> to vector<256x1xi32>
      %jit3A_78 = arith.constant 2 : i32
      %div3A_79 = vector.broadcast %jit3A_78 : i32 to vector<256x8xi32>
      %div3A_80 = arith.divsi %iota3A, %div3A_79 : vector<256x8xi32>
      %sign3A_81 = arith.constant 0 : i32
      %sign3A_82 = vector.broadcast %sign3A_81 : i32 to vector<256x8xi32>
      %sign3A_83 = arith.cmpi sgt, %iota3A, %sign3A_82 : vector<256x8xi32>
      %sign3A_84 = arith.extui %sign3A_83 : vector<256x8xi1> to vector<256x8xi32>
      %sign3A_85 = arith.constant 0 : i32
      %sign3A_86 = vector.broadcast %sign3A_85 : i32 to vector<256x8xi32>
      %sign3A_87 = arith.cmpi slt, %iota3A, %sign3A_86 : vector<256x8xi32>
      %sign3A_88 = arith.extui %sign3A_87 : vector<256x8xi1> to vector<256x8xi32>
      %sign3A_89 = arith.subi %sign3A_84, %sign3A_88 : vector<256x8xi32>
      %sign3A_90 = arith.constant 0 : i32
      %sign3A_91 = arith.cmpi sgt, %jit3A_78, %sign3A_90 : i32
      %sign3A_92 = arith.extui %sign3A_91 : i1 to i32
      %sign3A_93 = arith.constant 0 : i32
      %sign3A_94 = arith.cmpi slt, %jit3A_78, %sign3A_93 : i32
      %sign3A_95 = arith.extui %sign3A_94 : i1 to i32
      %sign3A_96 = arith.subi %sign3A_92, %sign3A_95 : i32
      %ne3A_97 = vector.broadcast %sign3A_96 : i32 to vector<256x8xi32>
      %ne3A_98 = arith.cmpi ne, %sign3A_89, %ne3A_97 : vector<256x8xi32>
      %rem3A_99 = vector.broadcast %jit3A_78 : i32 to vector<256x8xi32>
      %rem3A_100 = arith.remsi %iota3A, %rem3A_99 : vector<256x8xi32>
      %ne3A_101 = arith.constant 0 : i32
      %ne3A_102 = vector.broadcast %ne3A_101 : i32 to vector<256x8xi32>
      %ne3A_103 = arith.cmpi ne, %rem3A_100, %ne3A_102 : vector<256x8xi32>
      %and3A_104 = arith.andi %ne3A_98, %ne3A_103 : vector<256x8xi1>
      %sub3A_105 = arith.constant 1 : i32
      %sub3A_106 = vector.broadcast %sub3A_105 : i32 to vector<256x8xi32>
      %sub3A_107 = arith.subi %div3A_80, %sub3A_106 : vector<256x8xi32>
      %select_n3A_108 = arith.select %and3A_104, %sub3A_107, %div3A_80 : vector<256x8xi1>, vector<256x8xi32>
      %eq3A_109 = vector.broadcast %broadcast_in_dim3A_61 : vector<256x1xi32> to vector<256x8xi32>
      %eq3A_110 = arith.cmpi eq, %select_n3A_108, %eq3A_109 : vector<256x8xi32>
      %eq3A_111 = vector.broadcast %broadcast_in_dim3A_77 : vector<256x1xi32> to vector<256x8xi32>
      %eq3A_112 = arith.cmpi eq, %select_n3A_108, %eq3A_111 : vector<256x8xi32>
      %or3A = arith.ori %eq3A_110, %eq3A_112 : vector<256x8xi1>
      %jit3A_113 = arith.constant -1.000000e+00 : f32
      %broadcast_in_dim3A_114 = vector.broadcast %jit3A_113 : f32 to vector<256x8xf32>
      %select_n3A_115 = arith.select %or3A, %add3A_22, %broadcast_in_dim3A_114 : vector<256x8xi1>, vector<256x8xf32>
      %reduce_max3A_116 = arith.constant dense<0xFF800000> : vector<256xf32>
      %reduce_max3A_117 = vector.multi_reduction <maximumf>, %select_n3A_115, %reduce_max3A_116 [1] : vector<256x8xf32> to vector<256xf32>
      %broadcast_in_dim3A_118 = vector.shape_cast %reduce_max3A_117 : vector<256xf32> to vector<256x1xf32>
      %eq3A_119 = vector.broadcast %broadcast_in_dim3A_118 : vector<256x1xf32> to vector<256x8xf32>
      %eq3A_120 = arith.cmpf oeq, %select_n3A_115, %eq3A_119 : vector<256x8xf32>
      %jit3A_121 = arith.constant 8 : i32
      %broadcast_in_dim3A_122 = vector.broadcast %jit3A_121 : i32 to vector<256x8xi32>
      %select_n3A_123 = arith.select %eq3A_120, %iota3A, %broadcast_in_dim3A_122 : vector<256x8xi1>, vector<256x8xi32>
      %reduce_min3A_124 = arith.constant dense<2147483647> : vector<256xi32>
      %reduce_min3A_125 = vector.multi_reduction <minsi>, %select_n3A_123, %reduce_min3A_124 [1] : vector<256x8xi32> to vector<256xi32>
      %broadcast_in_dim3A_126 = vector.shape_cast %reduce_min3A_125 : vector<256xi32> to vector<256x1xi32>
      %eq3A_127 = vector.broadcast %broadcast_in_dim3A_126 : vector<256x1xi32> to vector<256x8xi32>
      %eq3A_128 = arith.cmpi eq, %iota3A, %eq3A_127 : vector<256x8xi32>
      %jit3A_129 = arith.constant 0xFF800000 : f32
      %broadcast_in_dim3A_130 = vector.broadcast %jit3A_129 : f32 to vector<256x8xf32>
      %select_n3A_131 = arith.select %eq3A_128, %broadcast_in_dim3A_130, %select_n3A_115 : vector<256x8xi1>, vector<256x8xf32>
      %reduce_max3A_132 = arith.constant dense<0xFF800000> : vector<256xf32>
      %reduce_max3A_133 = vector.multi_reduction <maximumf>, %select_n3A_131, %reduce_max3A_132 [1] : vector<256x8xf32> to vector<256xf32>
      %broadcast_in_dim3A_134 = vector.shape_cast %reduce_max3A_133 : vector<256xf32> to vector<256x1xf32>
      %eq3A_135 = vector.broadcast %broadcast_in_dim3A_134 : vector<256x1xf32> to vector<256x8xf32>
      %eq3A_136 = arith.cmpf oeq, %select_n3A_131, %eq3A_135 : vector<256x8xf32>
      %jit3A_137 = arith.constant 8 : i32
      %broadcast_in_dim3A_138 = vector.broadcast %jit3A_137 : i32 to vector<256x8xi32>
      %select_n3A_139 = arith.select %eq3A_136, %iota3A, %broadcast_in_dim3A_138 : vector<256x8xi1>, vector<256x8xi32>
      %reduce_min3A_140 = arith.constant dense<2147483647> : vector<256xi32>
      %reduce_min3A_141 = vector.multi_reduction <minsi>, %select_n3A_139, %reduce_min3A_140 [1] : vector<256x8xi32> to vector<256xi32>
      %broadcast_in_dim3A_142 = vector.shape_cast %reduce_min3A_141 : vector<256xi32> to vector<256x1xi32>
      %eq3A_143 = vector.broadcast %broadcast_in_dim3A_126 : vector<256x1xi32> to vector<256x8xi32>
      %eq3A_144 = arith.cmpi eq, %iota3A, %eq3A_143 : vector<256x8xi32>
      %convert_element_type3A_145 = arith.extui %eq3A_144 : vector<256x8xi1> to vector<256x8xi32>
      %convert_element_type3A_146 = arith.sitofp %convert_element_type3A_145 : vector<256x8xi32> to vector<256x8xf32>
      %eq3A_147 = vector.broadcast %broadcast_in_dim3A_142 : vector<256x1xi32> to vector<256x8xi32>
      %eq3A_148 = arith.cmpi eq, %iota3A, %eq3A_147 : vector<256x8xi32>
      %convert_element_type3A_149 = arith.extui %eq3A_148 : vector<256x8xi1> to vector<256x8xi32>
      %convert_element_type3A_150 = arith.sitofp %convert_element_type3A_149 : vector<256x8xi32> to vector<256x8xf32>
      %mul3A_151 = arith.mulf %convert_element_type3A_146, %logistic3A_18 : vector<256x8xf32>
      %reduce_sum3A = arith.constant dense<0.000000e+00> : vector<256xf32>
      %reduce_sum3A_152 = vector.multi_reduction <add>, %mul3A_151, %reduce_sum3A [1] : vector<256x8xf32> to vector<256xf32>
      %broadcast_in_dim3A_153 = vector.shape_cast %reduce_sum3A_152 : vector<256xf32> to vector<256x1xf32>
      %mul3A_154 = arith.mulf %convert_element_type3A_150, %logistic3A_18 : vector<256x8xf32>
      %reduce_sum3A_155 = arith.constant dense<0.000000e+00> : vector<256xf32>
      %reduce_sum3A_156 = vector.multi_reduction <add>, %mul3A_154, %reduce_sum3A_155 [1] : vector<256x8xf32> to vector<256xf32>
      %broadcast_in_dim3A_157 = vector.shape_cast %reduce_sum3A_156 : vector<256xf32> to vector<256x1xf32>
      %add3A_158 = arith.addf %broadcast_in_dim3A_153, %broadcast_in_dim3A_157 : vector<256x1xf32>
      %add3A_159 = arith.constant 9.99999968E-21 : f32
      %add3A_160 = vector.broadcast %add3A_159 : f32 to vector<256x1xf32>
      %add3A_161 = arith.addf %add3A_158, %add3A_160 : vector<256x1xf32>
      %div3A_162 = arith.divf %broadcast_in_dim3A_153, %add3A_161 : vector<256x1xf32>
      %mul3A_163 = arith.constant 2.500000e+00 : f32
      %mul3A_164 = vector.broadcast %mul3A_163 : f32 to vector<256x1xf32>
      %mul3A_165 = arith.mulf %div3A_162, %mul3A_164 : vector<256x1xf32>
      %div3A_166 = arith.divf %broadcast_in_dim3A_157, %add3A_161 : vector<256x1xf32>
      %mul3A_167 = arith.constant 2.500000e+00 : f32
      %mul3A_168 = vector.broadcast %mul3A_167 : f32 to vector<256x1xf32>
      %mul3A_169 = arith.mulf %div3A_166, %mul3A_168 : vector<256x1xf32>
      %add3A_170 = arith.addf %convert_element_type3A_146, %convert_element_type3A_150 : vector<256x8xf32>
      %iota3A_171 = tpu.iota {dimensions = array<i32: 0>} : vector<256x256xi32>
      %iota3A_172 = tpu.iota {dimensions = array<i32: 1>} : vector<256x256xi32>
      %gt3A = arith.cmpi sgt, %iota3A_171, %iota3A_172 : vector<256x256xi32>
      %convert_element_type3A_173 = arith.extui %gt3A : vector<256x256xi1> to vector<256x256xi32>
      %convert_element_type3A_174 = arith.sitofp %convert_element_type3A_173 : vector<256x256xi32> to vector<256x256xf32>
      %dot_general3A_175 = arith.constant dense<0.000000e+00> : vector<256x8xf32>
      %dot_general3A_176 = tpu.matmul %convert_element_type3A_174, %add3A_170, %dot_general3A_175 {dimension_numbers = #tpu.dot_dimension_numbers<[1], [0], [0], [1], [0, 0, 1, 1], [], []>, transpose_lhs_hint = false} : vector<256x256xf32>, vector<256x8xf32>, vector<256x8xf32> -> vector<256x8xf32>
      %mul3A_177 = arith.mulf %convert_element_type3A_146, %dot_general3A_176 : vector<256x8xf32>
      %reduce_sum3A_178 = arith.constant dense<0.000000e+00> : vector<256xf32>
      %reduce_sum3A_179 = vector.multi_reduction <add>, %mul3A_177, %reduce_sum3A_178 [1] : vector<256x8xf32> to vector<256xf32>
      %broadcast_in_dim3A_180 = vector.shape_cast %reduce_sum3A_179 : vector<256xf32> to vector<256x1xf32>
      %mul3A_181 = arith.mulf %convert_element_type3A_150, %dot_general3A_176 : vector<256x8xf32>
      %reduce_sum3A_182 = arith.constant dense<0.000000e+00> : vector<256xf32>
      %reduce_sum3A_183 = vector.multi_reduction <add>, %mul3A_181, %reduce_sum3A_182 [1] : vector<256x8xf32> to vector<256xf32>
      %broadcast_in_dim3A_184 = vector.shape_cast %reduce_sum3A_183 : vector<256xf32> to vector<256x1xf32>
      %convert_element_type3A_185 = arith.fptosi %broadcast_in_dim3A_180 : vector<256x1xf32> to vector<256x1xi32>
      %convert_element_type3A_186 = arith.fptosi %broadcast_in_dim3A_184 : vector<256x1xf32> to vector<256x1xi32>
      %broadcast_in_dim3A_187 = arith.constant 0 : i32
      %broadcast_in_dim3A_188 = vector.broadcast %broadcast_in_dim3A_187 : i32 to vector<256x4xi32>
      %concatenate3A = tpu.concatenate %broadcast_in_dim3A_126, %broadcast_in_dim3A_142, %convert_element_type3A_185, %convert_element_type3A_186, %broadcast_in_dim3A_188 in 1 : vector<256x1xi32>, vector<256x1xi32>, vector<256x1xi32>, vector<256x1xi32>, vector<256x4xi32> -> vector<256x8xi32>
      %swap3A = arith.index_cast %mul3A_0 : i32 to index
      %swap3A_189 = arith.constant 0 : index
      %swap3A_190 = vector.load %arg11[%swap3A, %swap3A_189] : memref<4096x8xi32, #tpu.memory_space<vmem>>, vector<256x8xi32>
      tpu.vector_store %arg11[%swap3A, %swap3A_189], %concatenate3A {strides = array<i32>} : memref<4096x8xi32, #tpu.memory_space<vmem>>, vector<256x8xi32>,
      %concatenate3A_191 = tpu.concatenate %mul3A_165, %mul3A_169 in 1 : vector<256x1xf32>, vector<256x1xf32> -> vector<256x2xf32>
      %swap3A_192 = arith.index_cast %mul3A_0 : i32 to index
      %swap3A_193 = arith.constant 0 : index
      %swap3A_194 = vector.load %arg12[%swap3A_192, %swap3A_193] : memref<4096x2xf32, #tpu.memory_space<vmem>>, vector<256x2xf32>
      tpu.vector_store %arg12[%swap3A_192, %swap3A_193], %concatenate3A_191 {strides = array<i32>} : memref<4096x2xf32, #tpu.memory_space<vmem>>, vector<256x2xf32>,
      %reduce_sum3A_195 = arith.constant dense<0.000000e+00> : vector<8xf32>
      %reduce_sum3A_196 = vector.multi_reduction <add>, %add3A_170, %reduce_sum3A_195 [0] : vector<256x8xf32> to vector<8xf32>
      %broadcast_in_dim3A_197 = vector.shape_cast %reduce_sum3A_196 : vector<8xf32> to vector<1x8xf32>
      %swap3A_198 = arith.index_cast %arg1 : i32 to index
      %swap3A_199 = arith.constant 0 : index
      %swap3A_200 = vector.load %arg13[%swap3A_198, %swap3A_199] : memref<16x8xf32, #tpu.memory_space<vmem>>, vector<1x8xf32>
      tpu.vector_store %arg13[%swap3A_198, %swap3A_199], %broadcast_in_dim3A_197 {strides = array<i32>} : memref<16x8xf32, #tpu.memory_space<vmem>>, vector<1x8xf32>,
      %eq3A_201 = arith.constant 0 : i32
      %eq3A_202 = arith.cmpi eq, %arg1, %eq3A_201 : i32
      %convert_element_type3A_203 = arith.extui %eq3A_202 : i1 to i32
      %cond3A_204 = arith.constant 0 : i32
      %cond3A_205 = arith.cmpi ne, %convert_element_type3A_203, %cond3A_204 : i32
      scf.if %cond3A_205 {
        %broadcast_in_dim3A_253 = arith.constant 0.000000e+00 : f32
        %broadcast_in_dim3A_254 = vector.broadcast %broadcast_in_dim3A_253 : f32 to vector<1x8xf32>
        %swap3A_255 = arith.constant 0 : index
        %swap3A_256 = arith.constant 0 : index
        %swap3A_257 = vector.load %arg14[%swap3A_255, %swap3A_256] : memref<1x8xf32, #tpu.memory_space<vmem>>, vector<1x8xf32>
        tpu.vector_store %arg14[%swap3A_255, %swap3A_256], %broadcast_in_dim3A_254 {strides = array<i32>} : memref<1x8xf32, #tpu.memory_space<vmem>>, vector<1x8xf32>,
        %broadcast_in_dim3A_258 = arith.constant 0.000000e+00 : f32
        %broadcast_in_dim3A_259 = vector.broadcast %broadcast_in_dim3A_258 : f32 to vector<1x8xf32>
        %swap3A_260 = arith.constant 0 : index
        %swap3A_261 = arith.constant 0 : index
        %swap3A_262 = vector.load %arg15[%swap3A_260, %swap3A_261] : memref<1x8xf32, #tpu.memory_space<vmem>>, vector<1x8xf32>
        tpu.vector_store %arg15[%swap3A_260, %swap3A_261], %broadcast_in_dim3A_259 {strides = array<i32>} : memref<1x8xf32, #tpu.memory_space<vmem>>, vector<1x8xf32>,
        %swap3A_263 = arith.constant 0.000000e+00 : f32
        %swap3A_264 = arith.constant 0 : index
        %swap3A_265 = memref.load %arg16[%swap3A_264] : memref<1xf32, #tpu.memory_space<smem>>
        memref.store %swap3A_263, %arg16[%swap3A_264] : memref<1xf32, #tpu.memory_space<smem>>
      } else {
      }
      %get3A_206 = arith.constant 0 : index
      %get3A_207 = arith.constant 0 : index
      %get3A_208 = vector.load %arg14[%get3A_206, %get3A_207] : memref<1x8xf32, #tpu.memory_space<vmem>>, vector<1x8xf32>
      %mul3A_209 = vector.broadcast %mul3A_165 : vector<256x1xf32> to vector<256x8xf32>
      %mul3A_210 = arith.mulf %convert_element_type3A_146, %mul3A_209 : vector<256x8xf32>
      %mul3A_211 = vector.broadcast %mul3A_169 : vector<256x1xf32> to vector<256x8xf32>
      %mul3A_212 = arith.mulf %convert_element_type3A_150, %mul3A_211 : vector<256x8xf32>
      %add3A_213 = arith.addf %mul3A_210, %mul3A_212 : vector<256x8xf32>
      %reduce_sum3A_214 = arith.constant dense<0.000000e+00> : vector<8xf32>
      %reduce_sum3A_215 = vector.multi_reduction <add>, %add3A_213, %reduce_sum3A_214 [0] : vector<256x8xf32> to vector<8xf32>
      %broadcast_in_dim3A_216 = vector.shape_cast %reduce_sum3A_215 : vector<8xf32> to vector<1x8xf32>
      %add3A_217 = arith.addf %get3A_208, %broadcast_in_dim3A_216 : vector<1x8xf32>
      %swap3A_218 = arith.constant 0 : index
      %swap3A_219 = arith.constant 0 : index
      %swap3A_220 = vector.load %arg14[%swap3A_218, %swap3A_219] : memref<1x8xf32, #tpu.memory_space<vmem>>, vector<1x8xf32>
      tpu.vector_store %arg14[%swap3A_218, %swap3A_219], %add3A_217 {strides = array<i32>} : memref<1x8xf32, #tpu.memory_space<vmem>>, vector<1x8xf32>,
      %get3A_221 = arith.constant 0 : index
      %get3A_222 = arith.constant 0 : index
      %get3A_223 = vector.load %arg15[%get3A_221, %get3A_222] : memref<1x8xf32, #tpu.memory_space<vmem>>, vector<1x8xf32>
      %add3A_224 = arith.addf %get3A_223, %broadcast_in_dim3A_197 : vector<1x8xf32>
      %swap3A_225 = arith.constant 0 : index
      %swap3A_226 = arith.constant 0 : index
      %swap3A_227 = vector.load %arg15[%swap3A_225, %swap3A_226] : memref<1x8xf32, #tpu.memory_space<vmem>>, vector<1x8xf32>
      tpu.vector_store %arg15[%swap3A_225, %swap3A_226], %add3A_224 {strides = array<i32>} : memref<1x8xf32, #tpu.memory_space<vmem>>, vector<1x8xf32>,
      %reduce_max3A_228 = arith.constant dense<0xFF800000> : vector<256xf32>
      %reduce_max3A_229 = vector.multi_reduction <maximumf>, %dot_general3A_13, %reduce_max3A_228 [1] : vector<256x8xf32> to vector<256xf32>
      %broadcast_in_dim3A_230 = vector.shape_cast %reduce_max3A_229 : vector<256xf32> to vector<256x1xf32>
      %sub3A_231 = vector.broadcast %broadcast_in_dim3A_230 : vector<256x1xf32> to vector<256x8xf32>
      %sub3A_232 = arith.subf %dot_general3A_13, %sub3A_231 : vector<256x8xf32>
      %exp3A = math.exp %sub3A_232 : vector<256x8xf32>
      %reduce_sum3A_233 = arith.constant dense<0.000000e+00> : vector<256xf32>
      %reduce_sum3A_234 = vector.multi_reduction <add>, %exp3A, %reduce_sum3A_233 [1] : vector<256x8xf32> to vector<256xf32>
      %broadcast_in_dim3A_235 = vector.shape_cast %reduce_sum3A_234 : vector<256xf32> to vector<256x1xf32>
      %log3A = math.log %broadcast_in_dim3A_235 : vector<256x1xf32>
      %add3A_236 = arith.addf %log3A, %broadcast_in_dim3A_230 : vector<256x1xf32>
      %get3A_237 = arith.constant 0 : index
      %get3A_238 = memref.load %arg16[%get3A_237] : memref<1xf32, #tpu.memory_space<smem>>
      %mul3A_239 = arith.mulf %add3A_236, %add3A_236 : vector<256x1xf32>
      %reduce_sum3A_240 = vector.shape_cast %mul3A_239 : vector<256x1xf32> to vector<1x256x1xf32>
      %reduce_sum3A_241 = arith.constant dense<0.000000e+00> : vector<1xf32>
      %reduce_sum3A_242 = vector.multi_reduction <add>, %reduce_sum3A_240, %reduce_sum3A_241 [1, 2] : vector<1x256x1xf32> to vector<1xf32>
      %reduce_sum3A_243 = vector.shape_cast %reduce_sum3A_242 : vector<1xf32> to vector<1x1x1xf32>
      %reduce_sum3A_244 = vector.extract %reduce_sum3A_243[0, 0, 0] : f32 from vector<1x1x1xf32>
      %add3A_245 = arith.addf %get3A_238, %reduce_sum3A_244 : f32
      %swap3A_246 = arith.constant 0 : index
      %swap3A_247 = memref.load %arg16[%swap3A_246] : memref<1xf32, #tpu.memory_space<smem>>
      memref.store %add3A_245, %arg16[%swap3A_246] : memref<1xf32, #tpu.memory_space<smem>>
      %eq3A_248 = arith.constant 15 : i32
      %eq3A_249 = arith.cmpi eq, %arg1, %eq3A_248 : i32
      %convert_element_type3A_250 = arith.extui %eq3A_249 : i1 to i32
      %cond3A_251 = arith.constant 0 : i32
      %cond3A_252 = arith.cmpi ne, %convert_element_type3A_250, %cond3A_251 : i32
      scf.if %cond3A_252 {
        %get3A_253 = arith.constant 0 : index
        %get3A_254 = arith.constant 0 : index
        %get3A_255 = vector.load %arg14[%get3A_253, %get3A_254] : memref<1x8xf32, #tpu.memory_space<vmem>>, vector<1x8xf32>
        %div3A_256 = arith.constant 4.096000e+03 : f32
        %div3A_257 = vector.broadcast %div3A_256 : f32 to vector<1x8xf32>
        %div3A_258 = arith.divf %get3A_255, %div3A_257 : vector<1x8xf32>
        %get3A_259 = arith.constant 0 : index
        %get3A_260 = arith.constant 0 : index
        %get3A_261 = vector.load %arg15[%get3A_259, %get3A_260] : memref<1x8xf32, #tpu.memory_space<vmem>>, vector<1x8xf32>
        %div3A_262 = arith.constant 4.096000e+03 : f32
        %div3A_263 = vector.broadcast %div3A_262 : f32 to vector<1x8xf32>
        %div3A_264 = arith.divf %get3A_261, %div3A_263 : vector<1x8xf32>
        %mul3A_265 = arith.mulf %div3A_258, %div3A_264 : vector<1x8xf32>
        %reduce_sum3A_266 = vector.shape_cast %mul3A_265 : vector<1x8xf32> to vector<1x1x8xf32>
        %reduce_sum3A_267 = arith.constant dense<0.000000e+00> : vector<1xf32>
        %reduce_sum3A_268 = vector.multi_reduction <add>, %reduce_sum3A_266, %reduce_sum3A_267 [1, 2] : vector<1x1x8xf32> to vector<1xf32>
        %reduce_sum3A_269 = vector.shape_cast %reduce_sum3A_268 : vector<1xf32> to vector<1x1x1xf32>
        %reduce_sum3A_270 = vector.extract %reduce_sum3A_269[0, 0, 0] : f32 from vector<1x1x1xf32>
        %mul3A_271 = arith.constant 8.000000e+00 : f32
        %mul3A_272 = arith.mulf %mul3A_271, %reduce_sum3A_270 : f32
        %mul3A_273 = arith.constant 1.000000e-03 : f32
        %mul3A_274 = arith.mulf %mul3A_273, %mul3A_272 : f32
        %get3A_275 = arith.constant 0 : index
        %get3A_276 = memref.load %arg16[%get3A_275] : memref<1xf32, #tpu.memory_space<smem>>
        %div3A_277 = arith.constant 4.096000e+03 : f32
        %div3A_278 = arith.divf %get3A_276, %div3A_277 : f32
        %mul3A_279 = arith.constant 1.000000e-03 : f32
        %mul3A_280 = arith.mulf %mul3A_279, %div3A_278 : f32
        %add3A_281 = arith.addf %mul3A_274, %mul3A_280 : f32
        %broadcast_in_dim3A_282 = vector.broadcast %add3A_281 : f32 to vector<1x1xf32>
        %swap3A_283 = arith.constant 0 : index
        %swap3A_284 = arith.constant 0 : index
        %swap3A_285 = vector.load %arg10[%swap3A_283, %swap3A_284] : memref<1x1xf32, #tpu.memory_space<vmem>>, vector<1x1xf32>
        tpu.vector_store %arg10[%swap3A_283, %swap3A_284], %broadcast_in_dim3A_282 {strides = array<i32>} : memref<1x1xf32, #tpu.memory_space<vmem>>, vector<1x1xf32>,
      } else {
      }
    } else {
    }
    %eq3A_3 = arith.constant 1 : i32
    %eq3A_4 = arith.cmpi eq, %arg0, %eq3A_3 : i32
    %convert_element_type3A_5 = arith.extui %eq3A_4 : i1 to i32
    %cond3A_6 = arith.constant 0 : i32
    %cond3A_7 = arith.cmpi ne, %convert_element_type3A_5, %cond3A_6 : i32
    scf.if %cond3A_7 {
      %get3A = arith.constant 0 : index
      %get3A_8 = arith.constant 0 : index
      %get3A_9 = vector.load %arg13[%get3A, %get3A_8] : memref<16x8xf32, #tpu.memory_space<vmem>>, vector<16x8xf32>
      %reduce_sum3A = arith.constant dense<0.000000e+00> : vector<8xf32>
      %reduce_sum3A_10 = vector.multi_reduction <add>, %get3A_9, %reduce_sum3A [0] : vector<16x8xf32> to vector<8xf32>
      %broadcast_in_dim3A = vector.shape_cast %reduce_sum3A_10 : vector<8xf32> to vector<1x8xf32>
      %add3A = arith.constant 5.110000e+02 : f32
      %add3A_11 = vector.broadcast %add3A : f32 to vector<1x8xf32>
      %add3A_12 = arith.addf %broadcast_in_dim3A, %add3A_11 : vector<1x8xf32>
      %div3A = arith.constant 5.120000e+02 : f32
      %div3A_13 = vector.broadcast %div3A : f32 to vector<1x8xf32>
      %div3A_14 = arith.divf %add3A_12, %div3A_13 : vector<1x8xf32>
      %floor3A = math.floor %div3A_14 : vector<1x8xf32>
      %mul3A_15 = arith.constant 5.120000e+02 : f32
      %mul3A_16 = vector.broadcast %mul3A_15 : f32 to vector<1x8xf32>
      %mul3A_17 = arith.mulf %floor3A, %mul3A_16 : vector<1x8xf32>
      %iota3A = tpu.iota {dimensions = array<i32: 0>} : vector<8x8xi32>
      %iota3A_18 = tpu.iota {dimensions = array<i32: 1>} : vector<8x8xi32>
      %lt3A = arith.cmpi slt, %iota3A, %iota3A_18 : vector<8x8xi32>
      %convert_element_type3A_19 = arith.extui %lt3A : vector<8x8xi1> to vector<8x8xi32>
      %convert_element_type3A_20 = arith.sitofp %convert_element_type3A_19 : vector<8x8xi32> to vector<8x8xf32>
      %dot_general3A = arith.constant dense<0.000000e+00> : vector<1x8xf32>
      %dot_general3A_21 = tpu.matmul %mul3A_17, %convert_element_type3A_20, %dot_general3A {dimension_numbers = #tpu.dot_dimension_numbers<[1], [0], [0], [1], [0, 0, 1, 1], [], []>, precision = #tpu.contract_precision<fp32>, transpose_lhs_hint = false} : vector<1x8xf32>, vector<8x8xf32>, vector<1x8xf32> -> vector<1x8xf32>
      %iota3A_22 = tpu.iota {dimensions = array<i32: 0>} : vector<16x8xi32>
      %lt3A_23 = vector.broadcast %arg1 : i32 to vector<16x8xi32>
      %lt3A_24 = arith.cmpi slt, %iota3A_22, %lt3A_23 : vector<16x8xi32>
      %jit3A = arith.constant 0.000000e+00 : f32
      %broadcast_in_dim3A_25 = vector.broadcast %jit3A : f32 to vector<16x8xf32>
      %select_n3A = arith.select %lt3A_24, %get3A_9, %broadcast_in_dim3A_25 : vector<16x8xi1>, vector<16x8xf32>
      %reduce_sum3A_26 = arith.constant dense<0.000000e+00> : vector<8xf32>
      %reduce_sum3A_27 = vector.multi_reduction <add>, %select_n3A, %reduce_sum3A_26 [0] : vector<16x8xf32> to vector<8xf32>
      %broadcast_in_dim3A_28 = vector.shape_cast %reduce_sum3A_27 : vector<8xf32> to vector<1x8xf32>
      %add3A_29 = arith.addf %dot_general3A_21, %broadcast_in_dim3A_28 : vector<1x8xf32>
      %get3A_30 = arith.index_cast %mul3A_0 : i32 to index
      %get3A_31 = arith.constant 0 : index
      %get3A_32 = vector.load %arg11[%get3A_30, %get3A_31] : memref<4096x8xi32, #tpu.memory_space<vmem>>, vector<256x8xi32>
      %iota3A_33 = tpu.iota {dimensions = array<i32: 1>} : vector<256x8xi32>
      %slice3A = vector.extract_strided_slice %get3A_32 {offsets = [0, 0], sizes = [256, 1], strides = [1, 1]} : vector<256x8xi32> to vector<256x1xi32>
      %eq3A_34 = vector.broadcast %slice3A : vector<256x1xi32> to vector<256x8xi32>
      %eq3A_35 = arith.cmpi eq, %iota3A_33, %eq3A_34 : vector<256x8xi32>
      %convert_element_type3A_36 = arith.extui %eq3A_35 : vector<256x8xi1> to vector<256x8xi32>
      %convert_element_type3A_37 = arith.sitofp %convert_element_type3A_36 : vector<256x8xi32> to vector<256x8xf32>
      %slice3A_38 = vector.extract_strided_slice %get3A_32 {offsets = [0, 1], sizes = [256, 1], strides = [1, 1]} : vector<256x8xi32> to vector<256x1xi32>
      %eq3A_39 = vector.broadcast %slice3A_38 : vector<256x1xi32> to vector<256x8xi32>
      %eq3A_40 = arith.cmpi eq, %iota3A_33, %eq3A_39 : vector<256x8xi32>
      %convert_element_type3A_41 = arith.extui %eq3A_40 : vector<256x8xi1> to vector<256x8xi32>
      %convert_element_type3A_42 = arith.sitofp %convert_element_type3A_41 : vector<256x8xi32> to vector<256x8xf32>
      %broadcast_in_dim3A_43 = vector.shape_cast %add3A_29 : vector<1x8xf32> to vector<1x8xf32>
      %broadcast_in_dim3A_44 = vector.broadcast %broadcast_in_dim3A_43 : vector<1x8xf32> to vector<256x8xf32>
      %mul3A_45 = arith.mulf %convert_element_type3A_37, %broadcast_in_dim3A_44 : vector<256x8xf32>
      %reduce_sum3A_46 = arith.constant dense<0.000000e+00> : vector<256xf32>
      %reduce_sum3A_47 = vector.multi_reduction <add>, %mul3A_45, %reduce_sum3A_46 [1] : vector<256x8xf32> to vector<256xf32>
      %broadcast_in_dim3A_48 = vector.shape_cast %reduce_sum3A_47 : vector<256xf32> to vector<256x1xf32>
      %slice3A_49 = vector.extract_strided_slice %get3A_32 {offsets = [0, 2], sizes = [256, 1], strides = [1, 1]} : vector<256x8xi32> to vector<256x1xi32>
      %convert_element_type3A_50 = arith.sitofp %slice3A_49 : vector<256x1xi32> to vector<256x1xf32>
      %add3A_51 = arith.addf %broadcast_in_dim3A_48, %convert_element_type3A_50 : vector<256x1xf32>
      %mul3A_52 = arith.mulf %convert_element_type3A_42, %broadcast_in_dim3A_44 : vector<256x8xf32>
      %reduce_sum3A_53 = arith.constant dense<0.000000e+00> : vector<256xf32>
      %reduce_sum3A_54 = vector.multi_reduction <add>, %mul3A_52, %reduce_sum3A_53 [1] : vector<256x8xf32> to vector<256xf32>
      %broadcast_in_dim3A_55 = vector.shape_cast %reduce_sum3A_54 : vector<256xf32> to vector<256x1xf32>
      %slice3A_56 = vector.extract_strided_slice %get3A_32 {offsets = [0, 3], sizes = [256, 1], strides = [1, 1]} : vector<256x8xi32> to vector<256x1xi32>
      %convert_element_type3A_57 = arith.sitofp %slice3A_56 : vector<256x1xi32> to vector<256x1xf32>
      %add3A_58 = arith.addf %broadcast_in_dim3A_55, %convert_element_type3A_57 : vector<256x1xf32>
      %convert_element_type3A_59 = arith.fptosi %add3A_51 : vector<256x1xf32> to vector<256x1xi32>
      %swap3A = arith.constant 0 : index
      %swap3A_60 = arith.constant 0 : index
      %swap3A_61 = vector.load %arg6[%swap3A, %swap3A_60] : memref<256x1xi32, #tpu.memory_space<vmem>>, vector<256x1xi32>
      tpu.vector_store %arg6[%swap3A, %swap3A_60], %convert_element_type3A_59 {strides = array<i32>} : memref<256x1xi32, #tpu.memory_space<vmem>>, vector<256x1xi32>,
      %convert_element_type3A_62 = arith.fptosi %add3A_58 : vector<256x1xf32> to vector<256x1xi32>
      %swap3A_63 = arith.constant 0 : index
      %swap3A_64 = arith.constant 0 : index
      %swap3A_65 = vector.load %arg7[%swap3A_63, %swap3A_64] : memref<256x1xi32, #tpu.memory_space<vmem>>, vector<256x1xi32>
      tpu.vector_store %arg7[%swap3A_63, %swap3A_64], %convert_element_type3A_62 {strides = array<i32>} : memref<256x1xi32, #tpu.memory_space<vmem>>, vector<256x1xi32>,
      %get3A_66 = arith.index_cast %mul3A_0 : i32 to index
      %get3A_67 = arith.constant 0 : index
      %get3A_68 = vector.load %arg12[%get3A_66, %get3A_67] : memref<4096x2xf32, #tpu.memory_space<vmem>>, vector<256x2xf32>
      %swap3A_69 = arith.constant 0 : index
      %swap3A_70 = arith.constant 0 : index
      %swap3A_71 = vector.load %arg5[%swap3A_69, %swap3A_70] : memref<256x2xf32, #tpu.memory_space<vmem>>, vector<256x2xf32>
      tpu.vector_store %arg5[%swap3A_69, %swap3A_70], %get3A_68 {strides = array<i32>} : memref<256x2xf32, #tpu.memory_space<vmem>>, vector<256x2xf32>,
      %get3A_72 = arith.constant 0 : index
      %get3A_73 = arith.constant 0 : index
      %get3A_74 = vector.load %arg2[%get3A_72, %get3A_73] : memref<256x1024xf32, #tpu.memory_space<vmem>>, vector<256x1024xf32>
      %convert_element_type3A_75 = arith.truncf %get3A_74 : vector<256x1024xf32> to vector<256x1024xbf16>
      %swap3A_76 = arith.constant 0 : index
      %swap3A_77 = arith.constant 0 : index
      %swap3A_78 = vector.load %arg8[%swap3A_76, %swap3A_77] : memref<256x1024xbf16, #tpu.memory_space<vmem>>, vector<256x1024xbf16>
      tpu.vector_store %arg8[%swap3A_76, %swap3A_77], %convert_element_type3A_75 {strides = array<i32>} : memref<256x1024xbf16, #tpu.memory_space<vmem>>, vector<256x1024xbf16>,
      %eq3A_79 = arith.constant 0 : i32
      %eq3A_80 = arith.cmpi eq, %arg1, %eq3A_79 : i32
      %convert_element_type3A_81 = arith.extui %eq3A_80 : i1 to i32
      %cond3A_82 = arith.constant 0 : i32
      %cond3A_83 = arith.cmpi ne, %convert_element_type3A_81, %cond3A_82 : i32
      scf.if %cond3A_83 {
        %add3A_84 = arith.addf %dot_general3A_21, %mul3A_17 : vector<1x8xf32>
        %broadcast_in_dim3A_85 = vector.shape_cast %add3A_84 : vector<1x8xf32> to vector<1x8xf32>
        %broadcast_in_dim3A_86 = vector.broadcast %broadcast_in_dim3A_85 : vector<1x8xf32> to vector<64x8xf32>
        %iota3A_87 = tpu.iota {dimensions = array<i32: 0>} : vector<64x8xi32>
        %mul3A_88 = arith.constant 512 : i32
        %mul3A_89 = vector.broadcast %mul3A_88 : i32 to vector<64x8xi32>
        %mul3A_90 = arith.muli %iota3A_87, %mul3A_89 : vector<64x8xi32>
        %convert_element_type3A_91 = arith.sitofp %mul3A_90 : vector<64x8xi32> to vector<64x8xf32>
        %ge3A = arith.cmpf oge, %convert_element_type3A_91, %broadcast_in_dim3A_86 : vector<64x8xf32>
        %convert_element_type3A_92 = arith.extui %ge3A : vector<64x8xi1> to vector<64x8xi32>
        %reduce_sum3A_93 = arith.constant dense<0> : vector<64xi32>
        %reduce_sum3A_94 = vector.multi_reduction <add>, %convert_element_type3A_92, %reduce_sum3A_93 [1] : vector<64x8xi32> to vector<64xi32>
        %broadcast_in_dim3A_95 = vector.shape_cast %reduce_sum3A_94 : vector<64xi32> to vector<64x1xi32>
        %min3A = arith.constant 7 : i32
        %min3A_96 = vector.broadcast %min3A : i32 to vector<64x1xi32>
        %min3A_97 = arith.minsi %broadcast_in_dim3A_95, %min3A_96 : vector<64x1xi32>
        %swap3A_98 = arith.constant 0 : index
        %swap3A_99 = arith.constant 0 : index
        %swap3A_100 = vector.load %arg9[%swap3A_98, %swap3A_99] : memref<64x1xi32, #tpu.memory_space<vmem>>, vector<64x1xi32>
        tpu.vector_store %arg9[%swap3A_98, %swap3A_99], %min3A_97 {strides = array<i32>} : memref<64x1xi32, #tpu.memory_space<vmem>>, vector<64x1xi32>,
      } else {
      }
    } else {
    }
    return
  }
  func.func @transform_0(%arg0: i32, %arg1: i32) -> (i32, i32) {
    %c0_i32 = arith.constant 0 : i32
    %c0_i32_0 = arith.constant 0 : i32
    return %arg1, %c0_i32 : i32, i32
  }
  func.func @transform_1(%arg0: i32, %arg1: i32) -> (i32, i32) {
    %c0_i32 = arith.constant 0 : i32
    %c0_i32_0 = arith.constant 0 : i32
    %c0_i32_1 = arith.constant 0 : i32
    return %c0_i32, %c0_i32_0 : i32, i32
  }
  func.func @transform_2(%arg0: i32, %arg1: i32) -> (i32, i32) {
    %c0_i32 = arith.constant 0 : i32
    %c0_i32_0 = arith.constant 0 : i32
    %c0_i32_1 = arith.constant 0 : i32
    return %c0_i32, %c0_i32_0 : i32, i32
  }
  func.func @transform_3(%arg0: i32, %arg1: i32) -> (i32, i32) {
    %c0_i32 = arith.constant 0 : i32
    %c0_i32_0 = arith.constant 0 : i32
    return %arg1, %c0_i32 : i32, i32
  }
  func.func @transform_4(%arg0: i32, %arg1: i32) -> (i32, i32) {
    %c0_i32 = arith.constant 0 : i32
    %c0_i32_0 = arith.constant 0 : i32
    return %arg1, %c0_i32 : i32, i32
  }
  func.func @transform_5(%arg0: i32, %arg1: i32) -> (i32, i32) {
    %c0_i32 = arith.constant 0 : i32
    %c0_i32_0 = arith.constant 0 : i32
    return %arg1, %c0_i32 : i32, i32
  }
  func.func @transform_6(%arg0: i32, %arg1: i32) -> (i32, i32) {
    %c0_i32 = arith.constant 0 : i32
    %c0_i32_0 = arith.constant 0 : i32
    return %arg1, %c0_i32 : i32, i32
  }
  func.func @transform_7(%arg0: i32, %arg1: i32) -> (i32, i32) {
    %c0_i32 = arith.constant 0 : i32
    %c0_i32_0 = arith.constant 0 : i32
    %c0_i32_1 = arith.constant 0 : i32
    return %c0_i32, %c0_i32_0 : i32, i32
  }
  func.func @transform_8(%arg0: i32, %arg1: i32) -> (i32, i32) {
    %c0_i32 = arith.constant 0 : i32
    %c0_i32_0 = arith.constant 0 : i32
    %c0_i32_1 = arith.constant 0 : i32
    return %c0_i32, %c0_i32_0 : i32, i32
  }
}

module attributes {stable_mosaic.version = 14 : i64} {
  func.func @_ffn_shared_body(%arg0: i32, %arg1: memref<256x1024xbf16, #tpu.memory_space<vmem>>, %arg2: memref<512x1024xf32, #tpu.memory_space<vmem>>, %arg3: memref<512x1024xf32, #tpu.memory_space<vmem>>, %arg4: memref<1024x512xf32, #tpu.memory_space<vmem>>, %arg5: memref<256x1024xf32, #tpu.memory_space<vmem>>) attributes {dimension_semantics = [#tpu.dimension_semantics<arbitrary>], iteration_bounds = array<i64: 16>, scalar_prefetch = 0 : i64, scratch_operands = 0 : i64, tpu.core_type = #tpu.core_type<tc>, window_params = [{transform_indices = @transform_0, window_bounds = array<i64: 256, 1024>}, {pipeline_mode = #tpu.pipeline_mode<synchronous>, transform_indices = @transform_1, window_bounds = array<i64: 512, 1024>}, {pipeline_mode = #tpu.pipeline_mode<synchronous>, transform_indices = @transform_2, window_bounds = array<i64: 512, 1024>}, {pipeline_mode = #tpu.pipeline_mode<synchronous>, transform_indices = @transform_3, window_bounds = array<i64: 1024, 512>}, {transform_indices = @transform_4, window_bounds = array<i64: 256, 1024>}]} {
    %get3A = arith.constant 0 : index
    %get3A_0 = arith.constant 0 : index
    %get3A_1 = vector.load %arg1[%get3A, %get3A_0] : memref<256x1024xbf16, #tpu.memory_space<vmem>>, vector<256x1024xbf16>
    %get3A_2 = arith.constant 0 : index
    %get3A_3 = arith.constant 0 : index
    %get3A_4 = vector.load %arg2[%get3A_2, %get3A_3] : memref<512x1024xf32, #tpu.memory_space<vmem>>, vector<512x1024xf32>
    %get3A_5 = arith.constant 0 : index
    %get3A_6 = arith.constant 0 : index
    %get3A_7 = vector.load %arg3[%get3A_5, %get3A_6] : memref<512x1024xf32, #tpu.memory_space<vmem>>, vector<512x1024xf32>
    %get3A_8 = arith.constant 0 : index
    %get3A_9 = arith.constant 0 : index
    %get3A_10 = vector.load %arg4[%get3A_8, %get3A_9] : memref<1024x512xf32, #tpu.memory_space<vmem>>, vector<1024x512xf32>
    %convert_element_type3A = arith.truncf %get3A_4 : vector<512x1024xf32> to vector<512x1024xbf16>
    %convert_element_type3A_11 = arith.truncf %get3A_7 : vector<512x1024xf32> to vector<512x1024xbf16>
    %convert_element_type3A_12 = arith.truncf %get3A_10 : vector<1024x512xf32> to vector<1024x512xbf16>
    %dot_general3A = arith.constant dense<0.000000e+00> : vector<256x512xf32>
    %dot_general3A_13 = tpu.matmul %get3A_1, %convert_element_type3A, %dot_general3A {dimension_numbers = #tpu.dot_dimension_numbers<[1], [1], [0], [0], [0, 0, 1, 0], [], []>, transpose_lhs_hint = false} : vector<256x1024xbf16>, vector<512x1024xbf16>, vector<256x512xf32> -> vector<256x512xf32>
    %dot_general3A_14 = arith.constant dense<0.000000e+00> : vector<256x512xf32>
    %dot_general3A_15 = tpu.matmul %get3A_1, %convert_element_type3A_11, %dot_general3A_14 {dimension_numbers = #tpu.dot_dimension_numbers<[1], [1], [0], [0], [0, 0, 1, 0], [], []>, transpose_lhs_hint = false} : vector<256x1024xbf16>, vector<512x1024xbf16>, vector<256x512xf32> -> vector<256x512xf32>
    %logistic3A = arith.negf %dot_general3A_13 : vector<256x512xf32>
    %logistic3A_16 = math.exp %logistic3A : vector<256x512xf32>
    %logistic3A_17 = arith.constant 1.000000e+00 : f32
    %logistic3A_18 = vector.broadcast %logistic3A_17 : f32 to vector<256x512xf32>
    %logistic3A_19 = arith.addf %logistic3A_18, %logistic3A_16 : vector<256x512xf32>
    %logistic3A_20 = arith.divf %logistic3A_18, %logistic3A_19 : vector<256x512xf32>
    %mul3A = arith.mulf %dot_general3A_13, %logistic3A_20 : vector<256x512xf32>
    %mul3A_21 = arith.mulf %mul3A, %dot_general3A_15 : vector<256x512xf32>
    %convert_element_type3A_22 = arith.truncf %mul3A_21 : vector<256x512xf32> to vector<256x512xbf16>
    %dot_general3A_23 = arith.constant dense<0.000000e+00> : vector<256x1024xf32>
    %dot_general3A_24 = tpu.matmul %convert_element_type3A_22, %convert_element_type3A_12, %dot_general3A_23 {dimension_numbers = #tpu.dot_dimension_numbers<[1], [1], [0], [0], [0, 0, 1, 0], [], []>, transpose_lhs_hint = false} : vector<256x512xbf16>, vector<1024x512xbf16>, vector<256x1024xf32> -> vector<256x1024xf32>
    %swap3A = arith.constant 0 : index
    %swap3A_25 = arith.constant 0 : index
    %swap3A_26 = vector.load %arg5[%swap3A, %swap3A_25] : memref<256x1024xf32, #tpu.memory_space<vmem>>, vector<256x1024xf32>
    tpu.vector_store %arg5[%swap3A, %swap3A_25], %dot_general3A_24 {strides = array<i32>} : memref<256x1024xf32, #tpu.memory_space<vmem>>, vector<256x1024xf32>,
    return
  }
  func.func @transform_0(%arg0: i32) -> (i32, i32) {
    %c0_i32 = arith.constant 0 : i32
    %c0_i32_0 = arith.constant 0 : i32
    return %arg0, %c0_i32 : i32, i32
  }
  func.func @transform_1(%arg0: i32) -> (i32, i32) {
    %c0_i32 = arith.constant 0 : i32
    %c0_i32_0 = arith.constant 0 : i32
    %c0_i32_1 = arith.constant 0 : i32
    return %c0_i32, %c0_i32_0 : i32, i32
  }
  func.func @transform_2(%arg0: i32) -> (i32, i32) {
    %c0_i32 = arith.constant 0 : i32
    %c0_i32_0 = arith.constant 0 : i32
    %c0_i32_1 = arith.constant 0 : i32
    return %c0_i32, %c0_i32_0 : i32, i32
  }
  func.func @transform_3(%arg0: i32) -> (i32, i32) {
    %c0_i32 = arith.constant 0 : i32
    %c0_i32_0 = arith.constant 0 : i32
    %c0_i32_1 = arith.constant 0 : i32
    return %c0_i32, %c0_i32_0 : i32, i32
  }
  func.func @transform_4(%arg0: i32) -> (i32, i32) {
    %c0_i32 = arith.constant 0 : i32
    %c0_i32_0 = arith.constant 0 : i32
    return %arg0, %c0_i32 : i32, i32
  }
}

module attributes {stable_mosaic.version = 14 : i64} {
  func.func @_combine_body(%arg0: i32, %arg1: memref<1x256x1024xf32, #tpu.memory_space<vmem>>, %arg2: memref<1x256x1024xf32, #tpu.memory_space<vmem>>, %arg3: memref<256x1024xf32, #tpu.memory_space<vmem>>, %arg4: memref<256x2xf32, #tpu.memory_space<vmem>>, %arg5: memref<256x1024xf32, #tpu.memory_space<vmem>>) attributes {dimension_semantics = [#tpu.dimension_semantics<arbitrary>], iteration_bounds = array<i64: 16>, scalar_prefetch = 0 : i64, scratch_operands = 0 : i64, tpu.core_type = #tpu.core_type<tc>, window_params = [{transform_indices = @transform_0, window_bounds = array<i64: 1, 256, 1024>}, {transform_indices = @transform_1, window_bounds = array<i64: 1, 256, 1024>}, {transform_indices = @transform_2, window_bounds = array<i64: 256, 1024>}, {transform_indices = @transform_3, window_bounds = array<i64: 256, 2>}, {transform_indices = @transform_4, window_bounds = array<i64: 256, 1024>}]} {
    %get3A = arith.constant 0 : index
    %get3A_0 = arith.constant 0 : index
    %get3A_1 = vector.load %arg4[%get3A, %get3A_0] : memref<256x2xf32, #tpu.memory_space<vmem>>, vector<256x1xf32>
    %get3A_2 = arith.constant 0 : index
    %get3A_3 = arith.constant 1 : index
    %get3A_4 = vector.load %arg4[%get3A_2, %get3A_3] : memref<256x2xf32, #tpu.memory_space<vmem>>, vector<256x1xf32>
    %get3A_5 = arith.constant 0 : index
    %get3A_6 = arith.constant 0 : index
    %get3A_7 = arith.constant 0 : index
    %get3A_8 = vector.load %arg1[%get3A_5, %get3A_6, %get3A_7] : memref<1x256x1024xf32, #tpu.memory_space<vmem>>, vector<1x256x1024xf32>
    %get3A_9 = vector.shape_cast %get3A_8 : vector<1x256x1024xf32> to vector<256x1024xf32>
    %mul3A = vector.broadcast %get3A_1 : vector<256x1xf32> to vector<256x1024xf32>
    %mul3A_10 = arith.mulf %mul3A, %get3A_9 : vector<256x1024xf32>
    %get3A_11 = arith.constant 0 : index
    %get3A_12 = arith.constant 0 : index
    %get3A_13 = arith.constant 0 : index
    %get3A_14 = vector.load %arg2[%get3A_11, %get3A_12, %get3A_13] : memref<1x256x1024xf32, #tpu.memory_space<vmem>>, vector<1x256x1024xf32>
    %get3A_15 = vector.shape_cast %get3A_14 : vector<1x256x1024xf32> to vector<256x1024xf32>
    %mul3A_16 = vector.broadcast %get3A_4 : vector<256x1xf32> to vector<256x1024xf32>
    %mul3A_17 = arith.mulf %mul3A_16, %get3A_15 : vector<256x1024xf32>
    %add3A = arith.addf %mul3A_10, %mul3A_17 : vector<256x1024xf32>
    %get3A_18 = arith.constant 0 : index
    %get3A_19 = arith.constant 0 : index
    %get3A_20 = vector.load %arg3[%get3A_18, %get3A_19] : memref<256x1024xf32, #tpu.memory_space<vmem>>, vector<256x1024xf32>
    %add3A_21 = arith.addf %add3A, %get3A_20 : vector<256x1024xf32>
    %swap3A = arith.constant 0 : index
    %swap3A_22 = arith.constant 0 : index
    %swap3A_23 = vector.load %arg5[%swap3A, %swap3A_22] : memref<256x1024xf32, #tpu.memory_space<vmem>>, vector<256x1024xf32>
    tpu.vector_store %arg5[%swap3A, %swap3A_22], %add3A_21 {strides = array<i32>} : memref<256x1024xf32, #tpu.memory_space<vmem>>, vector<256x1024xf32>,
    return
  }
  func.func @transform_0(%arg0: i32) -> (i32, i32, i32) {
    %c0_i32 = arith.constant 0 : i32
    %c0_i32_0 = arith.constant 0 : i32
    %c0_i32_1 = arith.constant 0 : i32
    return %c0_i32, %arg0, %c0_i32_0 : i32, i32, i32
  }
  func.func @transform_1(%arg0: i32) -> (i32, i32, i32) {
    %c1_i32 = arith.constant 1 : i32
    %c0_i32 = arith.constant 0 : i32
    %c0_i32_0 = arith.constant 0 : i32
    return %c1_i32, %arg0, %c0_i32 : i32, i32, i32
  }
  func.func @transform_2(%arg0: i32) -> (i32, i32) {
    %c0_i32 = arith.constant 0 : i32
    %c0_i32_0 = arith.constant 0 : i32
    return %arg0, %c0_i32 : i32, i32
  }
  func.func @transform_3(%arg0: i32) -> (i32, i32) {
    %c0_i32 = arith.constant 0 : i32
    %c0_i32_0 = arith.constant 0 : i32
    return %arg0, %c0_i32 : i32, i32
  }
  func.func @transform_4(%arg0: i32) -> (i32, i32) {
    %c0_i32 = arith.constant 0 : i32
    %c0_i32_0 = arith.constant 0 : i32
    return %arg0, %c0_i32 : i32, i32
  }
}

</mosaic_0001>

<sc_bundles>
// kernel: kernel.11.cloned.1.call-start
scs
__scs_entry_jumppad:
0x0: {  	(pc) =	sbr.rel $0x88, $3  }
0x1: {  	(tag) =	ssettag $0x0;
	lr =	simm.s32 $0x1  }
0x2: {  	[smem:$0x3F98] =	sst lr;
	_ =	strace $0xD0000000  }
0x3: {  	_ = 	snop  }
0x4: {  	_ = 	snop  }
0x5: {  	_ = 	snop  }
0x6: {  	_ = 	snop  }
0x7: {  	_ = 	snop  }
__scs_overlays_trampoline_lowered:
0x8: {  	[smem:$0x3FA7] =	sst s0  }
0x9: {  	[smem:$0x3FA8] =	sst s1  }
0xa: {  	[smem:$0x3FA9] =	sst s2  }
0xb: {  	[smem:$0x3FAA] =	sst s3  }
0xc: {  	[smem:$0x3FAB] =	sst s4  }
0xd: {  	[smem:$0x3FAC] =	sst s5  }
0xe: {  	[smem:$0x3FAD] =	sst s6  }
0xf: {  	[smem:$0x3FAE] =	sst s7  }
0x10: {  	[smem:$0x3FAF] =	sst s8  }
0x11: {  	[smem:$0x3FB0] =	sst s9;
	s0 =	simm.s32 @!p0 $0x0  }
0x12: {  	s1 =	sld [smem:$0x3F96];
	s0 =	simm.s32 @p0 $0x1  }
0x13: {  	[smem:$0x3FB1] =	sst s0;
	s0 =	simm.s32 @!p1 $0x0  }
0x14: {  	s2 =	sld [smem:$0x3F95];
	s0 =	simm.s32 @p1 $0x1  }
0x15: {  	[smem:$0x3FB2] =	sst s0;
	s0 =	simm.s32 @!p2 $0x0  }
0x16: {  	s3 =	sld [smem:$0x3FDB];
	s0 =	simm.s32 @p2 $0x1  }
0x17: {  	s4 =	simm.s32 $0x1BF5;
	[smem:$0x3FB4] =	sst s0  }
0x18: {  	s0 =	sld [smem:$0x3F97];
	_ =	swait.ge [sflag:s4], $0x0  }
0x19: {  	s7 =	sld [smem:$0x3F98]  }
0x1a: {  	s8 =	sadd.s32 $0xFFFFE003, lr  }
0x1b: {  	s9 =	sadd.s32 $0xFFFFFEF7, lr;
	s5 =	simm.s32 $0xFFFFFFFF;
	p2 =	slt.u32 s8, $0xFFFFF086  }
0x1c: {  	p1 =	slt.u32 s9, $0xF7A;
	s5 =	simm.s32 @!p2 $0x0  }
0x1d: {  	s5 =	simm.s32 @p1 $0x1;
	p0 =	seq.s32 s7, s2  }
0x1e: {  	s7 =	smul.u32 @!p0 $0xF7A, s2;
	p2 =	seq.s32 @!p0 s5, $0x0  }
0x1f: {  	s9 =	smul.u32 $0xF7A, s1;
	s8 =	simm.s32 @!p0 $0x1BF5;
	p2 =	por !p2, p0  }
0x20: {  	[sflag:s8] =	ssyncset.s32 @!p0 $0xFFFFF086;
	s6 =	sadd.s32 @!p0 s3, s7;
	s7 =	simm.s32 @!p0 $0x108  }
0x21: {  	s3 =	sadd.s32 s3, s9;
	s6 =	sadd.s32 @!p0 $0x88, s6;
	s7 =	simm.s32 @p2 $0x1082  }
0x22: {  	[simem:s7], [sflag:s8] =	dma.local @!p0 [hbm:s6], $0xF7A  }
0x23: {  	s9 =	sor.u32 $0xD0000000, s2;
	s6 =	simm.s32 $0x108;
	_ =	swait.ge @!p0 [sflag:s8], $0x0  }
0x24: {  	s3 =	sadd.s32 $0x88, s3;
	s6 =	simm.s32 @!p1 $0x1082;
	[sflag:s4] =	ssyncset.s32 $0xFFFFF086  }
0x25: {  	[simem:s6], [sflag:s4] =	dma.local [hbm:s3], $0xF7A  }
0x26: {  	[smem:$0x3F98] =	sst s1;
	(tag) =	ssettag s2;
	_ =	strace s9  }
0x27: {  	s1 =	sld [smem:$0x3FA8]  }
0x28: {  	s2 =	sld [smem:$0x3FA9]  }
0x29: {  	s4 =	sld [smem:$0x3FAB]  }
0x2a: {  	p0 =	seq.s32 s5, $0x0;
	s5 =	sld [smem:$0x3FAC]  }
0x2b: {  	s6 =	sld [smem:$0x3FAD]  }
0x2c: {  	s7 =	sld [smem:$0x3FAE]  }
0x2d: {  	s3 =	simm.s32 $0x108;
	s8 =	sld [smem:$0x3FAF]  }
0x2e: {  	s3 =	simm.s32 @!p0 $0x1082;
	s9 =	sld [smem:$0x3FB0]  }
0x2f: {  	lr =	sadd.s32 s0, s3;
	s0 =	sld [smem:$0x3FA7]  }
0x30: {  	s3 =	sld [smem:$0x3FAA]  }
0x31: {  	[smem:$0x3FB3] =	sst s10  }
0x32: {  	s10 =	sld [smem:$0x3FB1];
	_ =	sdelay $0x3  }
0x33: {  	p0 =	seq.s32 s10, $0x1;
	s10 =	sld [smem:$0x3FB3];
	_ =	sdelay $0x3  }
0x34: {  	[smem:$0x3FB3] =	sst s10  }
0x35: {  	s10 =	sld [smem:$0x3FB2];
	_ =	sdelay $0x3  }
0x36: {  	p1 =	seq.s32 s10, $0x1;
	s10 =	sld [smem:$0x3FB3];
	_ =	sdelay $0x3  }
0x37: {  	[smem:$0x3FB3] =	sst s10  }
0x38: {  	s10 =	sld [smem:$0x3FB4]  }
0x39: {  	_ = 	snop;
	(pc) =	sbr.ind lr, $3  }
0x3a: {  	_ = 	snop  }
0x3b: {  	_ = 	snop  }
0x3c: {  	p2 =	seq.s32 s10, $0x1;
	s10 =	sld [smem:$0x3FB3]  }
0x3d: {  	_ =	shalt  }
0x3e: {  	_ =	shalt  }
0x3f: {  	_ =	shalt  }
0x40: {  	_ =	shalt  }
0x41: {  	_ =	shalt  }
0x42: {  	_ =	shalt  }
0x43: {  	_ =	shalt  }
0x44: {  	_ =	shalt  }
0x45: {  	_ =	shalt  }
0x46: {  	_ =	shalt  }
0x47: {  	_ =	shalt  }
0x48: {  	_ =	shalt  }
0x49: {  	_ =	shalt  }
0x4a: {  	_ =	shalt  }
0x4b: {  	_ =	shalt  }
0x4c: {  	_ =	shalt  }
0x4d: {  	_ =	shalt  }
0x4e: {  	_ =	shalt  }
0x4f: {  	_ =	shalt  }
0x50: {  	_ =	shalt  }
0x51: {  	_ =	shalt  }
0x52: {  	_ =	shalt  }
0x53: {  	_ =	shalt  }
0x54: {  	_ =	shalt  }
0x55: {  	_ =	shalt  }
0x56: {  	_ =	shalt  }
0x57: {  	_ =	shalt  }
0x58: {  	_ =	shalt  }
0x59: {  	_ =	shalt  }
0x5a: {  	_ =	shalt  }
0x5b: {  	_ =	shalt  }
0x5c: {  	_ =	shalt  }
0x5d: {  	_ =	shalt  }
0x5e: {  	_ =	shalt  }
0x5f: {  	_ =	shalt  }
0x60: {  	_ =	shalt  }
0x61: {  	_ =	shalt  }
0x62: {  	_ =	shalt  }
0x63: {  	_ =	shalt  }
0x64: {  	_ =	shalt  }
0x65: {  	_ =	shalt  }
0x66: {  	_ =	shalt  }
0x67: {  	_ =	shalt  }
0x68: {  	_ =	shalt  }
0x69: {  	_ =	shalt  }
0x6a: {  	_ =	shalt  }
0x6b: {  	_ =	shalt  }
0x6c: {  	_ =	shalt  }
0x6d: {  	_ =	shalt  }
0x6e: {  	_ =	shalt  }
0x6f: {  	_ =	shalt  }
0x70: {  	_ =	shalt  }
0x71: {  	_ =	shalt  }
0x72: {  	_ =	shalt  }
0x73: {  	_ =	shalt  }
0x74: {  	_ =	shalt  }
0x75: {  	_ =	shalt  }
0x76: {  	_ =	shalt  }
0x77: {  	_ =	shalt  }
0x78: {  	_ =	shalt  }
0x79: {  	_ =	shalt  }
0x7a: {  	_ =	shalt  }
0x7b: {  	_ =	shalt  }
0x7c: {  	_ =	shalt  }
0x7d: {  	_ =	shalt  }
0x7e: {  	_ =	shalt  }
0x7f: {  	_ =	shalt  }
0x80: {  	_ =	shalt  }
0x81: {  	_ =	shalt  }
0x82: {  	_ =	shalt  }
0x83: {  	_ =	shalt  }
0x84: {  	_ =	shalt  }
0x85: {  	_ =	shalt  }
0x86: {  	_ =	shalt  }
0x87: {  	_ =	shalt  }
.Lfunc_end0:
.L_simem_size_0:
called_computation.1_lowered:
.L_overlay_start_0:
0x88: {  	s2 =	sld [smem:$0x3FD9]  }
0x89: {  	s3 =	sld [smem:$0x3FFE];
	_ =	sdelay $0x1  }
0x8a: {  	s1 =	srdreg.scid  }
0x8b: {  	s0 =	sand.u32 $0x1, s1  }
0x8c: {  	s16 =	sshll.u32 s0, $0xA;
	s2 =	sadd.s32 s3, s2  }
0x8d: {  	s2 =	sadd.s32 s2, s16  }
0x8e: {  	[smem:$0x3FBF] =	sst s2  }
0x8f: {  	_ = 	snop  }
0x90: {  	(tm) =	ssettm $0x1  }
0x91: {  	s17 =	sld [smem:$0x3FFB];
	_ =	sdelay $0x3  }
0x92: {  	_ =	strace s17  }
0x93: {  	s2 =	sld [smem:$0x3FFC];
	_ =	sdelay $0x3  }
0x94: {  	_ =	strace s2  }
0x95: {  	s2 =	sld [smem:$0x3FFD];
	_ =	sdelay $0x3  }
0x96: {  	_ =	strace s2  }
0x97: {  	_ =	strace $0x8FFFFFFF  }
0x98: {  	s18 =	sld [smem:$0x3FDB];
	_ =	sdelay $0x1  }
0x99: {  	s19 =	simm.s32 $_scs_section_size  }
0x9a: {  	s4 =	simm.s32 $_size__tile_overlayer_lowered;
	s5 =	simm.s32 $_tile_overlayer_lowered  }
0x9b: {  	s22 =	simm.s32 $0x1BFF;
	s21 =	sshll.u32 s5, $0x1;
	s2 =	sadd.s32 s19, s18  }
0x9c: {  	s6 =	simm.s32 $0x0;
	s20 =	sshll.u32 s4, $0x1;
	s4 =	sadd.s32 s21, s2  }
0x9d: {  	[timem:s6], [sflag:s22] =	dma.local [hbm:s4], s20  }
0x9e: {  	_ =	swait.ge [sflag:s22], s20  }
0x9f: {  	s3 =	ssub.s32 $0x0, s20;
	[sflag:s22] =	ssyncset.done $0x0  }
0xa0: {  	[sflag:s22] =	ssyncadd.s32 s3;
	_ =	sdelay $0x1  }
0xa1: {  	s23 =	simm.s32 $0x1B8B  }
0xa2: {  	_ =	swait.ge [sflag:s23], $0x1  }
0xa3: {  	[sflag:s23] =	ssyncset.done $0x0  }
0xa4: {  	s25 =	simm.s32 $0x1B8E;
	s24 =	sld [smem:$0x3FFE];
	[sflag:s23] =	ssyncadd.s32 $0xFFFFFFFF  }
0xa5: {  	s26 =	simm.s32 $execute0_lowered;
	[smem:$0x3FD2] =	sst s25  }
0xa6: {  	s4 =	sshll.u32 s26, $0x1;
	_ =	strace $0x80000049;
	[dreg:$0x1] =	wrdreg $0xFFFFFFFF  }
0xa7: {  	s28 =	simm.s32 $_size_execute0_lowered;
	s2 =	sadd.s32 s2, s4;
	[dreg:$0x0] =	wrdreg $0x0  }
0xa8: {  	s4 =	sshll.u32 s28, $0x1;
	[dreg:$0x2] =	wrdreg s2  }
0xa9: {  	[dreg:$0x3] =	wrdreg s4  }
0xaa: {  	[dreg:$0x4] =	wrdreg $0xC0  }
0xab: {  	_ =	task [dreg:s6], $0x5FFFF  }
0xac: {  	[dreg:$0x1] =	wrdreg $0xFFFFFFFF  }
0xad: {  	[dreg:$0x0] =	wrdreg $0x60  }
0xae: {  	[dreg:$0x2] =	wrdreg s24  }
0xaf: {  	[dreg:$0x3] =	wrdreg $0x9  }
0xb0: {  	_ =	task.clear_ibuf [dreg:s6], $0x4FFFF;
	_ =	strace $0x90000049  }
0xb1: {  	s29 =	simm.s32 $0x9;
	_ =	strace $0x8000004B  }
0xb2: {  	_ =	swait.ge [sflag:s29], $0x1  }
0xb3: {  	[sflag:s29] =	ssyncadd.s32 $0xFFFFFFFF  }
0xb4: {  	_ =	strace $0x9000004B  }
0xb5: {  	_ =	sfence  }
0xb6: {  	s30 =	sld [smem:$0x0];
	_ =	sdelay $0x2  }
0xb7: {  	s31 =	sshll.u32 s1, $0xD;
	s1 =	sshrl.u32 s1, $0x2  }
0xb8: {  	s3 =	sand.u32 $0x4000, s31;
	s1 =	sadd.s32 s1, s30  }
0xb9: {  	s0 =	sor.u32 s3, s0;
	s1 =	sshll.u32 s1, $0x11  }
0xba: {  	s0 =	sor.u32 s1, s0  }
0xbb: {  	s0 =	sadd.s32 $0x8F2B, s0  }
0xbc: {  	[sflag:s0] =	ssyncadd.remote.s32 $0x1  }
0xbd: {  	_ =	sfence.sel $0xFFFF  }
0xbe: {  	[dreg:$0x0] =	wrdreg $0xFFFFFFFF;
	(pc) =	sbr.abs _section_cstart, $3  }
0xbf: {  	[dreg:$0x1] =	wrdreg $0xFFFFFFFF  }
0xc0: {  	_ =	task.clear_ibuf [dreg:s6], $0x2FFFF;
	_ =	strace $0x9FFFFFFF  }
0xc1: {  	(tm) =	ssettm $0x7FFFFFFF  }
tec
execute0_lowered:
.L_overlay_start_1:
0x0: {  	(tag) =	ssettag $0x1  }
0x1: {  	s0 =	srdreg.scid  }
0x2: {  	s1 =	stileid.u32;
	s0 =	sand.u32 $0x1, s0  }
0x3: {  	s1 =	sshll.u32 s1, $0x8;
	s2 =	sshll.u32 s0, $0x7  }
0x4: {  	s6 =	rddreg [dreg:$0x0];
	s31 =	simm.s32 $0x80;
	s1 =	sor.u32 s2, s1  }
0x5: {  	s29 =	simm.s32 $0x100;
	s2 =	simm.s32 $0x0;
	s3 =	sshrl.u32 s1, $0x3  }
0x6: {  	[smem:$0x7FF] =	sst s2;
	s1 =	sshll.u32 s1, $0x7;
	s3 =	sadd.s32 s3, s6  }
0x7: {  	_ =	strace $0x8000004A;
	[dreg:$0xc] =	wrdreg s31;
	s4 =	sadd.s32 $0x12400, s3  }
0x8: {  	s1 =	sadd.s32 s1, s6;
	s3 =	sadd.s32 $0x12600, s3;
	[dreg:$0x2] =	wrdreg s4  }
0x9: {  	s19 =	simm.s32 $0x2;
	s23 =	sadd.s32 $0x12800, s1;
	[dreg:$0x3] =	wrdreg s3  }
0xa: {  	s20 =	simm.s32 $0x3;
	s24 =	sadd.s32 $0x13800, s1;
	[dreg:$0x4] =	wrdreg s23  }
0xb: {  	s21 =	simm.s32 $0x4;
	s25 =	sadd.s32 $0x14800, s1;
	[dreg:$0x5] =	wrdreg s24  }
0xc: {  	s0 =	ssub.s32 $0x2, s0;
	s26 =	sadd.s32 $0x15800, s1;
	[dreg:$0x6] =	wrdreg s25  }
0xd: {  	s5 =	sshrl.u32 s0, $0x1;
	s28 =	sadd.s32 $0x92800, s1;
	[dreg:$0x7] =	wrdreg s26  }
0xe: {  	s0 =	ssub.s32 s0, s5;
	s30 =	sadd.s32 $0x93800, s1;
	[dreg:$0x8] =	wrdreg s28  }
0xf: {  	s5 =	sadd.s32 $0x192A00, s6;
	s7 =	sadd.s32 $0x94800, s1;
	[dreg:$0x9] =	wrdreg s30  }
0x10: {  	v2 =	vlaneseq.u32;
	s1 =	sadd.s32 $0x95800, s1;
	s3 =	sadd.s32 $0x192800, s6;
	[dreg:$0xa] =	wrdreg s7  }
0x11: {  	vm0 =	vmmov $0xffff;
	v1 =	vshrl.u32 v2, $0x3;
	s4 =	sadd.s32 $0x192900, s6;
	s6 =	sadd.s32 $0x192B00, s6;
	[dreg:$0xb] =	wrdreg s1  }
0x12: {  	v0 =	vand.u32 $0x7, v2;
	v2 =	vor.u32 $0x8, v2;
	v1 =	vmul.u32 $0x8, v1;
	s7 =	smax.u32 s0, $0x1;
	s25 =	simm.s32 $0x1;
	s26 =	simm.s32 $0x8100  }
.LBB2_1:
0x13: {  	s22 =	rddreg [dreg:$0x2];
	s0 =	simm.s32 $0x5  }
0x14: {  	[tilespmem:s2], [sflag:$0x5] =	stream.linear.gather [hbm4b:s22+s2], $0x80, $0x38;
	[tilespmem:$0x10100] =	vst v63  }
0x15: {  	_ =	swait.ge [sflag:s0], $0x80  }
0x16: {  	s12 =	rddreg [dreg:$0x3];
	[sflag:s0] =	ssyncset.done $0x0  }
0x17: {  	s23 =	rddreg [dreg:$0xc];
	[sflag:s0] =	ssyncadd.s32 $0xFFFFFF80  }
0x18: {  	[tilespmem:s23], [sflag:$0x5] =	stream.linear.gather [hbm4b:s12+s2], $0x80, $0x38;
	[tilespmem:$0x10100] =	vst v63  }
0x19: {  	_ =	swait.ge [sflag:s0], $0x80  }
0x1a: {  	[sflag:s0] =	ssyncset.done $0x0  }
0x1b: {  	[sflag:s0] =	ssyncadd.s32 $0xFFFFFF80  }
0x1c: {  	v3 =	vld [tilespmem:$0x0];
	_ =	sdelay $0x4  }
0x1d: {  	v4 =	vshll.u32 v3, $0x3  }
0x1e: {  	v3 =	vand.u32 $0x7, v3;
	v4 =	vand.u32 $0xFFFFFFC0, v4  }
0x1f: {  	v3 =	vor.u32 v3, v4  }
0x20: {  	v4 =	vperm.xlane v3, v0;
	_ =	sdelay $0x1  }
0x21: {  	v4 =	vadd.s32 v1, v4;
	_ =	sdelay $0x4  }
0x22: {  	[tilespmem:s29], [sflag:$0x1] =	stream.indirect_vreg.gather [hbm4b:s3+s2], $0x80, v4, vm0, $0xb8;
	[tilespmem:$0x10100] =	vst v63  }
0x23: {  	s13 =	simm.s32 $0x900;
	v3 =	vperm.xlane v3, v2  }
0x24: {  	[tilespmem:s13], [sflag:$0x1] =	stream.indirect_vreg.gather [hbm4b:s4+s2], $0x80, v4, vm0, $0xb8;
	[tilespmem:$0x10100] =	vst v63  }
0x25: {  	s14 =	simm.s32 $0x1100;
	v3 =	vadd.s32 v1, v3  }
0x26: {  	[tilespmem:s14], [sflag:$0x1] =	stream.indirect_vreg.gather [hbm4b:s5+s2], $0x80, v4, vm0, $0xb8;
	[tilespmem:$0x10100] =	vst v63  }
0x27: {  	s15 =	simm.s32 $0x1900  }
0x28: {  	[tilespmem:s15], [sflag:$0x1] =	stream.indirect_vreg.gather [hbm4b:s6+s2], $0x80, v4, vm0, $0xb8;
	[tilespmem:$0x10100] =	vst v63  }
0x29: {  	s16 =	simm.s32 $0x2100  }
0x2a: {  	[tilespmem:s16], [sflag:$0x1] =	stream.indirect_vreg.gather [hbm4b:s3+s2], $0x80, v3, vm0, $0xb8;
	[tilespmem:$0x10100] =	vst v63  }
0x2b: {  	s17 =	simm.s32 $0x2900  }
0x2c: {  	[tilespmem:s17], [sflag:$0x1] =	stream.indirect_vreg.gather [hbm4b:s4+s2], $0x80, v3, vm0, $0xb8;
	[tilespmem:$0x10100] =	vst v63  }
0x2d: {  	s18 =	simm.s32 $0x3100  }
0x2e: {  	[tilespmem:s18], [sflag:$0x1] =	stream.indirect_vreg.gather [hbm4b:s5+s2], $0x80, v3, vm0, $0xb8;
	[tilespmem:$0x10100] =	vst v63  }
0x2f: {  	s22 =	simm.s32 $0x3900  }
0x30: {  	[tilespmem:s22], [sflag:$0x1] =	stream.indirect_vreg.gather [hbm4b:s6+s2], $0x80, v3, vm0, $0xb8;
	[tilespmem:$0x10100] =	vst v63  }
0x31: {  	v3 =	vld [tilespmem:$0x10];
	_ =	sdelay $0x4  }
0x32: {  	v49 =	vshll.u32 v3, $0x3  }
0x33: {  	v3 =	vand.u32 $0x7, v3;
	v4 =	vand.u32 $0xFFFFFFC0, v49  }
0x34: {  	v3 =	vor.u32 v3, v4  }
0x35: {  	v4 =	vperm.xlane v3, v0;
	_ =	sdelay $0x1  }
0x36: {  	v4 =	vadd.s32 v1, v4;
	_ =	sdelay $0x3  }
0x37: {  	s23 =	simm.s32 $0x4100  }
0x38: {  	[tilespmem:s23], [sflag:$0x1] =	stream.indirect_vreg.gather [hbm4b:s3+s2], $0x80, v4, vm0, $0xb8;
	[tilespmem:$0x10100] =	vst v63  }
0x39: {  	s24 =	simm.s32 $0x4900;
	v3 =	vperm.xlane v3, v2  }
0x3a: {  	[tilespmem:s24], [sflag:$0x1] =	stream.indirect_vreg.gather [hbm4b:s4+s2], $0x80, v4, vm0, $0xb8;
	[tilespmem:$0x10100] =	vst v63  }
0x3b: {  	s28 =	simm.s32 $0x5100;
	v3 =	vadd.s32 v1, v3  }
0x3c: {  	[tilespmem:s28], [sflag:$0x1] =	stream.indirect_vreg.gather [hbm4b:s5+s2], $0x80, v4, vm0, $0xb8;
	[tilespmem:$0x10100] =	vst v63  }
0x3d: {  	s30 =	simm.s32 $0x5900  }
0x3e: {  	[tilespmem:s30], [sflag:$0x1] =	stream.indirect_vreg.gather [hbm4b:s6+s2], $0x80, v4, vm0, $0xb8;
	[tilespmem:$0x10100] =	vst v63  }
0x3f: {  	s31 =	simm.s32 $0x6100  }
0x40: {  	[tilespmem:s31], [sflag:$0x1] =	stream.indirect_vreg.gather [hbm4b:s3+s2], $0x80, v3, vm0, $0xb8;
	[tilespmem:$0x10100] =	vst v63  }
0x41: {  	s14 =	simm.s32 $0x6900  }
0x42: {  	[tilespmem:s14], [sflag:$0x1] =	stream.indirect_vreg.gather [hbm4b:s4+s2], $0x80, v3, vm0, $0xb8;
	[tilespmem:$0x10100] =	vst v63  }
0x43: {  	s15 =	simm.s32 $0x7100  }
0x44: {  	[tilespmem:s15], [sflag:$0x1] =	stream.indirect_vreg.gather [hbm4b:s5+s2], $0x80, v3, vm0, $0xb8;
	[tilespmem:$0x10100] =	vst v63  }
0x45: {  	s16 =	simm.s32 $0x7900  }
0x46: {  	[tilespmem:s16], [sflag:$0x1] =	stream.indirect_vreg.gather [hbm4b:s6+s2], $0x80, v3, vm0, $0xb8;
	[tilespmem:$0x10100] =	vst v63  }
0x47: {  	_ =	swait.ge [sflag:s25], $0x8000  }
0x48: {  	[sflag:s25] =	ssyncset.done $0x0  }
0x49: {  	s17 =	rddreg [dreg:$0x4];
	[sflag:s25] =	ssyncadd.s32 $0xFFFF8000  }
0x4a: {  	[hbm4b:s17+s2] =	stream.linear.scatter [tilespmem:s29], [sflag:$0x3], $0x8000, $0x38;
	[tilespmem:$0x10100] =	vst v63  }
0x4b: {  	v3 =	vld [tilespmem:$0x20];
	_ =	sdelay $0x4  }
0x4c: {  	v50 =	vshll.u32 v3, $0x3  }
0x4d: {  	v3 =	vand.u32 $0x7, v3;
	v4 =	vand.u32 $0xFFFFFFC0, v50  }
0x4e: {  	v3 =	vor.u32 v3, v4  }
0x4f: {  	v4 =	vperm.xlane v3, v0;
	_ =	sdelay $0x1  }
0x50: {  	v4 =	vadd.s32 v1, v4;
	_ =	sdelay $0x4  }
0x51: {  	[tilespmem:s26], [sflag:$0x2] =	stream.indirect_vreg.gather [hbm4b:s3+s2], $0x80, v4, vm0, $0xb8;
	[tilespmem:$0x10100] =	vst v63  }
0x52: {  	s18 =	simm.s32 $0x8900;
	v3 =	vperm.xlane v3, v2  }
0x53: {  	[tilespmem:s18], [sflag:$0x2] =	stream.indirect_vreg.gather [hbm4b:s4+s2], $0x80, v4, vm0, $0xb8;
	[tilespmem:$0x10100] =	vst v63  }
0x54: {  	s22 =	simm.s32 $0x9100;
	v3 =	vadd.s32 v1, v3  }
0x55: {  	[tilespmem:s22], [sflag:$0x2] =	stream.indirect_vreg.gather [hbm4b:s5+s2], $0x80, v4, vm0, $0xb8;
	[tilespmem:$0x10100] =	vst v63  }
0x56: {  	s23 =	simm.s32 $0x9900  }
0x57: {  	[tilespmem:s23], [sflag:$0x2] =	stream.indirect_vreg.gather [hbm4b:s6+s2], $0x80, v4, vm0, $0xb8;
	[tilespmem:$0x10100] =	vst v63  }
0x58: {  	s24 =	simm.s32 $0xA100  }
0x59: {  	[tilespmem:s24], [sflag:$0x2] =	stream.indirect_vreg.gather [hbm4b:s3+s2], $0x80, v3, vm0, $0xb8;
	[tilespmem:$0x10100] =	vst v63  }
0x5a: {  	s28 =	simm.s32 $0xA900  }
0x5b: {  	[tilespmem:s28], [sflag:$0x2] =	stream.indirect_vreg.gather [hbm4b:s4+s2], $0x80, v3, vm0, $0xb8;
	[tilespmem:$0x10100] =	vst v63  }
0x5c: {  	s30 =	simm.s32 $0xB100  }
0x5d: {  	[tilespmem:s30], [sflag:$0x2] =	stream.indirect_vreg.gather [hbm4b:s5+s2], $0x80, v3, vm0, $0xb8;
	[tilespmem:$0x10100] =	vst v63  }
0x5e: {  	s31 =	simm.s32 $0xB900  }
0x5f: {  	[tilespmem:s31], [sflag:$0x2] =	stream.indirect_vreg.gather [hbm4b:s6+s2], $0x80, v3, vm0, $0xb8;
	[tilespmem:$0x10100] =	vst v63  }
0x60: {  	v3 =	vld [tilespmem:$0x30];
	_ =	sdelay $0x4  }
0x61: {  	v51 =	vshll.u32 v3, $0x3  }
0x62: {  	v3 =	vand.u32 $0x7, v3;
	v4 =	vand.u32 $0xFFFFFFC0, v51  }
0x63: {  	v3 =	vor.u32 v3, v4  }
0x64: {  	v4 =	vperm.xlane v3, v0;
	_ =	sdelay $0x1  }
0x65: {  	v4 =	vadd.s32 v1, v4;
	_ =	sdelay $0x3  }
0x66: {  	s0 =	simm.s32 $0xC100  }
0x67: {  	[tilespmem:s0], [sflag:$0x2] =	stream.indirect_vreg.gather [hbm4b:s3+s2], $0x80, v4, vm0, $0xb8;
	[tilespmem:$0x10100] =	vst v63  }
0x68: {  	s14 =	simm.s32 $0xC900;
	v3 =	vperm.xlane v3, v2  }
0x69: {  	[tilespmem:s14], [sflag:$0x2] =	stream.indirect_vreg.gather [hbm4b:s4+s2], $0x80, v4, vm0, $0xb8;
	[tilespmem:$0x10100] =	vst v63  }
0x6a: {  	s15 =	simm.s32 $0xD100;
	v3 =	vadd.s32 v1, v3  }
0x6b: {  	[tilespmem:s15], [sflag:$0x2] =	stream.indirect_vreg.gather [hbm4b:s5+s2], $0x80, v4, vm0, $0xb8;
	[tilespmem:$0x10100] =	vst v63  }
0x6c: {  	s23 =	simm.s32 $0xD900  }
0x6d: {  	[tilespmem:s23], [sflag:$0x2] =	stream.indirect_vreg.gather [hbm4b:s6+s2], $0x80, v4, vm0, $0xb8;
	[tilespmem:$0x10100] =	vst v63  }
0x6e: {  	s0 =	simm.s32 $0xE100  }
0x6f: {  	[tilespmem:s0], [sflag:$0x2] =	stream.indirect_vreg.gather [hbm4b:s3+s2], $0x80, v3, vm0, $0xb8;
	[tilespmem:$0x10100] =	vst v63  }
0x70: {  	s14 =	simm.s32 $0xE900  }
0x71: {  	[tilespmem:s14], [sflag:$0x2] =	stream.indirect_vreg.gather [hbm4b:s4+s2], $0x80, v3, vm0, $0xb8;
	[tilespmem:$0x10100] =	vst v63  }
0x72: {  	s15 =	simm.s32 $0xF100  }
0x73: {  	[tilespmem:s15], [sflag:$0x2] =	stream.indirect_vreg.gather [hbm4b:s5+s2], $0x80, v3, vm0, $0xb8;
	[tilespmem:$0x10100] =	vst v63  }
0x74: {  	s23 =	simm.s32 $0xF900  }
0x75: {  	[tilespmem:s23], [sflag:$0x2] =	stream.indirect_vreg.gather [hbm4b:s6+s2], $0x80, v3, vm0, $0xb8;
	[tilespmem:$0x10100] =	vst v63  }
0x76: {  	_ =	swait.ge [sflag:s19], $0x8000  }
0x77: {  	[sflag:s19] =	ssyncset.done $0x0  }
0x78: {  	s0 =	rddreg [dreg:$0x5];
	[sflag:s19] =	ssyncadd.s32 $0xFFFF8000  }
0x79: {  	[hbm4b:s0+s2] =	stream.linear.scatter [tilespmem:s26], [sflag:$0x4], $0x8000, $0x38;
	[tilespmem:$0x10100] =	vst v63  }
0x7a: {  	_ =	swait.ge [sflag:s20], $0x8000  }
0x7b: {  	[sflag:s20] =	ssyncset.done $0x0  }
0x7c: {  	[sflag:s20] =	ssyncadd.s32 $0xFFFF8000  }
0x7d: {  	v3 =	vld [tilespmem:$0x40];
	_ =	sdelay $0x4  }
0x7e: {  	v52 =	vshll.u32 v3, $0x3  }
0x7f: {  	v3 =	vand.u32 $0x7, v3;
	v4 =	vand.u32 $0xFFFFFFC0, v52  }
0x80: {  	v3 =	vor.u32 v3, v4  }
0x81: {  	v4 =	vperm.xlane v3, v0;
	_ =	sdelay $0x1  }
0x82: {  	v4 =	vadd.s32 v1, v4;
	_ =	sdelay $0x4  }
0x83: {  	[tilespmem:s29], [sflag:$0x1] =	stream.indirect_vreg.gather [hbm4b:s3+s2], $0x80, v4, vm0, $0xb8;
	[tilespmem:$0x10100] =	vst v63  }
0x84: {  	s9 =	simm.s32 $0x900;
	v3 =	vperm.xlane v3, v2  }
0x85: {  	[tilespmem:s9], [sflag:$0x1] =	stream.indirect_vreg.gather [hbm4b:s4+s2], $0x80, v4, vm0, $0xb8;
	[tilespmem:$0x10100] =	vst v63  }
0x86: {  	s1 =	simm.s32 $0x1100;
	v3 =	vadd.s32 v1, v3  }
0x87: {  	[tilespmem:s1], [sflag:$0x1] =	stream.indirect_vreg.gather [hbm4b:s5+s2], $0x80, v4, vm0, $0xb8;
	[tilespmem:$0x10100] =	vst v63  }
0x88: {  	s9 =	simm.s32 $0x1900  }
0x89: {  	[tilespmem:s9], [sflag:$0x1] =	stream.indirect_vreg.gather [hbm4b:s6+s2], $0x80, v4, vm0, $0xb8;
	[tilespmem:$0x10100] =	vst v63  }
0x8a: {  	s8 =	simm.s32 $0x2100  }
0x8b: {  	[tilespmem:s8], [sflag:$0x1] =	stream.indirect_vreg.gather [hbm4b:s3+s2], $0x80, v3, vm0, $0xb8;
	[tilespmem:$0x10100] =	vst v63  }
0x8c: {  	s10 =	simm.s32 $0x2900  }
0x8d: {  	[tilespmem:s10], [sflag:$0x1] =	stream.indirect_vreg.gather [hbm4b:s4+s2], $0x80, v3, vm0, $0xb8;
	[tilespmem:$0x10100] =	vst v63  }
0x8e: {  	s11 =	simm.s32 $0x3100  }
0x8f: {  	[tilespmem:s11], [sflag:$0x1] =	stream.indirect_vreg.gather [hbm4b:s5+s2], $0x80, v3, vm0, $0xb8;
	[tilespmem:$0x10100] =	vst v63  }
0x90: {  	s12 =	simm.s32 $0x3900  }
0x91: {  	[tilespmem:s12], [sflag:$0x1] =	stream.indirect_vreg.gather [hbm4b:s6+s2], $0x80, v3, vm0, $0xb8;
	[tilespmem:$0x10100] =	vst v63  }
0x92: {  	v3 =	vld [tilespmem:$0x50];
	_ =	sdelay $0x4  }
0x93: {  	v53 =	vshll.u32 v3, $0x3  }
0x94: {  	v3 =	vand.u32 $0x7, v3;
	v4 =	vand.u32 $0xFFFFFFC0, v53  }
0x95: {  	v3 =	vor.u32 v3, v4  }
0x96: {  	v4 =	vperm.xlane v3, v0;
	_ =	sdelay $0x1  }
0x97: {  	v4 =	vadd.s32 v1, v4;
	_ =	sdelay $0x3  }
0x98: {  	s13 =	simm.s32 $0x4100  }
0x99: {  	[tilespmem:s13], [sflag:$0x1] =	stream.indirect_vreg.gather [hbm4b:s3+s2], $0x80, v4, vm0, $0xb8;
	[tilespmem:$0x10100] =	vst v63  }
0x9a: {  	s14 =	simm.s32 $0x4900;
	v3 =	vperm.xlane v3, v2  }
0x9b: {  	[tilespmem:s14], [sflag:$0x1] =	stream.indirect_vreg.gather [hbm4b:s4+s2], $0x80, v4, vm0, $0xb8;
	[tilespmem:$0x10100] =	vst v63  }
0x9c: {  	s8 =	simm.s32 $0x5100;
	v3 =	vadd.s32 v1, v3  }
0x9d: {  	[tilespmem:s8], [sflag:$0x1] =	stream.indirect_vreg.gather [hbm4b:s5+s2], $0x80, v4, vm0, $0xb8;
	[tilespmem:$0x10100] =	vst v63  }
0x9e: {  	s10 =	simm.s32 $0x5900  }
0x9f: {  	[tilespmem:s10], [sflag:$0x1] =	stream.indirect_vreg.gather [hbm4b:s6+s2], $0x80, v4, vm0, $0xb8;
	[tilespmem:$0x10100] =	vst v63  }
0xa0: {  	s11 =	simm.s32 $0x6100  }
0xa1: {  	[tilespmem:s11], [sflag:$0x1] =	stream.indirect_vreg.gather [hbm4b:s3+s2], $0x80, v3, vm0, $0xb8;
	[tilespmem:$0x10100] =	vst v63  }
0xa2: {  	s12 =	simm.s32 $0x6900  }
0xa3: {  	[tilespmem:s12], [sflag:$0x1] =	stream.indirect_vreg.gather [hbm4b:s4+s2], $0x80, v3, vm0, $0xb8;
	[tilespmem:$0x10100] =	vst v63  }
0xa4: {  	s13 =	simm.s32 $0x7100  }
0xa5: {  	[tilespmem:s13], [sflag:$0x1] =	stream.indirect_vreg.gather [hbm4b:s5+s2], $0x80, v3, vm0, $0xb8;
	[tilespmem:$0x10100] =	vst v63  }
0xa6: {  	s15 =	simm.s32 $0x7900  }
0xa7: {  	[tilespmem:s15], [sflag:$0x1] =	stream.indirect_vreg.gather [hbm4b:s6+s2], $0x80, v3, vm0, $0xb8;
	[tilespmem:$0x10100] =	vst v63  }
0xa8: {  	_ =	swait.ge [sflag:s25], $0x8000  }
0xa9: {  	[sflag:s25] =	ssyncset.done $0x0  }
0xaa: {  	s1 =	rddreg [dreg:$0x6];
	[sflag:s25] =	ssyncadd.s32 $0xFFFF8000  }
0xab: {  	[hbm4b:s1+s2] =	stream.linear.scatter [tilespmem:s29], [sflag:$0x3], $0x8000, $0x38;
	[tilespmem:$0x10100] =	vst v63  }
0xac: {  	_ =	swait.ge [sflag:s21], $0x8000  }
0xad: {  	[sflag:s21] =	ssyncset.done $0x0  }
0xae: {  	[sflag:s21] =	ssyncadd.s32 $0xFFFF8000  }
0xaf: {  	v3 =	vld [tilespmem:$0x60];
	_ =	sdelay $0x4  }
0xb0: {  	v54 =	vshll.u32 v3, $0x3  }
0xb1: {  	v3 =	vand.u32 $0x7, v3;
	v4 =	vand.u32 $0xFFFFFFC0, v54  }
0xb2: {  	v3 =	vor.u32 v3, v4  }
0xb3: {  	v4 =	vperm.xlane v3, v0;
	_ =	sdelay $0x1  }
0xb4: {  	v4 =	vadd.s32 v1, v4;
	_ =	sdelay $0x4  }
0xb5: {  	[tilespmem:s26], [sflag:$0x2] =	stream.indirect_vreg.gather [hbm4b:s3+s2], $0x80, v4, vm0, $0xb8;
	[tilespmem:$0x10100] =	vst v63  }
0xb6: {  	s1 =	simm.s32 $0x8900;
	v3 =	vperm.xlane v3, v2  }
0xb7: {  	[tilespmem:s1], [sflag:$0x2] =	stream.indirect_vreg.gather [hbm4b:s4+s2], $0x80, v4, vm0, $0xb8;
	[tilespmem:$0x10100] =	vst v63  }
0xb8: {  	s0 =	simm.s32 $0x9100;
	v3 =	vadd.s32 v1, v3  }
0xb9: {  	[tilespmem:s0], [sflag:$0x2] =	stream.indirect_vreg.gather [hbm4b:s5+s2], $0x80, v4, vm0, $0xb8;
	[tilespmem:$0x10100] =	vst v63  }
0xba: {  	s22 =	simm.s32 $0x9900  }
0xbb: {  	[tilespmem:s22], [sflag:$0x2] =	stream.indirect_vreg.gather [hbm4b:s6+s2], $0x80, v4, vm0, $0xb8;
	[tilespmem:$0x10100] =	vst v63  }
0xbc: {  	s24 =	simm.s32 $0xA100  }
0xbd: {  	[tilespmem:s24], [sflag:$0x2] =	stream.indirect_vreg.gather [hbm4b:s3+s2], $0x80, v3, vm0, $0xb8;
	[tilespmem:$0x10100] =	vst v63  }
0xbe: {  	s28 =	simm.s32 $0xA900  }
0xbf: {  	[tilespmem:s28], [sflag:$0x2] =	stream.indirect_vreg.gather [hbm4b:s4+s2], $0x80, v3, vm0, $0xb8;
	[tilespmem:$0x10100] =	vst v63  }
0xc0: {  	s30 =	simm.s32 $0xB100  }
0xc1: {  	[tilespmem:s30], [sflag:$0x2] =	stream.indirect_vreg.gather [hbm4b:s5+s2], $0x80, v3, vm0, $0xb8;
	[tilespmem:$0x10100] =	vst v63  }
0xc2: {  	s16 =	simm.s32 $0xB900  }
0xc3: {  	[tilespmem:s16], [sflag:$0x2] =	stream.indirect_vreg.gather [hbm4b:s6+s2], $0x80, v3, vm0, $0xb8;
	[tilespmem:$0x10100] =	vst v63  }
0xc4: {  	v3 =	vld [tilespmem:$0x70];
	_ =	sdelay $0x4  }
0xc5: {  	v55 =	vshll.u32 v3, $0x3  }
0xc6: {  	v3 =	vand.u32 $0x7, v3;
	v4 =	vand.u32 $0xFFFFFFC0, v55  }
0xc7: {  	v3 =	vor.u32 v3, v4  }
0xc8: {  	v4 =	vperm.xlane v3, v0;
	_ =	sdelay $0x1  }
0xc9: {  	v4 =	vadd.s32 v1, v4;
	_ =	sdelay $0x3  }
0xca: {  	s17 =	simm.s32 $0xC100  }
0xcb: {  	[tilespmem:s17], [sflag:$0x2] =	stream.indirect_vreg.gather [hbm4b:s3+s2], $0x80, v4, vm0, $0xb8;
	[tilespmem:$0x10100] =	vst v63  }
0xcc: {  	s18 =	simm.s32 $0xC900;
	v3 =	vperm.xlane v3, v2  }
0xcd: {  	[tilespmem:s18], [sflag:$0x2] =	stream.indirect_vreg.gather [hbm4b:s4+s2], $0x80, v4, vm0, $0xb8;
	[tilespmem:$0x10100] =	vst v63  }
0xce: {  	s31 =	simm.s32 $0xD100;
	v3 =	vadd.s32 v1, v3  }
0xcf: {  	[tilespmem:s31], [sflag:$0x2] =	stream.indirect_vreg.gather [hbm4b:s5+s2], $0x80, v4, vm0, $0xb8;
	[tilespmem:$0x10100] =	vst v63  }
0xd0: {  	s22 =	simm.s32 $0xD900  }
0xd1: {  	[tilespmem:s22], [sflag:$0x2] =	stream.indirect_vreg.gather [hbm4b:s6+s2], $0x80, v4, vm0, $0xb8;
	[tilespmem:$0x10100] =	vst v63  }
0xd2: {  	s31 =	simm.s32 $0xE100  }
0xd3: {  	[tilespmem:s31], [sflag:$0x2] =	stream.indirect_vreg.gather [hbm4b:s3+s2], $0x80, v3, vm0, $0xb8;
	[tilespmem:$0x10100] =	vst v63  }
0xd4: {  	s22 =	simm.s32 $0xE900  }
0xd5: {  	[tilespmem:s22], [sflag:$0x2] =	stream.indirect_vreg.gather [hbm4b:s4+s2], $0x80, v3, vm0, $0xb8;
	[tilespmem:$0x10100] =	vst v63  }
0xd6: {  	s22 =	simm.s32 $0xF100  }
0xd7: {  	[tilespmem:s22], [sflag:$0x2] =	stream.indirect_vreg.gather [hbm4b:s5+s2], $0x80, v3, vm0, $0xb8;
	[tilespmem:$0x10100] =	vst v63  }
0xd8: {  	s23 =	simm.s32 $0xF900  }
0xd9: {  	[tilespmem:s23], [sflag:$0x2] =	stream.indirect_vreg.gather [hbm4b:s6+s2], $0x80, v3, vm0, $0xb8;
	[tilespmem:$0x10100] =	vst v63  }
0xda: {  	_ =	swait.ge [sflag:s19], $0x8000  }
0xdb: {  	[sflag:s19] =	ssyncset.done $0x0  }
0xdc: {  	s23 =	rddreg [dreg:$0x7];
	[sflag:s19] =	ssyncadd.s32 $0xFFFF8000  }
0xdd: {  	[hbm4b:s23+s2] =	stream.linear.scatter [tilespmem:s26], [sflag:$0x4], $0x8000, $0x38;
	[tilespmem:$0x10100] =	vst v63  }
0xde: {  	_ =	swait.ge [sflag:s20], $0x8000  }
0xdf: {  	[sflag:s20] =	ssyncset.done $0x0  }
0xe0: {  	[sflag:s20] =	ssyncadd.s32 $0xFFFF8000  }
0xe1: {  	v3 =	vld [tilespmem:$0x80];
	_ =	sdelay $0x4  }
0xe2: {  	v56 =	vshll.u32 v3, $0x3  }
0xe3: {  	v3 =	vand.u32 $0x7, v3;
	v4 =	vand.u32 $0xFFFFFFC0, v56  }
0xe4: {  	v3 =	vor.u32 v3, v4  }
0xe5: {  	v4 =	vperm.xlane v3, v0;
	_ =	sdelay $0x1  }
0xe6: {  	v4 =	vadd.s32 v1, v4;
	_ =	sdelay $0x4  }
0xe7: {  	[tilespmem:s29], [sflag:$0x1] =	stream.indirect_vreg.gather [hbm4b:s3+s2], $0x80, v4, vm0, $0xb8;
	[tilespmem:$0x10100] =	vst v63  }
0xe8: {  	s23 =	simm.s32 $0x900;
	v3 =	vperm.xlane v3, v2  }
0xe9: {  	[tilespmem:s23], [sflag:$0x1] =	stream.indirect_vreg.gather [hbm4b:s4+s2], $0x80, v4, vm0, $0xb8;
	[tilespmem:$0x10100] =	vst v63  }
0xea: {  	v3 =	vadd.s32 v1, v3;
	s23 =	simm.s32 $0x1100  }
0xeb: {  	[tilespmem:s23], [sflag:$0x1] =	stream.indirect_vreg.gather [hbm4b:s5+s2], $0x80, v4, vm0, $0xb8;
	[tilespmem:$0x10100] =	vst v63  }
0xec: {  	_ = 	snop  }
0xed: {  	[tilespmem:s9], [sflag:$0x1] =	stream.indirect_vreg.gather [hbm4b:s6+s2], $0x80, v4, vm0, $0xb8;
	[tilespmem:$0x10100] =	vst v63  }
0xee: {  	s23 =	simm.s32 $0x2100  }
0xef: {  	[tilespmem:s23], [sflag:$0x1] =	stream.indirect_vreg.gather [hbm4b:s3+s2], $0x80, v3, vm0, $0xb8;
	[tilespmem:$0x10100] =	vst v63  }
0xf0: {  	s23 =	simm.s32 $0x2900  }
0xf1: {  	[tilespmem:s23], [sflag:$0x1] =	stream.indirect_vreg.gather [hbm4b:s4+s2], $0x80, v3, vm0, $0xb8;
	[tilespmem:$0x10100] =	vst v63  }
0xf2: {  	s23 =	simm.s32 $0x3100  }
0xf3: {  	[tilespmem:s23], [sflag:$0x1] =	stream.indirect_vreg.gather [hbm4b:s5+s2], $0x80, v3, vm0, $0xb8;
	[tilespmem:$0x10100] =	vst v63  }
0xf4: {  	s23 =	simm.s32 $0x3900  }
0xf5: {  	[tilespmem:s23], [sflag:$0x1] =	stream.indirect_vreg.gather [hbm4b:s6+s2], $0x80, v3, vm0, $0xb8;
	[tilespmem:$0x10100] =	vst v63  }
0xf6: {  	v3 =	vld [tilespmem:$0x90];
	_ =	sdelay $0x4  }
0xf7: {  	v57 =	vshll.u32 v3, $0x3  }
0xf8: {  	v3 =	vand.u32 $0x7, v3;
	v4 =	vand.u32 $0xFFFFFFC0, v57  }
0xf9: {  	v3 =	vor.u32 v3, v4  }
0xfa: {  	v4 =	vperm.xlane v3, v0;
	_ =	sdelay $0x1  }
0xfb: {  	v4 =	vadd.s32 v1, v4;
	_ =	sdelay $0x3  }
0xfc: {  	s23 =	simm.s32 $0x4100  }
0xfd: {  	[tilespmem:s23], [sflag:$0x1] =	stream.indirect_vreg.gather [hbm4b:s3+s2], $0x80, v4, vm0, $0xb8;
	[tilespmem:$0x10100] =	vst v63  }
0xfe: {  	v3 =	vperm.xlane v3, v2  }
0xff: {  	[tilespmem:s14], [sflag:$0x1] =	stream.indirect_vreg.gather [hbm4b:s4+s2], $0x80, v4, vm0, $0xb8;
	[tilespmem:$0x10100] =	vst v63  }
0x100: {  	v3 =	vadd.s32 v1, v3  }
0x101: {  	[tilespmem:s8], [sflag:$0x1] =	stream.indirect_vreg.gather [hbm4b:s5+s2], $0x80, v4, vm0, $0xb8;
	[tilespmem:$0x10100] =	vst v63  }
0x102: {  	_ = 	snop  }
0x103: {  	[tilespmem:s10], [sflag:$0x1] =	stream.indirect_vreg.gather [hbm4b:s6+s2], $0x80, v4, vm0, $0xb8;
	[tilespmem:$0x10100] =	vst v63  }
0x104: {  	_ = 	snop  }
0x105: {  	[tilespmem:s11], [sflag:$0x1] =	stream.indirect_vreg.gather [hbm4b:s3+s2], $0x80, v3, vm0, $0xb8;
	[tilespmem:$0x10100] =	vst v63  }
0x106: {  	_ = 	snop  }
0x107: {  	[tilespmem:s12], [sflag:$0x1] =	stream.indirect_vreg.gather [hbm4b:s4+s2], $0x80, v3, vm0, $0xb8;
	[tilespmem:$0x10100] =	vst v63  }
0x108: {  	_ = 	snop  }
0x109: {  	[tilespmem:s13], [sflag:$0x1] =	stream.indirect_vreg.gather [hbm4b:s5+s2], $0x80, v3, vm0, $0xb8;
	[tilespmem:$0x10100] =	vst v63  }
0x10a: {  	_ = 	snop  }
0x10b: {  	[tilespmem:s15], [sflag:$0x1] =	stream.indirect_vreg.gather [hbm4b:s6+s2], $0x80, v3, vm0, $0xb8;
	[tilespmem:$0x10100] =	vst v63  }
0x10c: {  	_ =	swait.ge [sflag:s25], $0x8000  }
0x10d: {  	[sflag:s25] =	ssyncset.done $0x0  }
0x10e: {  	s23 =	rddreg [dreg:$0x8];
	[sflag:s25] =	ssyncadd.s32 $0xFFFF8000  }
0x10f: {  	[hbm4b:s23+s2] =	stream.linear.scatter [tilespmem:s29], [sflag:$0x3], $0x8000, $0x38;
	[tilespmem:$0x10100] =	vst v63  }
0x110: {  	_ =	swait.ge [sflag:s21], $0x8000  }
0x111: {  	[sflag:s21] =	ssyncset.done $0x0  }
0x112: {  	[sflag:s21] =	ssyncadd.s32 $0xFFFF8000  }
0x113: {  	v3 =	vld [tilespmem:$0xA0];
	_ =	sdelay $0x4  }
0x114: {  	v58 =	vshll.u32 v3, $0x3  }
0x115: {  	v3 =	vand.u32 $0x7, v3;
	v4 =	vand.u32 $0xFFFFFFC0, v58  }
0x116: {  	v3 =	vor.u32 v3, v4  }
0x117: {  	v4 =	vperm.xlane v3, v0;
	_ =	sdelay $0x1  }
0x118: {  	v4 =	vadd.s32 v1, v4;
	_ =	sdelay $0x4  }
0x119: {  	[tilespmem:s26], [sflag:$0x2] =	stream.indirect_vreg.gather [hbm4b:s3+s2], $0x80, v4, vm0, $0xb8;
	[tilespmem:$0x10100] =	vst v63  }
0x11a: {  	v3 =	vperm.xlane v3, v2  }
0x11b: {  	[tilespmem:s1], [sflag:$0x2] =	stream.indirect_vreg.gather [hbm4b:s4+s2], $0x80, v4, vm0, $0xb8;
	[tilespmem:$0x10100] =	vst v63  }
0x11c: {  	v3 =	vadd.s32 v1, v3  }
0x11d: {  	[tilespmem:s0], [sflag:$0x2] =	stream.indirect_vreg.gather [hbm4b:s5+s2], $0x80, v4, vm0, $0xb8;
	[tilespmem:$0x10100] =	vst v63  }
0x11e: {  	s23 =	simm.s32 $0x9900  }
0x11f: {  	[tilespmem:s23], [sflag:$0x2] =	stream.indirect_vreg.gather [hbm4b:s6+s2], $0x80, v4, vm0, $0xb8;
	[tilespmem:$0x10100] =	vst v63  }
0x120: {  	s24 =	simm.s32 $0xA100  }
0x121: {  	[tilespmem:s24], [sflag:$0x2] =	stream.indirect_vreg.gather [hbm4b:s3+s2], $0x80, v3, vm0, $0xb8;
	[tilespmem:$0x10100] =	vst v63  }
0x122: {  	s28 =	simm.s32 $0xA900  }
0x123: {  	[tilespmem:s28], [sflag:$0x2] =	stream.indirect_vreg.gather [hbm4b:s4+s2], $0x80, v3, vm0, $0xb8;
	[tilespmem:$0x10100] =	vst v63  }
0x124: {  	s30 =	simm.s32 $0xB100  }
0x125: {  	[tilespmem:s30], [sflag:$0x2] =	stream.indirect_vreg.gather [hbm4b:s5+s2], $0x80, v3, vm0, $0xb8;
	[tilespmem:$0x10100] =	vst v63  }
0x126: {  	s30 =	simm.s32 $0xB900  }
0x127: {  	[tilespmem:s30], [sflag:$0x2] =	stream.indirect_vreg.gather [hbm4b:s6+s2], $0x80, v3, vm0, $0xb8;
	[tilespmem:$0x10100] =	vst v63  }
0x128: {  	v3 =	vld [tilespmem:$0xB0];
	_ =	sdelay $0x4  }
0x129: {  	v59 =	vshll.u32 v3, $0x3  }
0x12a: {  	v3 =	vand.u32 $0x7, v3;
	v4 =	vand.u32 $0xFFFFFFC0, v59  }
0x12b: {  	v3 =	vor.u32 v3, v4  }
0x12c: {  	v4 =	vperm.xlane v3, v0;
	_ =	sdelay $0x1  }
0x12d: {  	v4 =	vadd.s32 v1, v4;
	_ =	sdelay $0x3  }
0x12e: {  	s30 =	simm.s32 $0xC100  }
0x12f: {  	[tilespmem:s30], [sflag:$0x2] =	stream.indirect_vreg.gather [hbm4b:s3+s2], $0x80, v4, vm0, $0xb8;
	[tilespmem:$0x10100] =	vst v63  }
0x130: {  	v3 =	vperm.xlane v3, v2;
	s30 =	simm.s32 $0xC900  }
0x131: {  	[tilespmem:s30], [sflag:$0x2] =	stream.indirect_vreg.gather [hbm4b:s4+s2], $0x80, v4, vm0, $0xb8;
	[tilespmem:$0x10100] =	vst v63  }
0x132: {  	s16 =	simm.s32 $0xD100;
	v3 =	vadd.s32 v1, v3  }
0x133: {  	[tilespmem:s16], [sflag:$0x2] =	stream.indirect_vreg.gather [hbm4b:s5+s2], $0x80, v4, vm0, $0xb8;
	[tilespmem:$0x10100] =	vst v63  }
0x134: {  	s17 =	simm.s32 $0xD900  }
0x135: {  	[tilespmem:s17], [sflag:$0x2] =	stream.indirect_vreg.gather [hbm4b:s6+s2], $0x80, v4, vm0, $0xb8;
	[tilespmem:$0x10100] =	vst v63  }
0x136: {  	s31 =	simm.s32 $0xE100  }
0x137: {  	[tilespmem:s31], [sflag:$0x2] =	stream.indirect_vreg.gather [hbm4b:s3+s2], $0x80, v3, vm0, $0xb8;
	[tilespmem:$0x10100] =	vst v63  }
0x138: {  	s18 =	simm.s32 $0xE900  }
0x139: {  	[tilespmem:s18], [sflag:$0x2] =	stream.indirect_vreg.gather [hbm4b:s4+s2], $0x80, v3, vm0, $0xb8;
	[tilespmem:$0x10100] =	vst v63  }
0x13a: {  	s22 =	simm.s32 $0xF100  }
0x13b: {  	[tilespmem:s22], [sflag:$0x2] =	stream.indirect_vreg.gather [hbm4b:s5+s2], $0x80, v3, vm0, $0xb8;
	[tilespmem:$0x10100] =	vst v63  }
0x13c: {  	s22 =	simm.s32 $0xF900  }
0x13d: {  	[tilespmem:s22], [sflag:$0x2] =	stream.indirect_vreg.gather [hbm4b:s6+s2], $0x80, v3, vm0, $0xb8;
	[tilespmem:$0x10100] =	vst v63  }
0x13e: {  	_ =	swait.ge [sflag:s19], $0x8000  }
0x13f: {  	[sflag:s19] =	ssyncset.done $0x0  }
0x140: {  	s22 =	rddreg [dreg:$0x9];
	[sflag:s19] =	ssyncadd.s32 $0xFFFF8000  }
0x141: {  	[hbm4b:s22+s2] =	stream.linear.scatter [tilespmem:s26], [sflag:$0x4], $0x8000, $0x38;
	[tilespmem:$0x10100] =	vst v63  }
0x142: {  	_ =	swait.ge [sflag:s20], $0x8000  }
0x143: {  	[sflag:s20] =	ssyncset.done $0x0  }
0x144: {  	[sflag:s20] =	ssyncadd.s32 $0xFFFF8000  }
0x145: {  	v3 =	vld [tilespmem:$0xC0];
	_ =	sdelay $0x4  }
0x146: {  	v60 =	vshll.u32 v3, $0x3  }
0x147: {  	v3 =	vand.u32 $0x7, v3;
	v4 =	vand.u32 $0xFFFFFFC0, v60  }
0x148: {  	v3 =	vor.u32 v3, v4  }
0x149: {  	v4 =	vperm.xlane v3, v0;
	_ =	sdelay $0x1  }
0x14a: {  	v4 =	vadd.s32 v1, v4;
	_ =	sdelay $0x4  }
0x14b: {  	[tilespmem:s29], [sflag:$0x1] =	stream.indirect_vreg.gather [hbm4b:s3+s2], $0x80, v4, vm0, $0xb8;
	[tilespmem:$0x10100] =	vst v63  }
0x14c: {  	s22 =	simm.s32 $0x900;
	v3 =	vperm.xlane v3, v2  }
0x14d: {  	[tilespmem:s22], [sflag:$0x1] =	stream.indirect_vreg.gather [hbm4b:s4+s2], $0x80, v4, vm0, $0xb8;
	[tilespmem:$0x10100] =	vst v63  }
0x14e: {  	v3 =	vadd.s32 v1, v3;
	s22 =	simm.s32 $0x1100  }
0x14f: {  	[tilespmem:s22], [sflag:$0x1] =	stream.indirect_vreg.gather [hbm4b:s5+s2], $0x80, v4, vm0, $0xb8;
	[tilespmem:$0x10100] =	vst v63  }
0x150: {  	s9 =	simm.s32 $0x1900  }
0x151: {  	[tilespmem:s9], [sflag:$0x1] =	stream.indirect_vreg.gather [hbm4b:s6+s2], $0x80, v4, vm0, $0xb8;
	[tilespmem:$0x10100] =	vst v63  }
0x152: {  	s22 =	simm.s32 $0x2100  }
0x153: {  	[tilespmem:s22], [sflag:$0x1] =	stream.indirect_vreg.gather [hbm4b:s3+s2], $0x80, v3, vm0, $0xb8;
	[tilespmem:$0x10100] =	vst v63  }
0x154: {  	s22 =	simm.s32 $0x2900  }
0x155: {  	[tilespmem:s22], [sflag:$0x1] =	stream.indirect_vreg.gather [hbm4b:s4+s2], $0x80, v3, vm0, $0xb8;
	[tilespmem:$0x10100] =	vst v63  }
0x156: {  	s22 =	simm.s32 $0x3100  }
0x157: {  	[tilespmem:s22], [sflag:$0x1] =	stream.indirect_vreg.gather [hbm4b:s5+s2], $0x80, v3, vm0, $0xb8;
	[tilespmem:$0x10100] =	vst v63  }
0x158: {  	s22 =	simm.s32 $0x3900  }
0x159: {  	[tilespmem:s22], [sflag:$0x1] =	stream.indirect_vreg.gather [hbm4b:s6+s2], $0x80, v3, vm0, $0xb8;
	[tilespmem:$0x10100] =	vst v63  }
0x15a: {  	v3 =	vld [tilespmem:$0xD0];
	_ =	sdelay $0x4  }
0x15b: {  	v61 =	vshll.u32 v3, $0x3  }
0x15c: {  	v3 =	vand.u32 $0x7, v3;
	v4 =	vand.u32 $0xFFFFFFC0, v61  }
0x15d: {  	v3 =	vor.u32 v3, v4  }
0x15e: {  	v4 =	vperm.xlane v3, v0;
	_ =	sdelay $0x1  }
0x15f: {  	v4 =	vadd.s32 v1, v4;
	_ =	sdelay $0x3  }
0x160: {  	s22 =	simm.s32 $0x4100  }
0x161: {  	[tilespmem:s22], [sflag:$0x1] =	stream.indirect_vreg.gather [hbm4b:s3+s2], $0x80, v4, vm0, $0xb8;
	[tilespmem:$0x10100] =	vst v63  }
0x162: {  	s14 =	simm.s32 $0x4900;
	v3 =	vperm.xlane v3, v2  }
0x163: {  	[tilespmem:s14], [sflag:$0x1] =	stream.indirect_vreg.gather [hbm4b:s4+s2], $0x80, v4, vm0, $0xb8;
	[tilespmem:$0x10100] =	vst v63  }
0x164: {  	s8 =	simm.s32 $0x5100;
	v3 =	vadd.s32 v1, v3  }
0x165: {  	[tilespmem:s8], [sflag:$0x1] =	stream.indirect_vreg.gather [hbm4b:s5+s2], $0x80, v4, vm0, $0xb8;
	[tilespmem:$0x10100] =	vst v63  }
0x166: {  	s10 =	simm.s32 $0x5900  }
0x167: {  	[tilespmem:s10], [sflag:$0x1] =	stream.indirect_vreg.gather [hbm4b:s6+s2], $0x80, v4, vm0, $0xb8;
	[tilespmem:$0x10100] =	vst v63  }
0x168: {  	s11 =	simm.s32 $0x6100  }
0x169: {  	[tilespmem:s11], [sflag:$0x1] =	stream.indirect_vreg.gather [hbm4b:s3+s2], $0x80, v3, vm0, $0xb8;
	[tilespmem:$0x10100] =	vst v63  }
0x16a: {  	s12 =	simm.s32 $0x6900  }
0x16b: {  	[tilespmem:s12], [sflag:$0x1] =	stream.indirect_vreg.gather [hbm4b:s4+s2], $0x80, v3, vm0, $0xb8;
	[tilespmem:$0x10100] =	vst v63  }
0x16c: {  	s13 =	simm.s32 $0x7100  }
0x16d: {  	[tilespmem:s13], [sflag:$0x1] =	stream.indirect_vreg.gather [hbm4b:s5+s2], $0x80, v3, vm0, $0xb8;
	[tilespmem:$0x10100] =	vst v63  }
0x16e: {  	s15 =	simm.s32 $0x7900  }
0x16f: {  	[tilespmem:s15], [sflag:$0x1] =	stream.indirect_vreg.gather [hbm4b:s6+s2], $0x80, v3, vm0, $0xb8;
	[tilespmem:$0x10100] =	vst v63  }
0x170: {  	_ =	swait.ge [sflag:s25], $0x8000  }
0x171: {  	[sflag:s25] =	ssyncset.done $0x0  }
0x172: {  	s15 =	rddreg [dreg:$0xa];
	[sflag:s25] =	ssyncadd.s32 $0xFFFF8000  }
0x173: {  	[hbm4b:s15+s2] =	stream.linear.scatter [tilespmem:s29], [sflag:$0x3], $0x8000, $0x38;
	[tilespmem:$0x10100] =	vst v63  }
0x174: {  	_ =	swait.ge [sflag:s21], $0x8000  }
0x175: {  	[sflag:s21] =	ssyncset.done $0x0  }
0x176: {  	[sflag:s21] =	ssyncadd.s32 $0xFFFF8000  }
0x177: {  	v3 =	vld [tilespmem:$0xE0];
	_ =	sdelay $0x4  }
0x178: {  	v62 =	vshll.u32 v3, $0x3  }
0x179: {  	v3 =	vand.u32 $0x7, v3;
	v4 =	vand.u32 $0xFFFFFFC0, v62  }
0x17a: {  	v3 =	vor.u32 v3, v4  }
0x17b: {  	v4 =	vperm.xlane v3, v0;
	_ =	sdelay $0x1  }
0x17c: {  	v4 =	vadd.s32 v1, v4;
	_ =	sdelay $0x4  }
0x17d: {  	[tilespmem:s26], [sflag:$0x2] =	stream.indirect_vreg.gather [hbm4b:s3+s2], $0x80, v4, vm0, $0xb8;
	[tilespmem:$0x10100] =	vst v63  }
0x17e: {  	s1 =	simm.s32 $0x8900;
	v3 =	vperm.xlane v3, v2  }
0x17f: {  	[tilespmem:s1], [sflag:$0x2] =	stream.indirect_vreg.gather [hbm4b:s4+s2], $0x80, v4, vm0, $0xb8;
	[tilespmem:$0x10100] =	vst v63  }
0x180: {  	s0 =	simm.s32 $0x9100;
	v3 =	vadd.s32 v1, v3  }
0x181: {  	[tilespmem:s0], [sflag:$0x2] =	stream.indirect_vreg.gather [hbm4b:s5+s2], $0x80, v4, vm0, $0xb8;
	[tilespmem:$0x10100] =	vst v63  }
0x182: {  	s22 =	simm.s32 $0x9900  }
0x183: {  	[tilespmem:s22], [sflag:$0x2] =	stream.indirect_vreg.gather [hbm4b:s6+s2], $0x80, v4, vm0, $0xb8;
	[tilespmem:$0x10100] =	vst v63  }
0x184: {  	s23 =	simm.s32 $0xA100  }
0x185: {  	[tilespmem:s23], [sflag:$0x2] =	stream.indirect_vreg.gather [hbm4b:s3+s2], $0x80, v3, vm0, $0xb8;
	[tilespmem:$0x10100] =	vst v63  }
0x186: {  	s24 =	simm.s32 $0xA900  }
0x187: {  	[tilespmem:s24], [sflag:$0x2] =	stream.indirect_vreg.gather [hbm4b:s4+s2], $0x80, v3, vm0, $0xb8;
	[tilespmem:$0x10100] =	vst v63  }
0x188: {  	s28 =	simm.s32 $0xB100  }
0x189: {  	[tilespmem:s28], [sflag:$0x2] =	stream.indirect_vreg.gather [hbm4b:s5+s2], $0x80, v3, vm0, $0xb8;
	[tilespmem:$0x10100] =	vst v63  }
0x18a: {  	s23 =	simm.s32 $0xB900  }
0x18b: {  	[tilespmem:s23], [sflag:$0x2] =	stream.indirect_vreg.gather [hbm4b:s6+s2], $0x80, v3, vm0, $0xb8;
	[tilespmem:$0x10100] =	vst v63  }
0x18c: {  	v3 =	vld [tilespmem:$0xF0];
	_ =	sdelay $0x4  }
0x18d: {  	v63 =	vshll.u32 v3, $0x3  }
0x18e: {  	v3 =	vand.u32 $0x7, v3;
	v4 =	vand.u32 $0xFFFFFFC0, v63  }
0x18f: {  	v3 =	vor.u32 v3, v4  }
0x190: {  	v4 =	vperm.xlane v3, v0;
	_ =	sdelay $0x1  }
0x191: {  	v4 =	vadd.s32 v1, v4;
	_ =	sdelay $0x3  }
0x192: {  	s24 =	simm.s32 $0xC100  }
0x193: {  	[tilespmem:s24], [sflag:$0x2] =	stream.indirect_vreg.gather [hbm4b:s3+s2], $0x80, v4, vm0, $0xb8;
	[tilespmem:$0x10100] =	vst v63  }
0x194: {  	s28 =	simm.s32 $0xC900;
	v3 =	vperm.xlane v3, v2  }
0x195: {  	[tilespmem:s28], [sflag:$0x2] =	stream.indirect_vreg.gather [hbm4b:s4+s2], $0x80, v4, vm0, $0xb8;
	[tilespmem:$0x10100] =	vst v63  }
0x196: {  	s30 =	simm.s32 $0xD100;
	v3 =	vadd.s32 v1, v3  }
0x197: {  	[tilespmem:s30], [sflag:$0x2] =	stream.indirect_vreg.gather [hbm4b:s5+s2], $0x80, v4, vm0, $0xb8;
	[tilespmem:$0x10100] =	vst v63  }
0x198: {  	s16 =	simm.s32 $0xD900  }
0x199: {  	[tilespmem:s16], [sflag:$0x2] =	stream.indirect_vreg.gather [hbm4b:s6+s2], $0x80, v4, vm0, $0xb8;
	[tilespmem:$0x10100] =	vst v63  }
0x19a: {  	s31 =	simm.s32 $0xE100  }
0x19b: {  	[tilespmem:s31], [sflag:$0x2] =	stream.indirect_vreg.gather [hbm4b:s3+s2], $0x80, v3, vm0, $0xb8;
	[tilespmem:$0x10100] =	vst v63  }
0x19c: {  	s17 =	simm.s32 $0xE900  }
0x19d: {  	[tilespmem:s17], [sflag:$0x2] =	stream.indirect_vreg.gather [hbm4b:s4+s2], $0x80, v3, vm0, $0xb8;
	[tilespmem:$0x10100] =	vst v63  }
0x19e: {  	s18 =	simm.s32 $0xF100  }
0x19f: {  	[tilespmem:s18], [sflag:$0x2] =	stream.indirect_vreg.gather [hbm4b:s5+s2], $0x80, v3, vm0, $0xb8;
	[tilespmem:$0x10100] =	vst v63  }
0x1a0: {  	s30 =	simm.s32 $0xF900  }
0x1a1: {  	[tilespmem:s30], [sflag:$0x2] =	stream.indirect_vreg.gather [hbm4b:s6+s2], $0x80, v3, vm0, $0xb8;
	[tilespmem:$0x10100] =	vst v63  }
0x1a2: {  	_ =	swait.ge [sflag:s19], $0x8000  }
0x1a3: {  	[sflag:s19] =	ssyncset.done $0x0  }
0x1a4: {  	s31 =	rddreg [dreg:$0xb];
	[sflag:s19] =	ssyncadd.s32 $0xFFFF8000  }
0x1a5: {  	[hbm4b:s31+s2] =	stream.linear.scatter [tilespmem:s26], [sflag:$0x4], $0x8000, $0x38;
	[tilespmem:$0x10100] =	vst v63  }
0x1a6: {  	p0 =	sne.s32 s7, $0x1;
	_ =	swait.ge [sflag:s20], $0x8000  }
.Ltmp0:
0x1a7: {  	[sflag:s20] =	ssyncset.done $0x0;
	(pc) =	sbr.rel @p0 .LBB2_1-.Ltmp0, $4  }
0x1a8: {  	[sflag:s20] =	ssyncadd.s32 $0xFFFF8000  }
0x1a9: {  	_ =	swait.ge [sflag:s21], $0x8000  }
0x1aa: {  	[sflag:s21] =	ssyncset.done $0x0  }
0x1ab: {  	s7 =	sadd.s32 $0xFFFFFFFF, s7;
	[sflag:s21] =	ssyncadd.s32 $0xFFFF8000  }
0x1ac: {  	_ =	sfence.sel $0x180000  }
0x1ad: {  	[bflag:$0x0] =	sbarrier.arrive $0xFFFF  }
0x1ae: {  	_ =	strace $0x9000004A  }
0x1af: {  	s0 =	stileid.u32;
	[bflag:$0x2] =	sbarrier.arrive $0xFFFF  }
0x1b0: {  	p0 =	sne.s32 s0, $0x0;
	s0 =	rddreg [dreg:$0x1]  }
0x1b1: {  	s0 =	sadd.s32 @!p0 $0x100000, s0  }
0x1b2: {  	[sflag:s0] =	ssyncadd.tile.s32 @!p0 $0x1;
	_ =	shalt  }
.Lfunc_end2:
_tile_overlayer_lowered:
.L_overlay_start_2:
0x1b3: {  	(tag) =	ssettag $0x2  }
0x1b4: {  	s0 =	rddreg [dreg:$0x0];
	s2 =	stileid.u32  }
0x1b5: {  	s1 =	rddreg [dreg:$0x1];
	p0 =	sne.s32 s2, $0x0  }
0x1b6: {  	s3 =	rddreg [dreg:$0x2];
	[bflag:$0x3] =	sbarrier.arrive $0xFFFF;
	s2 =	simm.s32 @!p0 $0x1C05  }
0x1b7: {  	[timem:s3], [sflag:s2] =	dma.local @!p0 [hbm:s0], s1  }
0x1b8: {  	s0 =	simm.s32 @!p0 $0x5  }
0x1b9: {  	_ =	swait.ge @!p0 [sflag:s0], s1  }
0x1ba: {  	s1 =	ssub.s32 @!p0 $0x0, s1;
	[sflag:s0] =	ssyncset.done @!p0 $0x0  }
0x1bb: {  	[sflag:s0] =	ssyncadd.s32 @!p0 s1  }
0x1bc: {  	[bflag:$0x3] =	sbarrier.arrive $0xFFFF  }
0x1bd: {  	_ =	shalt  }

// kernel: kernel.8.cloned.1.call-start
scs
__scs_entry_jumppad:
0x0: {  	(pc) =	sbr.rel $0x88, $3  }
0x1: {  	(tag) =	ssettag $0x0;
	lr =	simm.s32 $0x1  }
0x2: {  	[smem:$0x3F98] =	sst lr;
	_ =	strace $0xD0000000  }
0x3: {  	_ = 	snop  }
0x4: {  	_ = 	snop  }
0x5: {  	_ = 	snop  }
0x6: {  	_ = 	snop  }
0x7: {  	_ = 	snop  }
__scs_overlays_trampoline_lowered:
0x8: {  	[smem:$0x3FA7] =	sst s0  }
0x9: {  	[smem:$0x3FA8] =	sst s1  }
0xa: {  	[smem:$0x3FA9] =	sst s2  }
0xb: {  	[smem:$0x3FAA] =	sst s3  }
0xc: {  	[smem:$0x3FAB] =	sst s4  }
0xd: {  	[smem:$0x3FAC] =	sst s5  }
0xe: {  	[smem:$0x3FAD] =	sst s6  }
0xf: {  	[smem:$0x3FAE] =	sst s7  }
0x10: {  	[smem:$0x3FAF] =	sst s8  }
0x11: {  	[smem:$0x3FB0] =	sst s9;
	s0 =	simm.s32 @!p0 $0x0  }
0x12: {  	s1 =	sld [smem:$0x3F96];
	s0 =	simm.s32 @p0 $0x1  }
0x13: {  	[smem:$0x3FB1] =	sst s0;
	s0 =	simm.s32 @!p1 $0x0  }
0x14: {  	s2 =	sld [smem:$0x3F95];
	s0 =	simm.s32 @p1 $0x1  }
0x15: {  	[smem:$0x3FB2] =	sst s0;
	s0 =	simm.s32 @!p2 $0x0  }
0x16: {  	s3 =	sld [smem:$0x3FDB];
	s0 =	simm.s32 @p2 $0x1  }
0x17: {  	s4 =	simm.s32 $0x1BF5;
	[smem:$0x3FB4] =	sst s0  }
0x18: {  	s0 =	sld [smem:$0x3F97];
	_ =	swait.ge [sflag:s4], $0x0  }
0x19: {  	s7 =	sld [smem:$0x3F98]  }
0x1a: {  	s8 =	sadd.s32 $0xFFFFE003, lr  }
0x1b: {  	s9 =	sadd.s32 $0xFFFFFEF7, lr;
	s5 =	simm.s32 $0xFFFFFFFF;
	p2 =	slt.u32 s8, $0xFFFFF086  }
0x1c: {  	p1 =	slt.u32 s9, $0xF7A;
	s5 =	simm.s32 @!p2 $0x0  }
0x1d: {  	s5 =	simm.s32 @p1 $0x1;
	p0 =	seq.s32 s7, s2  }
0x1e: {  	s7 =	smul.u32 @!p0 $0xF7A, s2;
	p2 =	seq.s32 @!p0 s5, $0x0  }
0x1f: {  	s9 =	smul.u32 $0xF7A, s1;
	s8 =	simm.s32 @!p0 $0x1BF5;
	p2 =	por !p2, p0  }
0x20: {  	[sflag:s8] =	ssyncset.s32 @!p0 $0xFFFFF086;
	s6 =	sadd.s32 @!p0 s3, s7;
	s7 =	simm.s32 @!p0 $0x108  }
0x21: {  	s3 =	sadd.s32 s3, s9;
	s6 =	sadd.s32 @!p0 $0x88, s6;
	s7 =	simm.s32 @p2 $0x1082  }
0x22: {  	[simem:s7], [sflag:s8] =	dma.local @!p0 [hbm:s6], $0xF7A  }
0x23: {  	s9 =	sor.u32 $0xD0000000, s2;
	s6 =	simm.s32 $0x108;
	_ =	swait.ge @!p0 [sflag:s8], $0x0  }
0x24: {  	s3 =	sadd.s32 $0x88, s3;
	s6 =	simm.s32 @!p1 $0x1082;
	[sflag:s4] =	ssyncset.s32 $0xFFFFF086  }
0x25: {  	[simem:s6], [sflag:s4] =	dma.local [hbm:s3], $0xF7A  }
0x26: {  	[smem:$0x3F98] =	sst s1;
	(tag) =	ssettag s2;
	_ =	strace s9  }
0x27: {  	s1 =	sld [smem:$0x3FA8]  }
0x28: {  	s2 =	sld [smem:$0x3FA9]  }
0x29: {  	s4 =	sld [smem:$0x3FAB]  }
0x2a: {  	p0 =	seq.s32 s5, $0x0;
	s5 =	sld [smem:$0x3FAC]  }
0x2b: {  	s6 =	sld [smem:$0x3FAD]  }
0x2c: {  	s7 =	sld [smem:$0x3FAE]  }
0x2d: {  	s3 =	simm.s32 $0x108;
	s8 =	sld [smem:$0x3FAF]  }
0x2e: {  	s3 =	simm.s32 @!p0 $0x1082;
	s9 =	sld [smem:$0x3FB0]  }
0x2f: {  	lr =	sadd.s32 s0, s3;
	s0 =	sld [smem:$0x3FA7]  }
0x30: {  	s3 =	sld [smem:$0x3FAA]  }
0x31: {  	[smem:$0x3FB3] =	sst s10  }
0x32: {  	s10 =	sld [smem:$0x3FB1];
	_ =	sdelay $0x3  }
0x33: {  	p0 =	seq.s32 s10, $0x1;
	s10 =	sld [smem:$0x3FB3];
	_ =	sdelay $0x3  }
0x34: {  	[smem:$0x3FB3] =	sst s10  }
0x35: {  	s10 =	sld [smem:$0x3FB2];
	_ =	sdelay $0x3  }
0x36: {  	p1 =	seq.s32 s10, $0x1;
	s10 =	sld [smem:$0x3FB3];
	_ =	sdelay $0x3  }
0x37: {  	[smem:$0x3FB3] =	sst s10  }
0x38: {  	s10 =	sld [smem:$0x3FB4]  }
0x39: {  	_ = 	snop;
	(pc) =	sbr.ind lr, $3  }
0x3a: {  	_ = 	snop  }
0x3b: {  	_ = 	snop  }
0x3c: {  	p2 =	seq.s32 s10, $0x1;
	s10 =	sld [smem:$0x3FB3]  }
0x3d: {  	_ =	shalt  }
0x3e: {  	_ =	shalt  }
0x3f: {  	_ =	shalt  }
0x40: {  	_ =	shalt  }
0x41: {  	_ =	shalt  }
0x42: {  	_ =	shalt  }
0x43: {  	_ =	shalt  }
0x44: {  	_ =	shalt  }
0x45: {  	_ =	shalt  }
0x46: {  	_ =	shalt  }
0x47: {  	_ =	shalt  }
0x48: {  	_ =	shalt  }
0x49: {  	_ =	shalt  }
0x4a: {  	_ =	shalt  }
0x4b: {  	_ =	shalt  }
0x4c: {  	_ =	shalt  }
0x4d: {  	_ =	shalt  }
0x4e: {  	_ =	shalt  }
0x4f: {  	_ =	shalt  }
0x50: {  	_ =	shalt  }
0x51: {  	_ =	shalt  }
0x52: {  	_ =	shalt  }
0x53: {  	_ =	shalt  }
0x54: {  	_ =	shalt  }
0x55: {  	_ =	shalt  }
0x56: {  	_ =	shalt  }
0x57: {  	_ =	shalt  }
0x58: {  	_ =	shalt  }
0x59: {  	_ =	shalt  }
0x5a: {  	_ =	shalt  }
0x5b: {  	_ =	shalt  }
0x5c: {  	_ =	shalt  }
0x5d: {  	_ =	shalt  }
0x5e: {  	_ =	shalt  }
0x5f: {  	_ =	shalt  }
0x60: {  	_ =	shalt  }
0x61: {  	_ =	shalt  }
0x62: {  	_ =	shalt  }
0x63: {  	_ =	shalt  }
0x64: {  	_ =	shalt  }
0x65: {  	_ =	shalt  }
0x66: {  	_ =	shalt  }
0x67: {  	_ =	shalt  }
0x68: {  	_ =	shalt  }
0x69: {  	_ =	shalt  }
0x6a: {  	_ =	shalt  }
0x6b: {  	_ =	shalt  }
0x6c: {  	_ =	shalt  }
0x6d: {  	_ =	shalt  }
0x6e: {  	_ =	shalt  }
0x6f: {  	_ =	shalt  }
0x70: {  	_ =	shalt  }
0x71: {  	_ =	shalt  }
0x72: {  	_ =	shalt  }
0x73: {  	_ =	shalt  }
0x74: {  	_ =	shalt  }
0x75: {  	_ =	shalt  }
0x76: {  	_ =	shalt  }
0x77: {  	_ =	shalt  }
0x78: {  	_ =	shalt  }
0x79: {  	_ =	shalt  }
0x7a: {  	_ =	shalt  }
0x7b: {  	_ =	shalt  }
0x7c: {  	_ =	shalt  }
0x7d: {  	_ =	shalt  }
0x7e: {  	_ =	shalt  }
0x7f: {  	_ =	shalt  }
0x80: {  	_ =	shalt  }
0x81: {  	_ =	shalt  }
0x82: {  	_ =	shalt  }
0x83: {  	_ =	shalt  }
0x84: {  	_ =	shalt  }
0x85: {  	_ =	shalt  }
0x86: {  	_ =	shalt  }
0x87: {  	_ =	shalt  }
.Lfunc_end0:
.L_simem_size_0:
called_computation_lowered:
.L_overlay_start_0:
0x88: {  	s2 =	sld [smem:$0x3FD9]  }
0x89: {  	s3 =	sld [smem:$0x3FFE];
	_ =	sdelay $0x1  }
0x8a: {  	s1 =	srdreg.scid  }
0x8b: {  	s0 =	sand.u32 $0x1, s1  }
0x8c: {  	s17 =	sshll.u32 s0, $0xA;
	s2 =	sadd.s32 s3, s2  }
0x8d: {  	s2 =	sadd.s32 s2, s17  }
0x8e: {  	[smem:$0x3FBF] =	sst s2  }
0x8f: {  	_ = 	snop  }
0x90: {  	s2 =	sld [smem:$0x3FC9];
	(tm) =	ssettm $0x1  }
0x91: {  	s18 =	sld [smem:$0x3FFB];
	_ =	sdelay $0x3  }
0x92: {  	_ =	strace s18  }
0x93: {  	s3 =	sld [smem:$0x3FFC];
	_ =	sdelay $0x3  }
0x94: {  	_ =	strace s3  }
0x95: {  	s3 =	sld [smem:$0x3FFD];
	_ =	sdelay $0x3  }
0x96: {  	_ =	strace s3  }
0x97: {  	_ =	strace $0x8FFFFFFF  }
0x98: {  	s19 =	sld [smem:$0x3FDB];
	_ =	sdelay $0x1  }
0x99: {  	s4 =	simm.s32 $_scs_section_size  }
0x9a: {  	s5 =	simm.s32 $_size__tile_overlayer_lowered;
	s6 =	simm.s32 $_tile_overlayer_lowered  }
0x9b: {  	s22 =	simm.s32 $0x1BFF;
	s21 =	sshll.u32 s6, $0x1;
	s3 =	sadd.s32 s4, s19  }
0x9c: {  	s7 =	simm.s32 $0x0;
	s20 =	sshll.u32 s5, $0x1;
	s5 =	sadd.s32 s21, s3  }
0x9d: {  	[timem:s7], [sflag:s22] =	dma.local [hbm:s5], s20  }
0x9e: {  	_ =	swait.ge [sflag:s22], s20  }
0x9f: {  	s4 =	ssub.s32 $0x0, s20;
	[sflag:s22] =	ssyncset.done $0x0  }
0xa0: {  	[sflag:s22] =	ssyncadd.s32 s4;
	_ =	sdelay $0x1  }
0xa1: {  	s23 =	simm.s32 $0x1B8B  }
0xa2: {  	_ =	swait.ge [sflag:s23], $0x1  }
0xa3: {  	[sflag:s23] =	ssyncset.done $0x0  }
0xa4: {  	s25 =	simm.s32 $0x1B8E;
	s24 =	sld [smem:$0x3FFE];
	[sflag:s23] =	ssyncadd.s32 $0xFFFFFFFF  }
0xa5: {  	s26 =	simm.s32 $execute0_lowered;
	[smem:$0x3FD2] =	sst s25  }
0xa6: {  	s5 =	sshll.u32 s26, $0x1;
	_ =	strace $0x80000046;
	[dreg:$0x1] =	wrdreg $0xFFFFFFFF  }
0xa7: {  	s28 =	simm.s32 $_size_execute0_lowered;
	s3 =	sadd.s32 s3, s5;
	[dreg:$0x0] =	wrdreg $0x0  }
0xa8: {  	s5 =	sshll.u32 s28, $0x1;
	[dreg:$0x2] =	wrdreg s3  }
0xa9: {  	[dreg:$0x3] =	wrdreg s5  }
0xaa: {  	[dreg:$0x4] =	wrdreg $0xC0  }
0xab: {  	_ =	task [dreg:s7], $0x5FFFF  }
0xac: {  	[dreg:$0x1] =	wrdreg $0xFFFFFFFF  }
0xad: {  	[dreg:$0x0] =	wrdreg $0x60  }
0xae: {  	[dreg:$0x2] =	wrdreg s2  }
0xaf: {  	[dreg:$0x3] =	wrdreg s24  }
0xb0: {  	[dreg:$0x4] =	wrdreg $0x9  }
0xb1: {  	_ =	task.clear_ibuf [dreg:s7], $0x5FFFF;
	_ =	strace $0x90000046  }
0xb2: {  	s29 =	simm.s32 $0x9;
	_ =	strace $0x80000048  }
0xb3: {  	_ =	swait.ge [sflag:s29], $0x1  }
0xb4: {  	[sflag:s29] =	ssyncadd.s32 $0xFFFFFFFF  }
0xb5: {  	_ =	strace $0x90000048  }
0xb6: {  	_ =	sfence  }
0xb7: {  	s30 =	sld [smem:$0x0];
	_ =	sdelay $0x2  }
0xb8: {  	s31 =	sshll.u32 s1, $0xD;
	s1 =	sshrl.u32 s1, $0x2  }
0xb9: {  	s3 =	sand.u32 $0x4000, s31;
	s1 =	sadd.s32 s1, s30  }
0xba: {  	s0 =	sor.u32 s3, s0;
	s1 =	sshll.u32 s1, $0x11  }
0xbb: {  	s0 =	sor.u32 s1, s0  }
0xbc: {  	s0 =	sadd.s32 $0x8F2B, s0  }
0xbd: {  	[sflag:s0] =	ssyncadd.remote.s32 $0x1  }
0xbe: {  	_ =	sfence.sel $0xFFFF  }
0xbf: {  	[dreg:$0x0] =	wrdreg $0xFFFFFFFF;
	(pc) =	sbr.abs _section_cstart, $3  }
0xc0: {  	[dreg:$0x1] =	wrdreg $0xFFFFFFFF  }
0xc1: {  	_ =	task.clear_ibuf [dreg:s7], $0x2FFFF;
	_ =	strace $0x9FFFFFFF  }
0xc2: {  	(tm) =	ssettm $0x7FFFFFFF  }
0xc3: {  	_ =	shalt  }
tec
execute0_lowered:
.L_overlay_start_1:
0x0: {  	(tag) =	ssettag $0x1  }
0x1: {  	s0 =	rddreg [dreg:$0x0]  }
0x2: {  	s1 =	rddreg [dreg:$0x1];
	s3 =	srdreg.scid  }
0x3: {  	s2 =	simm.s32 $0x0;
	s5 =	stileid.u32;
	s29 =	simm.s32 $0x80  }
0x4: {  	s30 =	simm.s32 $0x100;
	s31 =	simm.s32 $0x180;
	s4 =	sand.u32 $0x1, s3  }
0x5: {  	[smem:$0x7FF] =	sst s2;
	s22 =	sshll.u32 s5, $0x8;
	s6 =	sadd.s32 $0x12400, s1  }
0x6: {  	s9 =	sadd.s32 $0x12600, s1;
	_ =	strace $0x80000047;
	[dreg:$0x9] =	wrdreg s29  }
0x7: {  	s3 =	sadd.s32 $0x12800, s1;
	s23 =	sshll.u32 s4, $0x7;
	[dreg:$0xa] =	wrdreg s30  }
0x8: {  	s4 =	ssub.s32 $0x2, s4;
	[dreg:$0xb] =	wrdreg s31;
	s5 =	sor.u32 s23, s22  }
0x9: {  	s26 =	sshrl.u32 s4, $0x1;
	s7 =	sshrl.u32 s5, $0x3;
	s8 =	sor.u32 $0x40, s5  }
0xa: {  	s5 =	sshll.u32 s5, $0x7;
	s10 =	sadd.s32 s6, s7;
	s11 =	sshrl.u32 s8, $0x3  }
0xb: {  	s24 =	sadd.s32 s9, s7;
	s5 =	sadd.s32 s0, s5;
	[dreg:$0x3] =	wrdreg s10  }
0xc: {  	s7 =	ssub.s32 s4, s26;
	s28 =	sshll.u32 s8, $0x7;
	[dreg:$0x5] =	wrdreg s24  }
0xd: {  	s4 =	sadd.s32 $0x12900, s1;
	s6 =	sadd.s32 s6, s11;
	[dreg:$0x7] =	wrdreg s5  }
0xe: {  	v2 =	vlaneseq.u32;
	s26 =	simm.s32 $0x4;
	s25 =	sadd.s32 s9, s11;
	[dreg:$0x4] =	wrdreg s6  }
0xf: {  	vm0 =	vmmov $0xffff;
	v1 =	vshrl.u32 v2, $0x3;
	s5 =	sadd.s32 $0x12A00, s1;
	s0 =	sadd.s32 s0, s28;
	[dreg:$0x6] =	wrdreg s25  }
0x10: {  	v0 =	vand.u32 $0x7, v2;
	v2 =	vor.u32 $0x8, v2;
	v1 =	vmul.u32 $0x8, v1;
	s7 =	smax.u32 s7, $0x1;
	s6 =	sadd.s32 $0x12B00, s1;
	[dreg:$0x8] =	wrdreg s0  }
.LBB2_1:
0x11: {  	s22 =	rddreg [dreg:$0x3]  }
0x12: {  	[tilespmem:s2], [sflag:$0x4] =	stream.linear.gather [hbm4b:s22+s2], $0x40, $0x38;
	[tilespmem:$0x10200] =	vst v63  }
0x13: {  	_ =	swait.ge [sflag:s26], $0x40  }
0x14: {  	s19 =	rddreg [dreg:$0x4];
	[sflag:s26] =	ssyncset.done $0x0  }
0x15: {  	s23 =	rddreg [dreg:$0x9];
	[sflag:s26] =	ssyncadd.s32 $0xFFFFFFC0  }
0x16: {  	[tilespmem:s23], [sflag:$0x4] =	stream.linear.gather [hbm4b:s19+s2], $0x40, $0x38;
	[tilespmem:$0x10200] =	vst v63  }
0x17: {  	_ =	swait.ge [sflag:s26], $0x40  }
0x18: {  	s20 =	rddreg [dreg:$0x5];
	[sflag:s26] =	ssyncset.done $0x0  }
0x19: {  	s21 =	rddreg [dreg:$0xa];
	[sflag:s26] =	ssyncadd.s32 $0xFFFFFFC0  }
0x1a: {  	[tilespmem:s21], [sflag:$0x4] =	stream.linear.gather [hbm4b:s20+s2], $0x40, $0x38;
	[tilespmem:$0x10200] =	vst v63  }
0x1b: {  	_ =	swait.ge [sflag:s26], $0x40  }
0x1c: {  	s24 =	rddreg [dreg:$0x6];
	[sflag:s26] =	ssyncset.done $0x0  }
0x1d: {  	s25 =	rddreg [dreg:$0xb];
	[sflag:s26] =	ssyncadd.s32 $0xFFFFFFC0  }
0x1e: {  	[tilespmem:s25], [sflag:$0x4] =	stream.linear.gather [hbm4b:s24+s2], $0x40, $0x38;
	[tilespmem:$0x10200] =	vst v63  }
0x1f: {  	_ =	swait.ge [sflag:s26], $0x40  }
0x20: {  	s14 =	simm.s32 $0x200;
	[sflag:s26] =	ssyncset.done $0x0  }
0x21: {  	s20 =	simm.s32 $0x1;
	s28 =	rddreg [dreg:$0x7];
	[sflag:s26] =	ssyncadd.s32 $0xFFFFFFC0  }
0x22: {  	[tilespmem:s14], [sflag:$0x1] =	stream.linear.gather [hbm4b:s28+s2], $0x10000, $0x38;
	[tilespmem:$0x10200] =	vst v63  }
0x23: {  	_ =	swait.ge [sflag:s20], $0x10000  }
0x24: {  	[sflag:s20] =	ssyncset.done $0x0  }
0x25: {  	[sflag:s20] =	ssyncadd.s32 $0xFFFF0000  }
0x26: {  	v3 =	vld [tilespmem:$0x0];
	_ =	sdelay $0x4  }
0x27: {  	v4 =	vshll.u32 v3, $0x3  }
0x28: {  	v3 =	vand.u32 $0x7, v3;
	v4 =	vand.u32 $0xFFFFFFC0, v4  }
0x29: {  	v3 =	vor.u32 v3, v4  }
0x2a: {  	v4 =	vperm.xlane v3, v0;
	_ =	sdelay $0x1  }
0x2b: {  	v4 =	vadd.s32 v1, v4;
	_ =	sdelay $0x4  }
0x2c: {  	[hbm4b:s3+s2] =	stream.indirect_vreg.scatter [tilespmem:s14], [sflag:$0x2], $0x80, v4, vm0, $0xb8;
	[tilespmem:$0x10200] =	vst v63  }
0x2d: {  	s0 =	simm.s32 $0xA00;
	v3 =	vperm.xlane v3, v2  }
0x2e: {  	[hbm4b:s4+s2] =	stream.indirect_vreg.scatter [tilespmem:s0], [sflag:$0x2], $0x80, v4, vm0, $0xb8;
	[tilespmem:$0x10200] =	vst v63  }
0x2f: {  	s29 =	simm.s32 $0x1200;
	v3 =	vadd.s32 v1, v3  }
0x30: {  	[hbm4b:s5+s2] =	stream.indirect_vreg.scatter [tilespmem:s29], [sflag:$0x2], $0x80, v4, vm0, $0xb8;
	[tilespmem:$0x10200] =	vst v63  }
0x31: {  	s30 =	simm.s32 $0x1A00  }
0x32: {  	[hbm4b:s6+s2] =	stream.indirect_vreg.scatter [tilespmem:s30], [sflag:$0x2], $0x80, v4, vm0, $0xb8;
	[tilespmem:$0x10200] =	vst v63  }
0x33: {  	s31 =	simm.s32 $0x2200  }
0x34: {  	[hbm4b:s3+s2] =	stream.indirect_vreg.scatter [tilespmem:s31], [sflag:$0x2], $0x80, v3, vm0, $0xb8;
	[tilespmem:$0x10200] =	vst v63  }
0x35: {  	s1 =	simm.s32 $0x2A00  }
0x36: {  	[hbm4b:s4+s2] =	stream.indirect_vreg.scatter [tilespmem:s1], [sflag:$0x2], $0x80, v3, vm0, $0xb8;
	[tilespmem:$0x10200] =	vst v63  }
0x37: {  	s9 =	simm.s32 $0x3200  }
0x38: {  	[hbm4b:s5+s2] =	stream.indirect_vreg.scatter [tilespmem:s9], [sflag:$0x2], $0x80, v3, vm0, $0xb8;
	[tilespmem:$0x10200] =	vst v63  }
0x39: {  	s10 =	simm.s32 $0x3A00  }
0x3a: {  	[hbm4b:s6+s2] =	stream.indirect_vreg.scatter [tilespmem:s10], [sflag:$0x2], $0x80, v3, vm0, $0xb8;
	[tilespmem:$0x10200] =	vst v63  }
0x3b: {  	v3 =	vld [tilespmem:$0x10];
	_ =	sdelay $0x4  }
0x3c: {  	v49 =	vshll.u32 v3, $0x3  }
0x3d: {  	v3 =	vand.u32 $0x7, v3;
	v4 =	vand.u32 $0xFFFFFFC0, v49  }
0x3e: {  	v3 =	vor.u32 v3, v4  }
0x3f: {  	v4 =	vperm.xlane v3, v0;
	_ =	sdelay $0x1  }
0x40: {  	v4 =	vadd.s32 v1, v4;
	_ =	sdelay $0x3  }
0x41: {  	s11 =	simm.s32 $0x4200  }
0x42: {  	[hbm4b:s3+s2] =	stream.indirect_vreg.scatter [tilespmem:s11], [sflag:$0x2], $0x80, v4, vm0, $0xb8;
	[tilespmem:$0x10200] =	vst v63  }
0x43: {  	s12 =	simm.s32 $0x4A00;
	v3 =	vperm.xlane v3, v2  }
0x44: {  	[hbm4b:s4+s2] =	stream.indirect_vreg.scatter [tilespmem:s12], [sflag:$0x2], $0x80, v4, vm0, $0xb8;
	[tilespmem:$0x10200] =	vst v63  }
0x45: {  	s13 =	simm.s32 $0x5200;
	v3 =	vadd.s32 v1, v3  }
0x46: {  	[hbm4b:s5+s2] =	stream.indirect_vreg.scatter [tilespmem:s13], [sflag:$0x2], $0x80, v4, vm0, $0xb8;
	[tilespmem:$0x10200] =	vst v63  }
0x47: {  	s15 =	simm.s32 $0x5A00  }
0x48: {  	[hbm4b:s6+s2] =	stream.indirect_vreg.scatter [tilespmem:s15], [sflag:$0x2], $0x80, v4, vm0, $0xb8;
	[tilespmem:$0x10200] =	vst v63  }
0x49: {  	s19 =	simm.s32 $0x6200  }
0x4a: {  	[hbm4b:s3+s2] =	stream.indirect_vreg.scatter [tilespmem:s19], [sflag:$0x2], $0x80, v3, vm0, $0xb8;
	[tilespmem:$0x10200] =	vst v63  }
0x4b: {  	s21 =	simm.s32 $0x6A00  }
0x4c: {  	[hbm4b:s4+s2] =	stream.indirect_vreg.scatter [tilespmem:s21], [sflag:$0x2], $0x80, v3, vm0, $0xb8;
	[tilespmem:$0x10200] =	vst v63  }
0x4d: {  	s22 =	simm.s32 $0x7200  }
0x4e: {  	[hbm4b:s5+s2] =	stream.indirect_vreg.scatter [tilespmem:s22], [sflag:$0x2], $0x80, v3, vm0, $0xb8;
	[tilespmem:$0x10200] =	vst v63  }
0x4f: {  	s23 =	simm.s32 $0x7A00  }
0x50: {  	[hbm4b:s6+s2] =	stream.indirect_vreg.scatter [tilespmem:s23], [sflag:$0x2], $0x80, v3, vm0, $0xb8;
	[tilespmem:$0x10200] =	vst v63  }
0x51: {  	v3 =	vld [tilespmem:$0x20];
	_ =	sdelay $0x4  }
0x52: {  	v50 =	vshll.u32 v3, $0x3  }
0x53: {  	v3 =	vand.u32 $0x7, v3;
	v4 =	vand.u32 $0xFFFFFFC0, v50  }
0x54: {  	v3 =	vor.u32 v3, v4  }
0x55: {  	v4 =	vperm.xlane v3, v0;
	_ =	sdelay $0x1  }
0x56: {  	v4 =	vadd.s32 v1, v4;
	_ =	sdelay $0x3  }
0x57: {  	s24 =	simm.s32 $0x8200  }
0x58: {  	[hbm4b:s3+s2] =	stream.indirect_vreg.scatter [tilespmem:s24], [sflag:$0x2], $0x80, v4, vm0, $0xb8;
	[tilespmem:$0x10200] =	vst v63  }
0x59: {  	s9 =	simm.s32 $0x8A00;
	v3 =	vperm.xlane v3, v2  }
0x5a: {  	[hbm4b:s4+s2] =	stream.indirect_vreg.scatter [tilespmem:s9], [sflag:$0x2], $0x80, v4, vm0, $0xb8;
	[tilespmem:$0x10200] =	vst v63  }
0x5b: {  	s10 =	simm.s32 $0x9200;
	v3 =	vadd.s32 v1, v3  }
0x5c: {  	[hbm4b:s5+s2] =	stream.indirect_vreg.scatter [tilespmem:s10], [sflag:$0x2], $0x80, v4, vm0, $0xb8;
	[tilespmem:$0x10200] =	vst v63  }
0x5d: {  	s11 =	simm.s32 $0x9A00  }
0x5e: {  	[hbm4b:s6+s2] =	stream.indirect_vreg.scatter [tilespmem:s11], [sflag:$0x2], $0x80, v4, vm0, $0xb8;
	[tilespmem:$0x10200] =	vst v63  }
0x5f: {  	s22 =	simm.s32 $0xA200  }
0x60: {  	[hbm4b:s3+s2] =	stream.indirect_vreg.scatter [tilespmem:s22], [sflag:$0x2], $0x80, v3, vm0, $0xb8;
	[tilespmem:$0x10200] =	vst v63  }
0x61: {  	s24 =	simm.s32 $0xAA00  }
0x62: {  	[hbm4b:s4+s2] =	stream.indirect_vreg.scatter [tilespmem:s24], [sflag:$0x2], $0x80, v3, vm0, $0xb8;
	[tilespmem:$0x10200] =	vst v63  }
0x63: {  	s9 =	simm.s32 $0xB200  }
0x64: {  	[hbm4b:s5+s2] =	stream.indirect_vreg.scatter [tilespmem:s9], [sflag:$0x2], $0x80, v3, vm0, $0xb8;
	[tilespmem:$0x10200] =	vst v63  }
0x65: {  	s10 =	simm.s32 $0xBA00  }
0x66: {  	[hbm4b:s6+s2] =	stream.indirect_vreg.scatter [tilespmem:s10], [sflag:$0x2], $0x80, v3, vm0, $0xb8;
	[tilespmem:$0x10200] =	vst v63  }
0x67: {  	v3 =	vld [tilespmem:$0x30];
	_ =	sdelay $0x4  }
0x68: {  	v51 =	vshll.u32 v3, $0x3  }
0x69: {  	v3 =	vand.u32 $0x7, v3;
	v4 =	vand.u32 $0xFFFFFFC0, v51  }
0x6a: {  	v3 =	vor.u32 v3, v4  }
0x6b: {  	v4 =	vperm.xlane v3, v0;
	_ =	sdelay $0x1  }
0x6c: {  	v4 =	vadd.s32 v1, v4;
	_ =	sdelay $0x3  }
0x6d: {  	s11 =	simm.s32 $0xC200  }
0x6e: {  	[hbm4b:s3+s2] =	stream.indirect_vreg.scatter [tilespmem:s11], [sflag:$0x2], $0x80, v4, vm0, $0xb8;
	[tilespmem:$0x10200] =	vst v63  }
0x6f: {  	s10 =	simm.s32 $0xCA00;
	v3 =	vperm.xlane v3, v2  }
0x70: {  	[hbm4b:s4+s2] =	stream.indirect_vreg.scatter [tilespmem:s10], [sflag:$0x2], $0x80, v4, vm0, $0xb8;
	[tilespmem:$0x10200] =	vst v63  }
0x71: {  	s0 =	simm.s32 $0xD200;
	v3 =	vadd.s32 v1, v3  }
0x72: {  	[hbm4b:s5+s2] =	stream.indirect_vreg.scatter [tilespmem:s0], [sflag:$0x2], $0x80, v4, vm0, $0xb8;
	[tilespmem:$0x10200] =	vst v63  }
0x73: {  	s0 =	simm.s32 $0xDA00  }
0x74: {  	[hbm4b:s6+s2] =	stream.indirect_vreg.scatter [tilespmem:s0], [sflag:$0x2], $0x80, v4, vm0, $0xb8;
	[tilespmem:$0x10200] =	vst v63  }
0x75: {  	s0 =	simm.s32 $0xE200  }
0x76: {  	[hbm4b:s3+s2] =	stream.indirect_vreg.scatter [tilespmem:s0], [sflag:$0x2], $0x80, v3, vm0, $0xb8;
	[tilespmem:$0x10200] =	vst v63  }
0x77: {  	s0 =	simm.s32 $0xEA00  }
0x78: {  	[hbm4b:s4+s2] =	stream.indirect_vreg.scatter [tilespmem:s0], [sflag:$0x2], $0x80, v3, vm0, $0xb8;
	[tilespmem:$0x10200] =	vst v63  }
0x79: {  	s0 =	simm.s32 $0xF200  }
0x7a: {  	[hbm4b:s5+s2] =	stream.indirect_vreg.scatter [tilespmem:s0], [sflag:$0x2], $0x80, v3, vm0, $0xb8;
	[tilespmem:$0x10200] =	vst v63  }
0x7b: {  	s0 =	simm.s32 $0xFA00  }
0x7c: {  	[hbm4b:s6+s2] =	stream.indirect_vreg.scatter [tilespmem:s0], [sflag:$0x2], $0x80, v3, vm0, $0xb8;
	[tilespmem:$0x10200] =	vst v63  }
0x7d: {  	v3 =	vld [tilespmem:$0x100];
	_ =	sdelay $0x4  }
0x7e: {  	v52 =	vshll.u32 v3, $0x3  }
0x7f: {  	v3 =	vand.u32 $0x7, v3;
	v4 =	vand.u32 $0xFFFFFFC0, v52  }
0x80: {  	v3 =	vor.u32 v3, v4  }
0x81: {  	v4 =	vperm.xlane v3, v0;
	_ =	sdelay $0x1  }
0x82: {  	v4 =	vadd.s32 v1, v4;
	_ =	sdelay $0x4  }
0x83: {  	[hbm4b:s3+s2] =	stream.indirect_vreg.scatter [tilespmem:s14], [sflag:$0x3], $0x80, v4, vm0, $0xb8;
	[tilespmem:$0x10200] =	vst v63  }
0x84: {  	s16 =	simm.s32 $0xA00;
	v3 =	vperm.xlane v3, v2  }
0x85: {  	[hbm4b:s4+s2] =	stream.indirect_vreg.scatter [tilespmem:s16], [sflag:$0x3], $0x80, v4, vm0, $0xb8;
	[tilespmem:$0x10200] =	vst v63  }
0x86: {  	s25 =	simm.s32 $0x1200;
	v3 =	vadd.s32 v1, v3  }
0x87: {  	[hbm4b:s5+s2] =	stream.indirect_vreg.scatter [tilespmem:s25], [sflag:$0x3], $0x80, v4, vm0, $0xb8;
	[tilespmem:$0x10200] =	vst v63  }
0x88: {  	s8 =	simm.s32 $0x1A00  }
0x89: {  	[hbm4b:s6+s2] =	stream.indirect_vreg.scatter [tilespmem:s8], [sflag:$0x3], $0x80, v4, vm0, $0xb8;
	[tilespmem:$0x10200] =	vst v63  }
0x8a: {  	s28 =	simm.s32 $0x2200  }
0x8b: {  	[hbm4b:s3+s2] =	stream.indirect_vreg.scatter [tilespmem:s28], [sflag:$0x3], $0x80, v3, vm0, $0xb8;
	[tilespmem:$0x10200] =	vst v63  }
0x8c: {  	s29 =	simm.s32 $0x2A00  }
0x8d: {  	[hbm4b:s4+s2] =	stream.indirect_vreg.scatter [tilespmem:s29], [sflag:$0x3], $0x80, v3, vm0, $0xb8;
	[tilespmem:$0x10200] =	vst v63  }
0x8e: {  	s30 =	simm.s32 $0x3200  }
0x8f: {  	[hbm4b:s5+s2] =	stream.indirect_vreg.scatter [tilespmem:s30], [sflag:$0x3], $0x80, v3, vm0, $0xb8;
	[tilespmem:$0x10200] =	vst v63  }
0x90: {  	s17 =	simm.s32 $0x3A00  }
0x91: {  	[hbm4b:s6+s2] =	stream.indirect_vreg.scatter [tilespmem:s17], [sflag:$0x3], $0x80, v3, vm0, $0xb8;
	[tilespmem:$0x10200] =	vst v63  }
0x92: {  	v3 =	vld [tilespmem:$0x110];
	_ =	sdelay $0x4  }
0x93: {  	v53 =	vshll.u32 v3, $0x3  }
0x94: {  	v3 =	vand.u32 $0x7, v3;
	v4 =	vand.u32 $0xFFFFFFC0, v53  }
0x95: {  	v3 =	vor.u32 v3, v4  }
0x96: {  	v4 =	vperm.xlane v3, v0;
	_ =	sdelay $0x1  }
0x97: {  	v4 =	vadd.s32 v1, v4;
	_ =	sdelay $0x3  }
0x98: {  	s18 =	simm.s32 $0x4200  }
0x99: {  	[hbm4b:s3+s2] =	stream.indirect_vreg.scatter [tilespmem:s18], [sflag:$0x3], $0x80, v4, vm0, $0xb8;
	[tilespmem:$0x10200] =	vst v63  }
0x9a: {  	s1 =	simm.s32 $0x4A00;
	v3 =	vperm.xlane v3, v2  }
0x9b: {  	[hbm4b:s4+s2] =	stream.indirect_vreg.scatter [tilespmem:s1], [sflag:$0x3], $0x80, v4, vm0, $0xb8;
	[tilespmem:$0x10200] =	vst v63  }
0x9c: {  	s31 =	simm.s32 $0x5200;
	v3 =	vadd.s32 v1, v3  }
0x9d: {  	[hbm4b:s5+s2] =	stream.indirect_vreg.scatter [tilespmem:s31], [sflag:$0x3], $0x80, v4, vm0, $0xb8;
	[tilespmem:$0x10200] =	vst v63  }
0x9e: {  	s18 =	simm.s32 $0x5A00  }
0x9f: {  	[hbm4b:s6+s2] =	stream.indirect_vreg.scatter [tilespmem:s18], [sflag:$0x3], $0x80, v4, vm0, $0xb8;
	[tilespmem:$0x10200] =	vst v63  }
0xa0: {  	s25 =	simm.s32 $0x6200  }
0xa1: {  	[hbm4b:s3+s2] =	stream.indirect_vreg.scatter [tilespmem:s25], [sflag:$0x3], $0x80, v3, vm0, $0xb8;
	[tilespmem:$0x10200] =	vst v63  }
0xa2: {  	s28 =	simm.s32 $0x6A00  }
0xa3: {  	[hbm4b:s4+s2] =	stream.indirect_vreg.scatter [tilespmem:s28], [sflag:$0x3], $0x80, v3, vm0, $0xb8;
	[tilespmem:$0x10200] =	vst v63  }
0xa4: {  	s19 =	simm.s32 $0x7200  }
0xa5: {  	[hbm4b:s5+s2] =	stream.indirect_vreg.scatter [tilespmem:s19], [sflag:$0x3], $0x80, v3, vm0, $0xb8;
	[tilespmem:$0x10200] =	vst v63  }
0xa6: {  	s12 =	simm.s32 $0x7A00  }
0xa7: {  	[hbm4b:s6+s2] =	stream.indirect_vreg.scatter [tilespmem:s12], [sflag:$0x3], $0x80, v3, vm0, $0xb8;
	[tilespmem:$0x10200] =	vst v63  }
0xa8: {  	v3 =	vld [tilespmem:$0x120];
	_ =	sdelay $0x4  }
0xa9: {  	v54 =	vshll.u32 v3, $0x3  }
0xaa: {  	v3 =	vand.u32 $0x7, v3;
	v4 =	vand.u32 $0xFFFFFFC0, v54  }
0xab: {  	v3 =	vor.u32 v3, v4  }
0xac: {  	v4 =	vperm.xlane v3, v0;
	_ =	sdelay $0x1  }
0xad: {  	v4 =	vadd.s32 v1, v4;
	_ =	sdelay $0x3  }
0xae: {  	s13 =	simm.s32 $0x8200  }
0xaf: {  	[hbm4b:s3+s2] =	stream.indirect_vreg.scatter [tilespmem:s13], [sflag:$0x3], $0x80, v4, vm0, $0xb8;
	[tilespmem:$0x10200] =	vst v63  }
0xb0: {  	s15 =	simm.s32 $0x8A00;
	v3 =	vperm.xlane v3, v2  }
0xb1: {  	[hbm4b:s4+s2] =	stream.indirect_vreg.scatter [tilespmem:s15], [sflag:$0x3], $0x80, v4, vm0, $0xb8;
	[tilespmem:$0x10200] =	vst v63  }
0xb2: {  	s21 =	simm.s32 $0x9200;
	v3 =	vadd.s32 v1, v3  }
0xb3: {  	[hbm4b:s5+s2] =	stream.indirect_vreg.scatter [tilespmem:s21], [sflag:$0x3], $0x80, v4, vm0, $0xb8;
	[tilespmem:$0x10200] =	vst v63  }
0xb4: {  	s23 =	simm.s32 $0x9A00  }
0xb5: {  	[hbm4b:s6+s2] =	stream.indirect_vreg.scatter [tilespmem:s23], [sflag:$0x3], $0x80, v4, vm0, $0xb8;
	[tilespmem:$0x10200] =	vst v63  }
0xb6: {  	s29 =	simm.s32 $0xA200  }
0xb7: {  	[hbm4b:s3+s2] =	stream.indirect_vreg.scatter [tilespmem:s29], [sflag:$0x3], $0x80, v3, vm0, $0xb8;
	[tilespmem:$0x10200] =	vst v63  }
0xb8: {  	s24 =	simm.s32 $0xAA00  }
0xb9: {  	[hbm4b:s4+s2] =	stream.indirect_vreg.scatter [tilespmem:s24], [sflag:$0x3], $0x80, v3, vm0, $0xb8;
	[tilespmem:$0x10200] =	vst v63  }
0xba: {  	s22 =	simm.s32 $0xB200  }
0xbb: {  	[hbm4b:s5+s2] =	stream.indirect_vreg.scatter [tilespmem:s22], [sflag:$0x3], $0x80, v3, vm0, $0xb8;
	[tilespmem:$0x10200] =	vst v63  }
0xbc: {  	s9 =	simm.s32 $0xBA00  }
0xbd: {  	[hbm4b:s6+s2] =	stream.indirect_vreg.scatter [tilespmem:s9], [sflag:$0x3], $0x80, v3, vm0, $0xb8;
	[tilespmem:$0x10200] =	vst v63  }
0xbe: {  	v3 =	vld [tilespmem:$0x130];
	_ =	sdelay $0x4  }
0xbf: {  	v55 =	vshll.u32 v3, $0x3  }
0xc0: {  	v3 =	vand.u32 $0x7, v3;
	v4 =	vand.u32 $0xFFFFFFC0, v55  }
0xc1: {  	v3 =	vor.u32 v3, v4  }
0xc2: {  	v4 =	vperm.xlane v3, v0;
	_ =	sdelay $0x1  }
0xc3: {  	v4 =	vadd.s32 v1, v4;
	_ =	sdelay $0x3  }
0xc4: {  	s11 =	simm.s32 $0xC200  }
0xc5: {  	[hbm4b:s3+s2] =	stream.indirect_vreg.scatter [tilespmem:s11], [sflag:$0x3], $0x80, v4, vm0, $0xb8;
	[tilespmem:$0x10200] =	vst v63  }
0xc6: {  	s10 =	simm.s32 $0xCA00;
	v3 =	vperm.xlane v3, v2  }
0xc7: {  	[hbm4b:s4+s2] =	stream.indirect_vreg.scatter [tilespmem:s10], [sflag:$0x3], $0x80, v4, vm0, $0xb8;
	[tilespmem:$0x10200] =	vst v63  }
0xc8: {  	s30 =	simm.s32 $0xD200;
	v3 =	vadd.s32 v1, v3  }
0xc9: {  	[hbm4b:s5+s2] =	stream.indirect_vreg.scatter [tilespmem:s30], [sflag:$0x3], $0x80, v4, vm0, $0xb8;
	[tilespmem:$0x10200] =	vst v63  }
0xca: {  	s31 =	simm.s32 $0xDA00  }
0xcb: {  	[hbm4b:s6+s2] =	stream.indirect_vreg.scatter [tilespmem:s31], [sflag:$0x3], $0x80, v4, vm0, $0xb8;
	[tilespmem:$0x10200] =	vst v63  }
0xcc: {  	s8 =	simm.s32 $0xE200  }
0xcd: {  	[hbm4b:s3+s2] =	stream.indirect_vreg.scatter [tilespmem:s8], [sflag:$0x3], $0x80, v3, vm0, $0xb8;
	[tilespmem:$0x10200] =	vst v63  }
0xce: {  	s9 =	simm.s32 $0xEA00  }
0xcf: {  	[hbm4b:s4+s2] =	stream.indirect_vreg.scatter [tilespmem:s9], [sflag:$0x3], $0x80, v3, vm0, $0xb8;
	[tilespmem:$0x10200] =	vst v63  }
0xd0: {  	s10 =	simm.s32 $0xF200  }
0xd1: {  	[hbm4b:s5+s2] =	stream.indirect_vreg.scatter [tilespmem:s10], [sflag:$0x3], $0x80, v3, vm0, $0xb8;
	[tilespmem:$0x10200] =	vst v63  }
0xd2: {  	s0 =	simm.s32 $0xFA00  }
0xd3: {  	[hbm4b:s6+s2] =	stream.indirect_vreg.scatter [tilespmem:s0], [sflag:$0x3], $0x80, v3, vm0, $0xb8;
	[tilespmem:$0x10200] =	vst v63  }
0xd4: {  	s0 =	simm.s32 $0x2  }
0xd5: {  	_ =	swait.ge [sflag:s0], $0x10000  }
0xd6: {  	[sflag:s0] =	ssyncset.done $0x0  }
0xd7: {  	s1 =	simm.s32 $0x3;
	[sflag:s0] =	ssyncadd.s32 $0xFFFF0000  }
0xd8: {  	_ =	swait.ge [sflag:s1], $0x10000  }
0xd9: {  	[sflag:s1] =	ssyncset.done $0x0  }
0xda: {  	s11 =	rddreg [dreg:$0x8];
	[sflag:s1] =	ssyncadd.s32 $0xFFFF0000  }
0xdb: {  	[tilespmem:s14], [sflag:$0x1] =	stream.linear.gather [hbm4b:s11+s2], $0x10000, $0x38;
	[tilespmem:$0x10200] =	vst v63  }
0xdc: {  	_ =	swait.ge [sflag:s20], $0x10000  }
0xdd: {  	[sflag:s20] =	ssyncset.done $0x0  }
0xde: {  	[sflag:s20] =	ssyncadd.s32 $0xFFFF0000  }
0xdf: {  	v3 =	vld [tilespmem:$0x80];
	_ =	sdelay $0x4  }
0xe0: {  	v56 =	vshll.u32 v3, $0x3  }
0xe1: {  	v3 =	vand.u32 $0x7, v3;
	v4 =	vand.u32 $0xFFFFFFC0, v56  }
0xe2: {  	v3 =	vor.u32 v3, v4  }
0xe3: {  	v4 =	vperm.xlane v3, v0;
	_ =	sdelay $0x1  }
0xe4: {  	v4 =	vadd.s32 v1, v4;
	_ =	sdelay $0x4  }
0xe5: {  	[hbm4b:s3+s2] =	stream.indirect_vreg.scatter [tilespmem:s14], [sflag:$0x2], $0x80, v4, vm0, $0xb8;
	[tilespmem:$0x10200] =	vst v63  }
0xe6: {  	s22 =	simm.s32 $0xA00;
	v3 =	vperm.xlane v3, v2  }
0xe7: {  	[hbm4b:s4+s2] =	stream.indirect_vreg.scatter [tilespmem:s22], [sflag:$0x2], $0x80, v4, vm0, $0xb8;
	[tilespmem:$0x10200] =	vst v63  }
0xe8: {  	s24 =	simm.s32 $0x1200;
	v3 =	vadd.s32 v1, v3  }
0xe9: {  	[hbm4b:s5+s2] =	stream.indirect_vreg.scatter [tilespmem:s24], [sflag:$0x2], $0x80, v4, vm0, $0xb8;
	[tilespmem:$0x10200] =	vst v63  }
0xea: {  	s8 =	simm.s32 $0x1A00  }
0xeb: {  	[hbm4b:s6+s2] =	stream.indirect_vreg.scatter [tilespmem:s8], [sflag:$0x2], $0x80, v4, vm0, $0xb8;
	[tilespmem:$0x10200] =	vst v63  }
0xec: {  	s9 =	simm.s32 $0x2200  }
0xed: {  	[hbm4b:s3+s2] =	stream.indirect_vreg.scatter [tilespmem:s9], [sflag:$0x2], $0x80, v3, vm0, $0xb8;
	[tilespmem:$0x10200] =	vst v63  }
0xee: {  	s10 =	simm.s32 $0x2A00  }
0xef: {  	[hbm4b:s4+s2] =	stream.indirect_vreg.scatter [tilespmem:s10], [sflag:$0x2], $0x80, v3, vm0, $0xb8;
	[tilespmem:$0x10200] =	vst v63  }
0xf0: {  	s11 =	simm.s32 $0x3200  }
0xf1: {  	[hbm4b:s5+s2] =	stream.indirect_vreg.scatter [tilespmem:s11], [sflag:$0x2], $0x80, v3, vm0, $0xb8;
	[tilespmem:$0x10200] =	vst v63  }
0xf2: {  	s31 =	simm.s32 $0x3A00  }
0xf3: {  	[hbm4b:s6+s2] =	stream.indirect_vreg.scatter [tilespmem:s31], [sflag:$0x2], $0x80, v3, vm0, $0xb8;
	[tilespmem:$0x10200] =	vst v63  }
0xf4: {  	v3 =	vld [tilespmem:$0x90];
	_ =	sdelay $0x4  }
0xf5: {  	v57 =	vshll.u32 v3, $0x3  }
0xf6: {  	v3 =	vand.u32 $0x7, v3;
	v4 =	vand.u32 $0xFFFFFFC0, v57  }
0xf7: {  	v3 =	vor.u32 v3, v4  }
0xf8: {  	v4 =	vperm.xlane v3, v0;
	_ =	sdelay $0x1  }
0xf9: {  	v4 =	vadd.s32 v1, v4;
	_ =	sdelay $0x3  }
0xfa: {  	s22 =	simm.s32 $0x4200  }
0xfb: {  	[hbm4b:s3+s2] =	stream.indirect_vreg.scatter [tilespmem:s22], [sflag:$0x2], $0x80, v4, vm0, $0xb8;
	[tilespmem:$0x10200] =	vst v63  }
0xfc: {  	s31 =	simm.s32 $0x4A00;
	v3 =	vperm.xlane v3, v2  }
0xfd: {  	[hbm4b:s4+s2] =	stream.indirect_vreg.scatter [tilespmem:s31], [sflag:$0x2], $0x80, v4, vm0, $0xb8;
	[tilespmem:$0x10200] =	vst v63  }
0xfe: {  	s20 =	simm.s32 $0x5200;
	v3 =	vadd.s32 v1, v3  }
0xff: {  	[hbm4b:s5+s2] =	stream.indirect_vreg.scatter [tilespmem:s20], [sflag:$0x2], $0x80, v4, vm0, $0xb8;
	[tilespmem:$0x10200] =	vst v63  }
0x100: {  	s17 =	simm.s32 $0x5A00  }
0x101: {  	[hbm4b:s6+s2] =	stream.indirect_vreg.scatter [tilespmem:s17], [sflag:$0x2], $0x80, v4, vm0, $0xb8;
	[tilespmem:$0x10200] =	vst v63  }
0x102: {  	s18 =	simm.s32 $0x6200  }
0x103: {  	[hbm4b:s3+s2] =	stream.indirect_vreg.scatter [tilespmem:s18], [sflag:$0x2], $0x80, v3, vm0, $0xb8;
	[tilespmem:$0x10200] =	vst v63  }
0x104: {  	s25 =	simm.s32 $0x6A00  }
0x105: {  	[hbm4b:s4+s2] =	stream.indirect_vreg.scatter [tilespmem:s25], [sflag:$0x2], $0x80, v3, vm0, $0xb8;
	[tilespmem:$0x10200] =	vst v63  }
0x106: {  	s19 =	simm.s32 $0x7200  }
0x107: {  	[hbm4b:s5+s2] =	stream.indirect_vreg.scatter [tilespmem:s19], [sflag:$0x2], $0x80, v3, vm0, $0xb8;
	[tilespmem:$0x10200] =	vst v63  }
0x108: {  	s12 =	simm.s32 $0x7A00  }
0x109: {  	[hbm4b:s6+s2] =	stream.indirect_vreg.scatter [tilespmem:s12], [sflag:$0x2], $0x80, v3, vm0, $0xb8;
	[tilespmem:$0x10200] =	vst v63  }
0x10a: {  	v3 =	vld [tilespmem:$0xA0];
	_ =	sdelay $0x4  }
0x10b: {  	v58 =	vshll.u32 v3, $0x3  }
0x10c: {  	v3 =	vand.u32 $0x7, v3;
	v4 =	vand.u32 $0xFFFFFFC0, v58  }
0x10d: {  	v3 =	vor.u32 v3, v4  }
0x10e: {  	v4 =	vperm.xlane v3, v0;
	_ =	sdelay $0x1  }
0x10f: {  	v4 =	vadd.s32 v1, v4;
	_ =	sdelay $0x3  }
0x110: {  	s13 =	simm.s32 $0x8200  }
0x111: {  	[hbm4b:s3+s2] =	stream.indirect_vreg.scatter [tilespmem:s13], [sflag:$0x2], $0x80, v4, vm0, $0xb8;
	[tilespmem:$0x10200] =	vst v63  }
0x112: {  	s22 =	simm.s32 $0x8A00;
	v3 =	vperm.xlane v3, v2  }
0x113: {  	[hbm4b:s4+s2] =	stream.indirect_vreg.scatter [tilespmem:s22], [sflag:$0x2], $0x80, v4, vm0, $0xb8;
	[tilespmem:$0x10200] =	vst v63  }
0x114: {  	s21 =	simm.s32 $0x9200;
	v3 =	vadd.s32 v1, v3  }
0x115: {  	[hbm4b:s5+s2] =	stream.indirect_vreg.scatter [tilespmem:s21], [sflag:$0x2], $0x80, v4, vm0, $0xb8;
	[tilespmem:$0x10200] =	vst v63  }
0x116: {  	s23 =	simm.s32 $0x9A00  }
0x117: {  	[hbm4b:s6+s2] =	stream.indirect_vreg.scatter [tilespmem:s23], [sflag:$0x2], $0x80, v4, vm0, $0xb8;
	[tilespmem:$0x10200] =	vst v63  }
0x118: {  	s16 =	simm.s32 $0xA200  }
0x119: {  	[hbm4b:s3+s2] =	stream.indirect_vreg.scatter [tilespmem:s16], [sflag:$0x2], $0x80, v3, vm0, $0xb8;
	[tilespmem:$0x10200] =	vst v63  }
0x11a: {  	s28 =	simm.s32 $0xAA00  }
0x11b: {  	[hbm4b:s4+s2] =	stream.indirect_vreg.scatter [tilespmem:s28], [sflag:$0x2], $0x80, v3, vm0, $0xb8;
	[tilespmem:$0x10200] =	vst v63  }
0x11c: {  	s22 =	simm.s32 $0xB200  }
0x11d: {  	[hbm4b:s5+s2] =	stream.indirect_vreg.scatter [tilespmem:s22], [sflag:$0x2], $0x80, v3, vm0, $0xb8;
	[tilespmem:$0x10200] =	vst v63  }
0x11e: {  	s13 =	simm.s32 $0xBA00  }
0x11f: {  	[hbm4b:s6+s2] =	stream.indirect_vreg.scatter [tilespmem:s13], [sflag:$0x2], $0x80, v3, vm0, $0xb8;
	[tilespmem:$0x10200] =	vst v63  }
0x120: {  	v3 =	vld [tilespmem:$0xB0];
	_ =	sdelay $0x4  }
0x121: {  	v59 =	vshll.u32 v3, $0x3  }
0x122: {  	v3 =	vand.u32 $0x7, v3;
	v4 =	vand.u32 $0xFFFFFFC0, v59  }
0x123: {  	v3 =	vor.u32 v3, v4  }
0x124: {  	v4 =	vperm.xlane v3, v0;
	_ =	sdelay $0x1  }
0x125: {  	v4 =	vadd.s32 v1, v4;
	_ =	sdelay $0x3  }
0x126: {  	s12 =	simm.s32 $0xC200  }
0x127: {  	[hbm4b:s3+s2] =	stream.indirect_vreg.scatter [tilespmem:s12], [sflag:$0x2], $0x80, v4, vm0, $0xb8;
	[tilespmem:$0x10200] =	vst v63  }
0x128: {  	s13 =	simm.s32 $0xCA00;
	v3 =	vperm.xlane v3, v2  }
0x129: {  	[hbm4b:s4+s2] =	stream.indirect_vreg.scatter [tilespmem:s13], [sflag:$0x2], $0x80, v4, vm0, $0xb8;
	[tilespmem:$0x10200] =	vst v63  }
0x12a: {  	s29 =	simm.s32 $0xD200;
	v3 =	vadd.s32 v1, v3  }
0x12b: {  	[hbm4b:s5+s2] =	stream.indirect_vreg.scatter [tilespmem:s29], [sflag:$0x2], $0x80, v4, vm0, $0xb8;
	[tilespmem:$0x10200] =	vst v63  }
0x12c: {  	s30 =	simm.s32 $0xDA00  }
0x12d: {  	[hbm4b:s6+s2] =	stream.indirect_vreg.scatter [tilespmem:s30], [sflag:$0x2], $0x80, v4, vm0, $0xb8;
	[tilespmem:$0x10200] =	vst v63  }
0x12e: {  	s29 =	simm.s32 $0xE200  }
0x12f: {  	[hbm4b:s3+s2] =	stream.indirect_vreg.scatter [tilespmem:s29], [sflag:$0x2], $0x80, v3, vm0, $0xb8;
	[tilespmem:$0x10200] =	vst v63  }
0x130: {  	s29 =	simm.s32 $0xEA00  }
0x131: {  	[hbm4b:s4+s2] =	stream.indirect_vreg.scatter [tilespmem:s29], [sflag:$0x2], $0x80, v3, vm0, $0xb8;
	[tilespmem:$0x10200] =	vst v63  }
0x132: {  	s15 =	simm.s32 $0xF200  }
0x133: {  	[hbm4b:s5+s2] =	stream.indirect_vreg.scatter [tilespmem:s15], [sflag:$0x2], $0x80, v3, vm0, $0xb8;
	[tilespmem:$0x10200] =	vst v63  }
0x134: {  	s29 =	simm.s32 $0xFA00  }
0x135: {  	[hbm4b:s6+s2] =	stream.indirect_vreg.scatter [tilespmem:s29], [sflag:$0x2], $0x80, v3, vm0, $0xb8;
	[tilespmem:$0x10200] =	vst v63  }
0x136: {  	v3 =	vld [tilespmem:$0x180];
	_ =	sdelay $0x4  }
0x137: {  	v60 =	vshll.u32 v3, $0x3  }
0x138: {  	v3 =	vand.u32 $0x7, v3;
	v4 =	vand.u32 $0xFFFFFFC0, v60  }
0x139: {  	v3 =	vor.u32 v3, v4  }
0x13a: {  	v4 =	vperm.xlane v3, v0;
	_ =	sdelay $0x1  }
0x13b: {  	v4 =	vadd.s32 v1, v4;
	_ =	sdelay $0x4  }
0x13c: {  	[hbm4b:s3+s2] =	stream.indirect_vreg.scatter [tilespmem:s14], [sflag:$0x3], $0x80, v4, vm0, $0xb8;
	[tilespmem:$0x10200] =	vst v63  }
0x13d: {  	v3 =	vperm.xlane v3, v2;
	s14 =	simm.s32 $0xA00  }
0x13e: {  	[hbm4b:s4+s2] =	stream.indirect_vreg.scatter [tilespmem:s14], [sflag:$0x3], $0x80, v4, vm0, $0xb8;
	[tilespmem:$0x10200] =	vst v63  }
0x13f: {  	s24 =	simm.s32 $0x1200;
	v3 =	vadd.s32 v1, v3  }
0x140: {  	[hbm4b:s5+s2] =	stream.indirect_vreg.scatter [tilespmem:s24], [sflag:$0x3], $0x80, v4, vm0, $0xb8;
	[tilespmem:$0x10200] =	vst v63  }
0x141: {  	_ = 	snop  }
0x142: {  	[hbm4b:s6+s2] =	stream.indirect_vreg.scatter [tilespmem:s8], [sflag:$0x3], $0x80, v4, vm0, $0xb8;
	[tilespmem:$0x10200] =	vst v63  }
0x143: {  	_ = 	snop  }
0x144: {  	[hbm4b:s3+s2] =	stream.indirect_vreg.scatter [tilespmem:s9], [sflag:$0x3], $0x80, v3, vm0, $0xb8;
	[tilespmem:$0x10200] =	vst v63  }
0x145: {  	_ = 	snop  }
0x146: {  	[hbm4b:s4+s2] =	stream.indirect_vreg.scatter [tilespmem:s10], [sflag:$0x3], $0x80, v3, vm0, $0xb8;
	[tilespmem:$0x10200] =	vst v63  }
0x147: {  	_ = 	snop  }
0x148: {  	[hbm4b:s5+s2] =	stream.indirect_vreg.scatter [tilespmem:s11], [sflag:$0x3], $0x80, v3, vm0, $0xb8;
	[tilespmem:$0x10200] =	vst v63  }
0x149: {  	s11 =	simm.s32 $0x3A00  }
0x14a: {  	[hbm4b:s6+s2] =	stream.indirect_vreg.scatter [tilespmem:s11], [sflag:$0x3], $0x80, v3, vm0, $0xb8;
	[tilespmem:$0x10200] =	vst v63  }
0x14b: {  	v3 =	vld [tilespmem:$0x190];
	_ =	sdelay $0x4  }
0x14c: {  	v61 =	vshll.u32 v3, $0x3  }
0x14d: {  	v3 =	vand.u32 $0x7, v3;
	v4 =	vand.u32 $0xFFFFFFC0, v61  }
0x14e: {  	v3 =	vor.u32 v3, v4  }
0x14f: {  	v4 =	vperm.xlane v3, v0;
	_ =	sdelay $0x1  }
0x150: {  	v4 =	vadd.s32 v1, v4;
	_ =	sdelay $0x3  }
0x151: {  	s14 =	simm.s32 $0x4200  }
0x152: {  	[hbm4b:s3+s2] =	stream.indirect_vreg.scatter [tilespmem:s14], [sflag:$0x3], $0x80, v4, vm0, $0xb8;
	[tilespmem:$0x10200] =	vst v63  }
0x153: {  	s31 =	simm.s32 $0x4A00;
	v3 =	vperm.xlane v3, v2  }
0x154: {  	[hbm4b:s4+s2] =	stream.indirect_vreg.scatter [tilespmem:s31], [sflag:$0x3], $0x80, v4, vm0, $0xb8;
	[tilespmem:$0x10200] =	vst v63  }
0x155: {  	v3 =	vadd.s32 v1, v3  }
0x156: {  	[hbm4b:s5+s2] =	stream.indirect_vreg.scatter [tilespmem:s20], [sflag:$0x3], $0x80, v4, vm0, $0xb8;
	[tilespmem:$0x10200] =	vst v63  }
0x157: {  	s17 =	simm.s32 $0x5A00  }
0x158: {  	[hbm4b:s6+s2] =	stream.indirect_vreg.scatter [tilespmem:s17], [sflag:$0x3], $0x80, v4, vm0, $0xb8;
	[tilespmem:$0x10200] =	vst v63  }
0x159: {  	s18 =	simm.s32 $0x6200  }
0x15a: {  	[hbm4b:s3+s2] =	stream.indirect_vreg.scatter [tilespmem:s18], [sflag:$0x3], $0x80, v3, vm0, $0xb8;
	[tilespmem:$0x10200] =	vst v63  }
0x15b: {  	s25 =	simm.s32 $0x6A00  }
0x15c: {  	[hbm4b:s4+s2] =	stream.indirect_vreg.scatter [tilespmem:s25], [sflag:$0x3], $0x80, v3, vm0, $0xb8;
	[tilespmem:$0x10200] =	vst v63  }
0x15d: {  	s19 =	simm.s32 $0x7200  }
0x15e: {  	[hbm4b:s5+s2] =	stream.indirect_vreg.scatter [tilespmem:s19], [sflag:$0x3], $0x80, v3, vm0, $0xb8;
	[tilespmem:$0x10200] =	vst v63  }
0x15f: {  	s18 =	simm.s32 $0x7A00  }
0x160: {  	[hbm4b:s6+s2] =	stream.indirect_vreg.scatter [tilespmem:s18], [sflag:$0x3], $0x80, v3, vm0, $0xb8;
	[tilespmem:$0x10200] =	vst v63  }
0x161: {  	v3 =	vld [tilespmem:$0x1A0];
	_ =	sdelay $0x4  }
0x162: {  	v62 =	vshll.u32 v3, $0x3  }
0x163: {  	v3 =	vand.u32 $0x7, v3;
	v4 =	vand.u32 $0xFFFFFFC0, v62  }
0x164: {  	v3 =	vor.u32 v3, v4  }
0x165: {  	v4 =	vperm.xlane v3, v0;
	_ =	sdelay $0x1  }
0x166: {  	v4 =	vadd.s32 v1, v4;
	_ =	sdelay $0x3  }
0x167: {  	s19 =	simm.s32 $0x8200  }
0x168: {  	[hbm4b:s3+s2] =	stream.indirect_vreg.scatter [tilespmem:s19], [sflag:$0x3], $0x80, v4, vm0, $0xb8;
	[tilespmem:$0x10200] =	vst v63  }
0x169: {  	s20 =	simm.s32 $0x8A00;
	v3 =	vperm.xlane v3, v2  }
0x16a: {  	[hbm4b:s4+s2] =	stream.indirect_vreg.scatter [tilespmem:s20], [sflag:$0x3], $0x80, v4, vm0, $0xb8;
	[tilespmem:$0x10200] =	vst v63  }
0x16b: {  	s21 =	simm.s32 $0x9200;
	v3 =	vadd.s32 v1, v3  }
0x16c: {  	[hbm4b:s5+s2] =	stream.indirect_vreg.scatter [tilespmem:s21], [sflag:$0x3], $0x80, v4, vm0, $0xb8;
	[tilespmem:$0x10200] =	vst v63  }
0x16d: {  	s23 =	simm.s32 $0x9A00  }
0x16e: {  	[hbm4b:s6+s2] =	stream.indirect_vreg.scatter [tilespmem:s23], [sflag:$0x3], $0x80, v4, vm0, $0xb8;
	[tilespmem:$0x10200] =	vst v63  }
0x16f: {  	s16 =	simm.s32 $0xA200  }
0x170: {  	[hbm4b:s3+s2] =	stream.indirect_vreg.scatter [tilespmem:s16], [sflag:$0x3], $0x80, v3, vm0, $0xb8;
	[tilespmem:$0x10200] =	vst v63  }
0x171: {  	s24 =	simm.s32 $0xAA00  }
0x172: {  	[hbm4b:s4+s2] =	stream.indirect_vreg.scatter [tilespmem:s24], [sflag:$0x3], $0x80, v3, vm0, $0xb8;
	[tilespmem:$0x10200] =	vst v63  }
0x173: {  	_ = 	snop  }
0x174: {  	[hbm4b:s5+s2] =	stream.indirect_vreg.scatter [tilespmem:s22], [sflag:$0x3], $0x80, v3, vm0, $0xb8;
	[tilespmem:$0x10200] =	vst v63  }
0x175: {  	s25 =	simm.s32 $0xBA00  }
0x176: {  	[hbm4b:s6+s2] =	stream.indirect_vreg.scatter [tilespmem:s25], [sflag:$0x3], $0x80, v3, vm0, $0xb8;
	[tilespmem:$0x10200] =	vst v63  }
0x177: {  	v3 =	vld [tilespmem:$0x1B0];
	_ =	sdelay $0x4  }
0x178: {  	v63 =	vshll.u32 v3, $0x3  }
0x179: {  	v3 =	vand.u32 $0x7, v3;
	v4 =	vand.u32 $0xFFFFFFC0, v63  }
0x17a: {  	v3 =	vor.u32 v3, v4  }
0x17b: {  	v4 =	vperm.xlane v3, v0;
	_ =	sdelay $0x1  }
0x17c: {  	v4 =	vadd.s32 v1, v4;
	_ =	sdelay $0x4  }
0x17d: {  	[hbm4b:s3+s2] =	stream.indirect_vreg.scatter [tilespmem:s12], [sflag:$0x3], $0x80, v4, vm0, $0xb8;
	[tilespmem:$0x10200] =	vst v63  }
0x17e: {  	v3 =	vperm.xlane v3, v2  }
0x17f: {  	[hbm4b:s4+s2] =	stream.indirect_vreg.scatter [tilespmem:s13], [sflag:$0x3], $0x80, v4, vm0, $0xb8;
	[tilespmem:$0x10200] =	vst v63  }
0x180: {  	s28 =	simm.s32 $0xD200;
	v3 =	vadd.s32 v1, v3  }
0x181: {  	[hbm4b:s5+s2] =	stream.indirect_vreg.scatter [tilespmem:s28], [sflag:$0x3], $0x80, v4, vm0, $0xb8;
	[tilespmem:$0x10200] =	vst v63  }
0x182: {  	s30 =	simm.s32 $0xDA00  }
0x183: {  	[hbm4b:s6+s2] =	stream.indirect_vreg.scatter [tilespmem:s30], [sflag:$0x3], $0x80, v4, vm0, $0xb8;
	[tilespmem:$0x10200] =	vst v63  }
0x184: {  	s30 =	simm.s32 $0xE200  }
0x185: {  	[hbm4b:s3+s2] =	stream.indirect_vreg.scatter [tilespmem:s30], [sflag:$0x3], $0x80, v3, vm0, $0xb8;
	[tilespmem:$0x10200] =	vst v63  }
0x186: {  	s31 =	simm.s32 $0xEA00  }
0x187: {  	[hbm4b:s4+s2] =	stream.indirect_vreg.scatter [tilespmem:s31], [sflag:$0x3], $0x80, v3, vm0, $0xb8;
	[tilespmem:$0x10200] =	vst v63  }
0x188: {  	s15 =	simm.s32 $0xF200  }
0x189: {  	[hbm4b:s5+s2] =	stream.indirect_vreg.scatter [tilespmem:s15], [sflag:$0x3], $0x80, v3, vm0, $0xb8;
	[tilespmem:$0x10200] =	vst v63  }
0x18a: {  	s29 =	simm.s32 $0xFA00  }
0x18b: {  	[hbm4b:s6+s2] =	stream.indirect_vreg.scatter [tilespmem:s29], [sflag:$0x3], $0x80, v3, vm0, $0xb8;
	[tilespmem:$0x10200] =	vst v63  }
0x18c: {  	p0 =	sne.s32 s7, $0x1;
	_ =	swait.ge [sflag:s0], $0x10000  }
.Ltmp0:
0x18d: {  	[sflag:s0] =	ssyncset.done $0x0;
	(pc) =	sbr.rel @p0 .LBB2_1-.Ltmp0, $4  }
0x18e: {  	[sflag:s0] =	ssyncadd.s32 $0xFFFF0000  }
0x18f: {  	_ =	swait.ge [sflag:s1], $0x10000  }
0x190: {  	[sflag:s1] =	ssyncset.done $0x0  }
0x191: {  	s7 =	sadd.s32 $0xFFFFFFFF, s7;
	[sflag:s1] =	ssyncadd.s32 $0xFFFF0000  }
0x192: {  	_ =	sfence.sel $0x180000  }
0x193: {  	[bflag:$0x0] =	sbarrier.arrive $0xFFFF  }
0x194: {  	_ =	strace $0x90000047  }
0x195: {  	s0 =	stileid.u32;
	[bflag:$0x2] =	sbarrier.arrive $0xFFFF  }
0x196: {  	p0 =	sne.s32 s0, $0x0;
	s0 =	rddreg [dreg:$0x2]  }
0x197: {  	s0 =	sadd.s32 @!p0 $0x100000, s0  }
0x198: {  	[sflag:s0] =	ssyncadd.tile.s32 @!p0 $0x1;
	_ =	shalt  }
.Lfunc_end2:
_tile_overlayer_lowered:
.L_overlay_start_2:
0x199: {  	(tag) =	ssettag $0x2  }
0x19a: {  	s0 =	rddreg [dreg:$0x0];
	s2 =	stileid.u32  }
0x19b: {  	s1 =	rddreg [dreg:$0x1];
	p0 =	sne.s32 s2, $0x0  }
0x19c: {  	s3 =	rddreg [dreg:$0x2];
	[bflag:$0x3] =	sbarrier.arrive $0xFFFF;
	s2 =	simm.s32 @!p0 $0x1C04  }
0x19d: {  	[timem:s3], [sflag:s2] =	dma.local @!p0 [hbm:s0], s1  }
0x19e: {  	s0 =	simm.s32 @!p0 $0x4  }
0x19f: {  	_ =	swait.ge @!p0 [sflag:s0], s1  }
0x1a0: {  	s1 =	ssub.s32 @!p0 $0x0, s1;
	[sflag:s0] =	ssyncset.done @!p0 $0x0  }
0x1a1: {  	[sflag:s0] =	ssyncadd.s32 @!p0 s1  }
0x1a2: {  	[bflag:$0x3] =	sbarrier.arrive $0xFFFF  }
0x1a3: {  	_ =	shalt  }

</sc_bundles>
